<compile_context>
chip_gen: v7x
topology: tpu7x:2x2x1
jax: 0.10.2.dev20260603
libtpu: 0.0.44.dev20260713+nightly
codegen_flags: <defaults>
</compile_context>

<pallas_src>
import functools

import jax
import jax.numpy as jnp
from jax import lax
from jax.experimental import pallas as pl
from jax.experimental.pallas import tpu as pltpu
from jax.experimental.pallas import tpu_sc as plsc

_N = 10000
_E = 320000
_XD = 128
_HID = 128
_NCLS = 40

_NC = 2
_NS = 16
_NW = _NC * _NS
_K = 256
_T = 40
_NPAD = _N + 8

_RPS = _N // _NS
_KF = 80
_EPW = _E // _NW
_NCHF = _EPW // _KF
_ZCH = 125
_RBIG = 640
_RLAST = _N - 15 * _RBIG

_BN = 1000


def _worker_chunks(wid):
    qw = 39 * wid + jnp.minimum(wid, 2)
    cw = jnp.where(wid < 2, 40, 39)
    return qw, cw


def _fill(buf, val):
    v = jnp.full((16,), val, buf.dtype)

    @pl.loop(0, _K, step=16)
    def _(g):
        buf[pl.ds(g, 16)] = v


def _pre_body(x_ref, w1_ref, b1_ref, feat_ref, hp_ref):
    h = jnp.dot(x_ref[...], w1_ref[...], preferred_element_type=jnp.float32)
    h = h + b1_ref[...]
    feat_ref[...] = h
    hp_ref[...] = jnp.maximum(h, 0.0)


def _sc_cnt_body(e_hbm, src_out, dst_out, cnt_out,
                 ones_v, zbuf, pbuf, pbuf2, ib0, ib1, ib2, acc_sh,
                 i0, i1, i2, s0, s1, s2, psem):
    c = lax.axis_index("c")
    s = lax.axis_index("s")
    wid = c * _NS + s
    qw, cw = _worker_chunks(wid)
    base = pl.multiple_of(qw * _K, 8)

    def pass_leg(n, inbound):
        for row, buf, out in ((0, pbuf, src_out), (1, pbuf2, dst_out)):
            if inbound:
                pltpu.async_copy(e_hbm.at[row, pl.ds(base, n * _K)],
                                 buf.at[pl.ds(0, n * _K)], psem)
            else:
                pltpu.async_copy(buf.at[pl.ds(0, n * _K)],
                                 out.at[pl.ds(base, n * _K)], psem)

    def pass_wait(n):
        for buf in (pbuf, pbuf2):
            pltpu.make_async_copy(e_hbm.at[0, pl.ds(0, n * _K)],
                                  buf.at[pl.ds(0, n * _K)], psem).wait()

    @pl.when(wid < 2)
    def _():
        pass_leg(40, True)

    @pl.when(wid >= 2)
    def _():
        pass_leg(39, True)

    ov = jnp.ones((16,), jnp.float32)
    zv = jnp.zeros((16,), jnp.float32)

    @pl.loop(0, _K)
    def _(r):
        ones_v[r, pl.ds(0, 16)] = ov

    @pl.loop(0, _ZCH)
    def _(r):
        zbuf[r, pl.ds(0, 16)] = zv

    @pl.when(wid < 2)
    def _():
        pass_wait(40)
        pass_leg(40, False)

    @pl.when(wid >= 2)
    def _():
        pass_wait(39)
        pass_leg(39, False)

    @pl.loop(0, _RPS, step=_ZCH)
    def _(r0):
        pltpu.sync_copy(zbuf, acc_sh.at[pl.ds(s * _RPS + r0, _ZCH), :])

    @pl.when(wid < 2)
    def _():
        pass_wait(40)

    @pl.when(wid >= 2)
    def _():
        pass_wait(39)

    plsc.subcore_barrier()

    ibs = (ib0, ib1, ib2)
    isems = (i0, i1, i2)
    ssems = (s0, s1, s2)

    def load_idx(t, ib, sem):
        off = pl.multiple_of((qw + jnp.minimum(t, _T - 1)) * _K, 8)
        pltpu.async_copy(e_hbm.at[1, pl.ds(off, _K)], ib, sem)

    def wait_idx(ib, sem):
        pltpu.make_async_copy(e_hbm.at[1, pl.ds(0, _K)], ib, sem).wait()

    def start_sc(ib, sem):
        pltpu.async_copy(ones_v, acc_sh.at[ib], sem, add=True)

    def wait_sc(sem):
        pltpu.make_async_copy(ones_v, acc_sh.at[pl.ds(0, _K), :], sem).wait()

    def step(t, sl, first=False, last=False):
        r, r2 = sl, (sl + 2) % 3
        wait_idx(ibs[r], isems[r])

        @pl.when(t >= cw)
        def _():
            _fill(ibs[r], _N)

        start_sc(ibs[r], ssems[r])
        if not first:
            wait_sc(ssems[r2])
        if not last:
            load_idx(t + 2, ibs[r2], isems[r2])

    load_idx(jnp.int32(0), ib0, i0)
    load_idx(jnp.int32(1), ib1, i1)
    step(jnp.int32(0), 0, first=True)

    @pl.loop(0, 12)
    def _(j3):
        t = 3 * j3 + 1
        step(t, 1)
        step(t + 1, 2)
        step(t + 2, 0)

    step(jnp.int32(37), 1)
    step(jnp.int32(38), 2)
    step(jnp.int32(39), 0, last=True)
    wait_idx(ibs[1], isems[1])
    wait_sc(ssems[0])

    plsc.subcore_barrier()

    pltpu.sync_copy(acc_sh.at[pl.ds(s * _RPS, _RPS), :],
                    cnt_out.at[c, pl.ds(s * _RPS, _RPS), :])


def _sc_agg_body(src_hbm, dst_hbm, hp_hbm, out_hbm,
                 sb0, sb1, sb2, db0, db1, db2, rows0, rows1, rows2, acc_sh,
                 i0, i1, i2, g0, g1, g2, s0, s1, s2):
    c = lax.axis_index("c")
    s = lax.axis_index("s")
    wid = c * _NS + s
    base0 = wid * _EPW

    row0 = s * _RBIG
    zv = jnp.zeros((16,), jnp.float32)

    @pl.loop(0, _KF)
    def _(r):
        @pl.loop(0, _HID, step=16)
        def _(c0):
            rows0[r, pl.ds(c0, 16)] = zv

    @pl.when(s < 15)
    def _():
        @pl.loop(0, _RBIG, step=_KF)
        def _(r0):
            pltpu.sync_copy(rows0, acc_sh.at[pl.ds(row0 + r0, _KF), :])

    @pl.when(s == 15)
    def _():
        @pl.loop(0, _RLAST, step=_KF)
        def _(r0):
            pltpu.sync_copy(rows0, acc_sh.at[pl.ds(row0 + r0, _KF), :])

    plsc.subcore_barrier()

    sbs = (sb0, sb1, sb2)
    dbs = (db0, db1, db2)
    bufs = (rows0, rows1, rows2)
    isems = (i0, i1, i2)
    gsems = (g0, g1, g2)
    ssems = (s0, s1, s2)

    def load_idx(t, sb, db, sem):
        off = pl.multiple_of(base0 + jnp.minimum(t, _NCHF - 1) * _KF, 8)
        pltpu.async_copy(src_hbm.at[pl.ds(off, _KF)], sb, sem)
        pltpu.async_copy(dst_hbm.at[pl.ds(off, _KF)], db, sem)

    def wait_idx(sb, db, sem):
        pltpu.make_async_copy(src_hbm.at[pl.ds(0, _KF)], sb, sem).wait()
        pltpu.make_async_copy(dst_hbm.at[pl.ds(0, _KF)], db, sem).wait()

    def start_g(sb, buf, sem):
        pltpu.async_copy(hp_hbm.at[sb], buf, sem)

    def wait_g(buf, sem):
        pltpu.make_async_copy(hp_hbm.at[pl.ds(0, _KF), :], buf, sem).wait()

    def start_sc(buf, db, sem):
        pltpu.async_copy(buf, acc_sh.at[db], sem, add=True)

    def wait_sc(buf, sem):
        pltpu.make_async_copy(buf, acc_sh.at[pl.ds(0, _KF), :], sem).wait()

    def step(t, sl, first=False, last=False):
        r, r1, r2 = sl, (sl + 1) % 3, (sl + 2) % 3
        if not last:
            wait_idx(sbs[r1], dbs[r1], isems[r1])
        if not first:
            wait_sc(bufs[r2], ssems[r2])
        wait_g(bufs[r], gsems[r])
        if not last:
            start_g(sbs[r1], bufs[r1], gsems[r1])
        start_sc(bufs[r], dbs[r], ssems[r])
        if not last:
            load_idx(t + 2, sbs[r2], dbs[r2], isems[r2])

    load_idx(0, sb0, db0, i0)
    wait_idx(sb0, db0, i0)
    load_idx(1, sb1, db1, i1)
    start_g(sb0, rows0, g0)
    step(jnp.int32(0), 0, first=True)

    @pl.loop(0, (_NCHF - 2) // 3)
    def _(j3):
        t = 3 * j3 + 1
        step(t, 1)
        step(t + 1, 2)
        step(t + 2, 0)

    wait_idx(sbs[2], dbs[2], isems[2])
    wait_sc(bufs[0], ssems[0])
    wait_g(bufs[1], gsems[1])
    start_sc(bufs[1], dbs[1], ssems[1])
    wait_sc(bufs[1], ssems[1])

    plsc.subcore_barrier()

    @pl.when(s < 15)
    def _():
        pltpu.sync_copy(acc_sh.at[pl.ds(row0, _RBIG), :],
                        out_hbm.at[c, pl.ds(row0, _RBIG), :])

    @pl.when(s == 15)
    def _():
        pltpu.sync_copy(acc_sh.at[pl.ds(row0, _RLAST), :],
                        out_hbm.at[c, pl.ds(row0, _RLAST), :])


def _root_body(hp_ref, wr_ref, bl_ref, z_ref):
    z_ref[...] = (jnp.dot(hp_ref[...], wr_ref[...],
                          preferred_element_type=jnp.float32) + bl_ref[...])


def _post_body(part_ref, cnt_ref, z_ref, wl_ref, wn_ref,
               out_ref, of_ref):
    agg = part_ref[0] + part_ref[1]
    cnt = cnt_ref[0, :, :1] + cnt_ref[1, :, :1]
    mean = agg / jnp.maximum(cnt, 1.0)
    of = jnp.dot(mean, wl_ref[...], preferred_element_type=jnp.float32)
    of = of + z_ref[...]
    of_ref[...] = of
    nrm = jnp.sqrt(jnp.sum(of * of, axis=1, keepdims=True))
    xn = of / jnp.maximum(nrm, 1e-12)
    w = wn_ref[...]
    wnrm = jnp.sqrt(jnp.sum(w * w, axis=0, keepdims=True))
    wn = w / jnp.maximum(wnrm, 1e-12)
    out_ref[...] = 10.0 * jnp.dot(xn, wn, preferred_element_type=jnp.float32)


@jax.jit
def _run(x, e, W1, b1, Wl, bl, Wr, Wn):
    mesh = plsc.VectorSubcoreMesh(core_axis_name="c", subcore_axis_name="s")

    src1d, dst1d, cnt = pl.kernel(
        _sc_cnt_body,
        out_type=[
            jax.ShapeDtypeStruct((_E,), jnp.int32),
            jax.ShapeDtypeStruct((_E,), jnp.int32),
            jax.ShapeDtypeStruct((_NC, _N, 16), jnp.float32),
        ],
        mesh=mesh,
        compiler_params=pltpu.CompilerParams(use_tc_tiling_on_sc=False),
        scratch_types=[
            pltpu.VMEM((_K, 16), jnp.float32),
            pltpu.VMEM((_ZCH, 16), jnp.float32),
            pltpu.VMEM((40 * _K,), jnp.int32),
            pltpu.VMEM((40 * _K,), jnp.int32),
            pltpu.VMEM((_K,), jnp.int32),
            pltpu.VMEM((_K,), jnp.int32),
            pltpu.VMEM((_K,), jnp.int32),
            pltpu.VMEM_SHARED((_NPAD, 16), jnp.float32),
        ] + [pltpu.SemaphoreType.DMA] * 7,
    )(e)

    feat, hp = pl.pallas_call(
        _pre_body,
        grid=(_N // _BN,),
        in_specs=[
            pl.BlockSpec((_BN, _XD), lambda i: (i, 0)),
            pl.BlockSpec((_XD, _HID), lambda i: (0, 0)),
            pl.BlockSpec((1, _HID), lambda i: (0, 0)),
        ],
        out_specs=[
            pl.BlockSpec((_BN, _HID), lambda i: (i, 0)),
            pl.BlockSpec((_BN, _HID), lambda i: (i, 0)),
        ],
        out_shape=[
            jax.ShapeDtypeStruct((_N, _HID), jnp.float32),
            jax.ShapeDtypeStruct((_N, _HID), jnp.float32),
        ],
    )(x, W1, b1.reshape(1, _HID))

    partials = pl.kernel(
        _sc_agg_body,
        out_type=jax.ShapeDtypeStruct((_NC, _N, _HID), jnp.float32),
        mesh=mesh,
        compiler_params=pltpu.CompilerParams(use_tc_tiling_on_sc=True),
        scratch_types=[
            pltpu.VMEM((_KF,), jnp.int32),
            pltpu.VMEM((_KF,), jnp.int32),
            pltpu.VMEM((_KF,), jnp.int32),
            pltpu.VMEM((_KF,), jnp.int32),
            pltpu.VMEM((_KF,), jnp.int32),
            pltpu.VMEM((_KF,), jnp.int32),
            pltpu.VMEM((_KF, _HID), jnp.float32),
            pltpu.VMEM((_KF, _HID), jnp.float32),
            pltpu.VMEM((_KF, _HID), jnp.float32),
            pltpu.VMEM_SHARED((_N, _HID), jnp.float32),
        ] + [pltpu.SemaphoreType.DMA] * 9,
    )(src1d, dst1d, hp)

    z = pl.pallas_call(
        _root_body,
        grid=(_N // _BN,),
        in_specs=[
            pl.BlockSpec((_BN, _HID), lambda i: (i, 0)),
            pl.BlockSpec((_HID, _HID), lambda i: (0, 0)),
            pl.BlockSpec((1, _HID), lambda i: (0, 0)),
        ],
        out_specs=pl.BlockSpec((_BN, _HID), lambda i: (i, 0)),
        out_shape=jax.ShapeDtypeStruct((_N, _HID), jnp.float32),
    )(hp, Wr, bl.reshape(1, _HID))

    out, out_feat = pl.pallas_call(
        _post_body,
        grid=(_N // _BN,),
        in_specs=[
            pl.BlockSpec((_NC, _BN, _HID), lambda i: (0, i, 0)),
            pl.BlockSpec((_NC, _BN, 16), lambda i: (0, i, 0)),
            pl.BlockSpec((_BN, _HID), lambda i: (i, 0)),
            pl.BlockSpec((_HID, _HID), lambda i: (0, 0)),
            pl.BlockSpec((_HID, _NCLS), lambda i: (0, 0)),
        ],
        out_specs=[
            pl.BlockSpec((_BN, _NCLS), lambda i: (i, 0)),
            pl.BlockSpec((_BN, _HID), lambda i: (i, 0)),
        ],
        out_shape=[
            jax.ShapeDtypeStruct((_N, _NCLS), jnp.float32),
            jax.ShapeDtypeStruct((_N, _HID), jnp.float32),
        ],
    )(partials, cnt, z, Wl, Wn)

    return out, feat, out_feat


def kernel(x, edge_index, W1, b1, Wl, bl, Wr, Wn):
    return _run(x, edge_index.astype(jnp.int32), W1, b1, Wl, bl, Wr, Wn)

# --- scband reference (transcript-rebuilt; emitter-appended) ---
"""Pipeline reference for scband-encoder-1176821039646 (READ-ONLY COPY).

The authoritative reference and input builder live on the scoring server;
editing this copy changes nothing except your own understanding.
"""

import jax, jax.numpy as jnp
import numpy as np

N = 10000
E = 320000
X_DIM = 128
HID = 128
NUM_CLS = 40


def setup_inputs(seed: int = 0) -> dict:
    key = jax.random.key(seed)
    ks = jax.random.split(key, 8)
    x = jax.random.normal(ks[0], (N, X_DIM), dtype=jnp.float32)
    edge_index = jax.random.randint(ks[1], (2, E), 0, N)
    # conv1: Linear(x_dim, hid_dim)
    W1 = jax.random.normal(ks[2], (X_DIM, HID), dtype=jnp.float32) * (1.0 / np.sqrt(X_DIM))
    b1 = jnp.zeros((HID,), dtype=jnp.float32)
    # SAGEConv(hid, hid): lin_l (aggregated neighbors, with bias), lin_r (root, no bias)
    Wl = jax.random.normal(ks[3], (HID, HID), dtype=jnp.float32) * (1.0 / np.sqrt(HID))
    bl = jnp.zeros((HID,), dtype=jnp.float32)
    Wr = jax.random.normal(ks[4], (HID, HID), dtype=jnp.float32) * (1.0 / np.sqrt(HID))
    # NormedLinear weight [hid, num_cls]
    Wn = jax.random.uniform(ks[5], (HID, NUM_CLS), dtype=jnp.float32, minval=-1.0, maxval=1.0)
    return {"x": x, "edge_index": edge_index, "W1": W1, "b1": b1, "Wl": Wl, "bl": bl, "Wr": Wr, "Wn": Wn}


def reference(x, edge_index, W1, b1, Wl, bl, Wr, Wn):
    # conv1
    h = x @ W1 + b1
    feat = h
    hr = jax.nn.relu(h)
    # SAGEConv with mean aggregation: out = lin_l(mean_{j->i} h_j) + lin_r(h_i)
    src = edge_index[0]
    dst = edge_index[1]
    msg = jnp.take(hr, src, axis=0)
    agg = jax.ops.segment_sum(msg, dst, num_segments=N)
    cnt = jax.ops.segment_sum(jnp.ones((E,), dtype=hr.dtype), dst, num_segments=N)
    mean = agg / jnp.clip(cnt, 1.0)[:, None]
    out_feat = mean @ Wl + bl + hr @ Wr
    # NormedLinear: 10 * normalize(x, dim=1) @ normalize(W, dim=0)
    xn = out_feat / jnp.maximum(jnp.linalg.norm(out_feat, axis=1, keepdims=True), 1e-12)
    wn = Wn / jnp.maximum(jnp.linalg.norm(Wn, axis=0, keepdims=True), 1e-12)
    out = 10.0 * (xn @ wn)
    return (out, feat, out_feat)

if __name__ == "__main__":
    import jax
    _d = setup_inputs()
    print(jax.jit(kernel)(*tuple(_d.values())))

</pallas_src>

<mosaic_0001>
#map = affine_map<(d0, d1) -> (0)>
#map1 = affine_map<(d0, d1) -> (0, 0)>
#map2 = affine_map<(d0, d1) -> (0, 0, 0)>
module attributes {stable_mosaic.version = 14 : i64} {
  func.func @_sc_agg_body(%arg0: i32, %arg1: i32, %arg2: memref<320000xi32, #tpu.memory_space<hbm>>, %arg3: memref<320000xi32, #tpu.memory_space<hbm>>, %arg4: memref<10000x128xf32, #tpu.memory_space<hbm>>, %arg5: memref<2x10000x128xf32, #tpu.memory_space<hbm>>, %arg6: memref<80xi32, #tpu.memory_space<vmem>>, %arg7: memref<80xi32, #tpu.memory_space<vmem>>, %arg8: memref<80xi32, #tpu.memory_space<vmem>>, %arg9: memref<80xi32, #tpu.memory_space<vmem>>, %arg10: memref<80xi32, #tpu.memory_space<vmem>>, %arg11: memref<80xi32, #tpu.memory_space<vmem>>, %arg12: memref<80x128xf32, #tpu.memory_space<vmem>>, %arg13: memref<80x128xf32, #tpu.memory_space<vmem>>, %arg14: memref<80x128xf32, #tpu.memory_space<vmem>>, %arg15: memref<10000x128xf32, #tpu.memory_space<vmem_shared>>, %arg16: memref<!tpu.dma_semaphore, #tpu.memory_space<semaphore_mem>>, %arg17: memref<!tpu.dma_semaphore, #tpu.memory_space<semaphore_mem>>, %arg18: memref<!tpu.dma_semaphore, #tpu.memory_space<semaphore_mem>>, %arg19: memref<!tpu.dma_semaphore, #tpu.memory_space<semaphore_mem>>, %arg20: memref<!tpu.dma_semaphore, #tpu.memory_space<semaphore_mem>>, %arg21: memref<!tpu.dma_semaphore, #tpu.memory_space<semaphore_mem>>, %arg22: memref<!tpu.dma_semaphore, #tpu.memory_space<semaphore_mem>>, %arg23: memref<!tpu.dma_semaphore, #tpu.memory_space<semaphore_mem>>, %arg24: memref<!tpu.dma_semaphore, #tpu.memory_space<semaphore_mem>>) attributes {dimension_semantics = [#tpu.dimension_semantics<core_parallel>, #tpu.dimension_semantics<subcore_parallel>], iteration_bounds = array<i64: 2, 16>, scalar_prefetch = 0 : i64, scratch_operands = 19 : i64, tpu.core_type = #tpu.core_type<sc_vector_subcore>, window_params = [{transform_indices = #map}, {transform_indices = #map}, {transform_indices = #map1}, {transform_indices = #map2}]} {
    %mul3A = arith.constant 16 : i32
    %mul3A_0 = arith.muli %arg0, %mul3A : i32
    %add3A = arith.addi %mul3A_0, %arg1 : i32
    %mul3A_1 = arith.constant 10000 : i32
    %mul3A_2 = arith.muli %add3A, %mul3A_1 : i32
    %mul3A_3 = arith.constant 640 : i32
    %mul3A_4 = arith.muli %arg1, %mul3A_3 : i32
    %broadcast_in_dim3A = arith.constant 0.000000e+00 : f32
    %broadcast_in_dim3A_5 = vector.broadcast %broadcast_in_dim3A : f32 to vector<16xf32>
    %scan3A = arith.constant 0 : i32
    %scan3A_6 = arith.constant 80 : i32
    %scan3A_7 = arith.addi %scan3A, %scan3A_6 : i32
    %scan3A_8 = arith.constant 1 : i32
    scf.for %scan3A_123 = %scan3A to %scan3A_7 step %scan3A_8  : i32 {
      %mul3A_124 = arith.constant 1 : i32
      %mul3A_125 = arith.muli %scan3A_123, %mul3A_124 : i32
      %add3A_126 = arith.constant 0 : i32
      %add3A_127 = arith.addi %add3A_126, %mul3A_125 : i32
      %scan3A_128 = arith.constant 0 : i32
      %scan3A_129 = arith.constant 8 : i32
      %scan3A_130 = arith.addi %scan3A_128, %scan3A_129 : i32
      %scan3A_131 = arith.constant 1 : i32
      scf.for %scan3A_133 = %scan3A_128 to %scan3A_130 step %scan3A_131  : i32 {
        %mul3A_134 = arith.constant 16 : i32
        %mul3A_135 = arith.muli %scan3A_133, %mul3A_134 : i32
        %add3A_136 = arith.constant 0 : i32
        %add3A_137 = arith.addi %add3A_136, %mul3A_135 : i32
        %swap3A = arith.index_cast %add3A_127 : i32 to index
        %swap3A_138 = arith.index_cast %add3A_137 : i32 to index
        %swap3A_139 = tpu.vector_load %arg12[%swap3A, %swap3A_138] {strides = array<i32>} : memref<80x128xf32, #tpu.memory_space<vmem>>, vector<1x16xf32>,
        %swap3A_140 = vector.shape_cast %swap3A_139 : vector<1x16xf32> to vector<16xf32>
        %swap3A_141 = vector.shape_cast %broadcast_in_dim3A_5 : vector<16xf32> to vector<1x16xf32>
        tpu.vector_store %arg12[%swap3A, %swap3A_138], %swap3A_141 {strides = array<i32>} : memref<80x128xf32, #tpu.memory_space<vmem>>, vector<1x16xf32>,
      }
      %scan3A_132 = arith.constant 8 : i32
    }
    %scan3A_9 = arith.constant 80 : i32
    %lt3A = arith.constant 15 : i32
    %lt3A_10 = arith.cmpi slt, %arg1, %lt3A : i32
    %convert_element_type3A = arith.extui %lt3A_10 : i1 to i32
    %cond3A = arith.constant 0 : i32
    %cond3A_11 = arith.cmpi ne, %convert_element_type3A, %cond3A : i32
    scf.if %cond3A_11 {
      %scan3A_123 = arith.constant 0 : i32
      %scan3A_124 = arith.constant 8 : i32
      %scan3A_125 = arith.addi %scan3A_123, %scan3A_124 : i32
      %scan3A_126 = arith.constant 1 : i32
      scf.for %scan3A_128 = %scan3A_123 to %scan3A_125 step %scan3A_126  : i32 {
        %mul3A_129 = arith.constant 80 : i32
        %mul3A_130 = arith.muli %scan3A_128, %mul3A_129 : i32
        %add3A_131 = arith.constant 0 : i32
        %add3A_132 = arith.addi %add3A_131, %mul3A_130 : i32
        %add3A_133 = arith.addi %mul3A_4, %add3A_132 : i32
        "tpu.region"() ({
          %run_scoped3A = tpu.sem_alloc : memref<!tpu.dma_semaphore, #tpu.memory_space<semaphore_mem>>
          %dma_start3A_134 = arith.constant 0 : i32
          %dma_start3A_135 = tpu.memref_slice %arg15[%add3A_133, %dma_start3A_134] : memref<10000x128xf32, #tpu.memory_space<vmem_shared>> -> memref<80x128xf32, #tpu.memory_space<vmem_shared>>
          %dma_start3A_136 = arith.constant 0 : i32
          %dma_start3A_137 = tpu.memref_slice %arg15[%add3A_133, %dma_start3A_136] : memref<10000x128xf32, #tpu.memory_space<vmem_shared>> -> memref<80x128xf32, #tpu.memory_space<vmem_shared>>
          tpu.enqueue_dma source(%arg12 : memref<80x128xf32, #tpu.memory_space<vmem>>) target(%dma_start3A_137 : memref<80x128xf32, #tpu.memory_space<vmem_shared>>) target_semaphore(%run_scoped3A : memref<!tpu.dma_semaphore, #tpu.memory_space<semaphore_mem>>)
          %dma_wait3A_138 = arith.constant 0 : i32
          %dma_wait3A_139 = tpu.memref_slice %arg15[%add3A_133, %dma_wait3A_138] : memref<10000x128xf32, #tpu.memory_space<vmem_shared>> -> memref<80x128xf32, #tpu.memory_space<vmem_shared>>
          %dma_wait3A_140 = arith.constant 0 : i32
          %dma_wait3A_141 = tpu.memref_slice %arg15[%add3A_133, %dma_wait3A_140] : memref<10000x128xf32, #tpu.memory_space<vmem_shared>> -> memref<80x128xf32, #tpu.memory_space<vmem_shared>>
          tpu.wait_dma2 semaphore(%run_scoped3A : memref<!tpu.dma_semaphore, #tpu.memory_space<semaphore_mem>>) src(%arg12 : memref<80x128xf32, #tpu.memory_space<vmem>>) dst(%dma_wait3A_141 : memref<80x128xf32, #tpu.memory_space<vmem_shared>>)
          tpu.yield
        }) : () -> ()
      }
      %scan3A_127 = arith.constant 8 : i32
    } else {
    }
    %eq3A = arith.constant 15 : i32
    %eq3A_12 = arith.cmpi eq, %arg1, %eq3A : i32
    %convert_element_type3A_13 = arith.extui %eq3A_12 : i1 to i32
    %cond3A_14 = arith.constant 0 : i32
    %cond3A_15 = arith.cmpi ne, %convert_element_type3A_13, %cond3A_14 : i32
    scf.if %cond3A_15 {
      %scan3A_123 = arith.constant 0 : i32
      %scan3A_124 = arith.constant 5 : i32
      %scan3A_125 = arith.addi %scan3A_123, %scan3A_124 : i32
      %scan3A_126 = arith.constant 1 : i32
      scf.for %scan3A_128 = %scan3A_123 to %scan3A_125 step %scan3A_126  : i32 {
        %mul3A_129 = arith.constant 80 : i32
        %mul3A_130 = arith.muli %scan3A_128, %mul3A_129 : i32
        %add3A_131 = arith.constant 0 : i32
        %add3A_132 = arith.addi %add3A_131, %mul3A_130 : i32
        %add3A_133 = arith.addi %mul3A_4, %add3A_132 : i32
        "tpu.region"() ({
          %run_scoped3A = tpu.sem_alloc : memref<!tpu.dma_semaphore, #tpu.memory_space<semaphore_mem>>
          %dma_start3A_134 = arith.constant 0 : i32
          %dma_start3A_135 = tpu.memref_slice %arg15[%add3A_133, %dma_start3A_134] : memref<10000x128xf32, #tpu.memory_space<vmem_shared>> -> memref<80x128xf32, #tpu.memory_space<vmem_shared>>
          %dma_start3A_136 = arith.constant 0 : i32
          %dma_start3A_137 = tpu.memref_slice %arg15[%add3A_133, %dma_start3A_136] : memref<10000x128xf32, #tpu.memory_space<vmem_shared>> -> memref<80x128xf32, #tpu.memory_space<vmem_shared>>
          tpu.enqueue_dma source(%arg12 : memref<80x128xf32, #tpu.memory_space<vmem>>) target(%dma_start3A_137 : memref<80x128xf32, #tpu.memory_space<vmem_shared>>) target_semaphore(%run_scoped3A : memref<!tpu.dma_semaphore, #tpu.memory_space<semaphore_mem>>)
          %dma_wait3A_138 = arith.constant 0 : i32
          %dma_wait3A_139 = tpu.memref_slice %arg15[%add3A_133, %dma_wait3A_138] : memref<10000x128xf32, #tpu.memory_space<vmem_shared>> -> memref<80x128xf32, #tpu.memory_space<vmem_shared>>
          %dma_wait3A_140 = arith.constant 0 : i32
          %dma_wait3A_141 = tpu.memref_slice %arg15[%add3A_133, %dma_wait3A_140] : memref<10000x128xf32, #tpu.memory_space<vmem_shared>> -> memref<80x128xf32, #tpu.memory_space<vmem_shared>>
          tpu.wait_dma2 semaphore(%run_scoped3A : memref<!tpu.dma_semaphore, #tpu.memory_space<semaphore_mem>>) src(%arg12 : memref<80x128xf32, #tpu.memory_space<vmem>>) dst(%dma_wait3A_141 : memref<80x128xf32, #tpu.memory_space<vmem_shared>>)
          tpu.yield
        }) : () -> ()
      }
      %scan3A_127 = arith.constant 5 : i32
    } else {
    }
    %barrier3A = arith.constant 0 : index
    tpu.barrier barrier_id(%barrier3A)
    %min3A = arith.constant 0 : i32
    %min3A_16 = arith.constant 124 : i32
    %min3A_17 = arith.minsi %min3A, %min3A_16 : i32
    %mul3A_18 = arith.constant 80 : i32
    %mul3A_19 = arith.muli %min3A_17, %mul3A_18 : i32
    %add3A_20 = arith.addi %mul3A_2, %mul3A_19 : i32
    %multiple_of3A = tpu.assume_multiple %add3A_20, 8 : i32
    %dma_start3A = tpu.memref_slice %arg2[%multiple_of3A] : memref<320000xi32, #tpu.memory_space<hbm>> -> memref<80xi32, #tpu.memory_space<hbm>>
    %dma_start3A_21 = tpu.memref_slice %arg2[%multiple_of3A] : memref<320000xi32, #tpu.memory_space<hbm>> -> memref<80xi32, #tpu.memory_space<hbm>>
    tpu.enqueue_dma source(%dma_start3A_21 : memref<80xi32, #tpu.memory_space<hbm>>) target(%arg6 : memref<80xi32, #tpu.memory_space<vmem>>) target_semaphore(%arg16 : memref<!tpu.dma_semaphore, #tpu.memory_space<semaphore_mem>>)
    %dma_start3A_22 = tpu.memref_slice %arg3[%multiple_of3A] : memref<320000xi32, #tpu.memory_space<hbm>> -> memref<80xi32, #tpu.memory_space<hbm>>
    %dma_start3A_23 = tpu.memref_slice %arg3[%multiple_of3A] : memref<320000xi32, #tpu.memory_space<hbm>> -> memref<80xi32, #tpu.memory_space<hbm>>
    tpu.enqueue_dma source(%dma_start3A_23 : memref<80xi32, #tpu.memory_space<hbm>>) target(%arg9 : memref<80xi32, #tpu.memory_space<vmem>>) target_semaphore(%arg16 : memref<!tpu.dma_semaphore, #tpu.memory_space<semaphore_mem>>)
    %dma_wait3A = arith.constant 0 : i32
    %dma_wait3A_24 = tpu.memref_slice %arg2[%dma_wait3A] : memref<320000xi32, #tpu.memory_space<hbm>> -> memref<80xi32, #tpu.memory_space<hbm>>
    %dma_wait3A_25 = arith.constant 0 : i32
    %dma_wait3A_26 = tpu.memref_slice %arg2[%dma_wait3A_25] : memref<320000xi32, #tpu.memory_space<hbm>> -> memref<80xi32, #tpu.memory_space<hbm>>
    tpu.wait_dma2 semaphore(%arg16 : memref<!tpu.dma_semaphore, #tpu.memory_space<semaphore_mem>>) src(%dma_wait3A_26 : memref<80xi32, #tpu.memory_space<hbm>>) dst(%arg6 : memref<80xi32, #tpu.memory_space<vmem>>)
    %dma_wait3A_27 = arith.constant 0 : i32
    %dma_wait3A_28 = tpu.memref_slice %arg3[%dma_wait3A_27] : memref<320000xi32, #tpu.memory_space<hbm>> -> memref<80xi32, #tpu.memory_space<hbm>>
    %dma_wait3A_29 = arith.constant 0 : i32
    %dma_wait3A_30 = tpu.memref_slice %arg3[%dma_wait3A_29] : memref<320000xi32, #tpu.memory_space<hbm>> -> memref<80xi32, #tpu.memory_space<hbm>>
    tpu.wait_dma2 semaphore(%arg16 : memref<!tpu.dma_semaphore, #tpu.memory_space<semaphore_mem>>) src(%dma_wait3A_30 : memref<80xi32, #tpu.memory_space<hbm>>) dst(%arg9 : memref<80xi32, #tpu.memory_space<vmem>>)
    %min3A_31 = arith.constant 1 : i32
    %min3A_32 = arith.constant 124 : i32
    %min3A_33 = arith.minsi %min3A_31, %min3A_32 : i32
    %mul3A_34 = arith.constant 80 : i32
    %mul3A_35 = arith.muli %min3A_33, %mul3A_34 : i32
    %add3A_36 = arith.addi %mul3A_2, %mul3A_35 : i32
    %multiple_of3A_37 = tpu.assume_multiple %add3A_36, 8 : i32
    %dma_start3A_38 = tpu.memref_slice %arg2[%multiple_of3A_37] : memref<320000xi32, #tpu.memory_space<hbm>> -> memref<80xi32, #tpu.memory_space<hbm>>
    %dma_start3A_39 = tpu.memref_slice %arg2[%multiple_of3A_37] : memref<320000xi32, #tpu.memory_space<hbm>> -> memref<80xi32, #tpu.memory_space<hbm>>
    tpu.enqueue_dma source(%dma_start3A_39 : memref<80xi32, #tpu.memory_space<hbm>>) target(%arg7 : memref<80xi32, #tpu.memory_space<vmem>>) target_semaphore(%arg17 : memref<!tpu.dma_semaphore, #tpu.memory_space<semaphore_mem>>)
    %dma_start3A_40 = tpu.memref_slice %arg3[%multiple_of3A_37] : memref<320000xi32, #tpu.memory_space<hbm>> -> memref<80xi32, #tpu.memory_space<hbm>>
    %dma_start3A_41 = tpu.memref_slice %arg3[%multiple_of3A_37] : memref<320000xi32, #tpu.memory_space<hbm>> -> memref<80xi32, #tpu.memory_space<hbm>>
    tpu.enqueue_dma source(%dma_start3A_41 : memref<80xi32, #tpu.memory_space<hbm>>) target(%arg10 : memref<80xi32, #tpu.memory_space<vmem>>) target_semaphore(%arg17 : memref<!tpu.dma_semaphore, #tpu.memory_space<semaphore_mem>>)
    %dma_start3A_42 = arith.constant 0 : i32
    %dma_start3A_43 = arith.constant 0 : i32
    %dma_start3A_44 = tpu.memref_slice %arg4[%dma_start3A_42, %dma_start3A_43] : memref<10000x128xf32, #tpu.memory_space<hbm>> -> memref<10000x128xf32, #tpu.memory_space<hbm>>
    tpu.enqueue_indirect_dma source(%dma_start3A_44 : memref<10000x128xf32, #tpu.memory_space<hbm>>) target(%arg12 : memref<80x128xf32, #tpu.memory_space<vmem>>) offsets(%arg6 : memref<80xi32, #tpu.memory_space<vmem>>) semaphore(%arg19 : memref<!tpu.dma_semaphore, #tpu.memory_space<semaphore_mem>>)
    %dma_wait3A_45 = arith.constant 0 : i32
    %dma_wait3A_46 = tpu.memref_slice %arg2[%dma_wait3A_45] : memref<320000xi32, #tpu.memory_space<hbm>> -> memref<80xi32, #tpu.memory_space<hbm>>
    %dma_wait3A_47 = arith.constant 0 : i32
    %dma_wait3A_48 = tpu.memref_slice %arg2[%dma_wait3A_47] : memref<320000xi32, #tpu.memory_space<hbm>> -> memref<80xi32, #tpu.memory_space<hbm>>
    tpu.wait_dma2 semaphore(%arg17 : memref<!tpu.dma_semaphore, #tpu.memory_space<semaphore_mem>>) src(%dma_wait3A_48 : memref<80xi32, #tpu.memory_space<hbm>>) dst(%arg7 : memref<80xi32, #tpu.memory_space<vmem>>)
    %dma_wait3A_49 = arith.constant 0 : i32
    %dma_wait3A_50 = tpu.memref_slice %arg3[%dma_wait3A_49] : memref<320000xi32, #tpu.memory_space<hbm>> -> memref<80xi32, #tpu.memory_space<hbm>>
    %dma_wait3A_51 = arith.constant 0 : i32
    %dma_wait3A_52 = tpu.memref_slice %arg3[%dma_wait3A_51] : memref<320000xi32, #tpu.memory_space<hbm>> -> memref<80xi32, #tpu.memory_space<hbm>>
    tpu.wait_dma2 semaphore(%arg17 : memref<!tpu.dma_semaphore, #tpu.memory_space<semaphore_mem>>) src(%dma_wait3A_52 : memref<80xi32, #tpu.memory_space<hbm>>) dst(%arg10 : memref<80xi32, #tpu.memory_space<vmem>>)
    %dma_wait3A_53 = arith.constant 0 : i32
    %dma_wait3A_54 = arith.constant 0 : i32
    %dma_wait3A_55 = tpu.memref_slice %arg4[%dma_wait3A_53, %dma_wait3A_54] : memref<10000x128xf32, #tpu.memory_space<hbm>> -> memref<80x128xf32, #tpu.memory_space<hbm>>
    %dma_wait3A_56 = arith.constant 0 : i32
    %dma_wait3A_57 = arith.constant 0 : i32
    %dma_wait3A_58 = tpu.memref_slice %arg4[%dma_wait3A_56, %dma_wait3A_57] : memref<10000x128xf32, #tpu.memory_space<hbm>> -> memref<80x128xf32, #tpu.memory_space<hbm>>
    tpu.wait_dma2 semaphore(%arg19 : memref<!tpu.dma_semaphore, #tpu.memory_space<semaphore_mem>>) src(%dma_wait3A_58 : memref<80x128xf32, #tpu.memory_space<hbm>>) dst(%arg12 : memref<80x128xf32, #tpu.memory_space<vmem>>)
    %dma_start3A_59 = arith.constant 0 : i32
    %dma_start3A_60 = arith.constant 0 : i32
    %dma_start3A_61 = tpu.memref_slice %arg4[%dma_start3A_59, %dma_start3A_60] : memref<10000x128xf32, #tpu.memory_space<hbm>> -> memref<10000x128xf32, #tpu.memory_space<hbm>>
    tpu.enqueue_indirect_dma source(%dma_start3A_61 : memref<10000x128xf32, #tpu.memory_space<hbm>>) target(%arg13 : memref<80x128xf32, #tpu.memory_space<vmem>>) offsets(%arg7 : memref<80xi32, #tpu.memory_space<vmem>>) semaphore(%arg20 : memref<!tpu.dma_semaphore, #tpu.memory_space<semaphore_mem>>)
    %dma_start3A_62 = arith.constant 0 : i32
    %dma_start3A_63 = arith.constant 0 : i32
    %dma_start3A_64 = tpu.memref_slice %arg15[%dma_start3A_62, %dma_start3A_63] : memref<10000x128xf32, #tpu.memory_space<vmem_shared>> -> memref<10000x128xf32, #tpu.memory_space<vmem_shared>>
    tpu.enqueue_indirect_dma source(%arg12 : memref<80x128xf32, #tpu.memory_space<vmem>>) target(%dma_start3A_64 : memref<10000x128xf32, #tpu.memory_space<vmem_shared>>) offsets(%arg9 : memref<80xi32, #tpu.memory_space<vmem>>) semaphore(%arg22 : memref<!tpu.dma_semaphore, #tpu.memory_space<semaphore_mem>>) {add = true}
    %add3A_65 = arith.constant 0 : i32
    %add3A_66 = arith.constant 2 : i32
    %add3A_67 = arith.addi %add3A_65, %add3A_66 : i32
    %min3A_68 = arith.constant 124 : i32
    %min3A_69 = arith.minsi %add3A_67, %min3A_68 : i32
    %mul3A_70 = arith.constant 80 : i32
    %mul3A_71 = arith.muli %min3A_69, %mul3A_70 : i32
    %add3A_72 = arith.addi %mul3A_2, %mul3A_71 : i32
    %multiple_of3A_73 = tpu.assume_multiple %add3A_72, 8 : i32
    %dma_start3A_74 = tpu.memref_slice %arg2[%multiple_of3A_73] : memref<320000xi32, #tpu.memory_space<hbm>> -> memref<80xi32, #tpu.memory_space<hbm>>
    %dma_start3A_75 = tpu.memref_slice %arg2[%multiple_of3A_73] : memref<320000xi32, #tpu.memory_space<hbm>> -> memref<80xi32, #tpu.memory_space<hbm>>
    tpu.enqueue_dma source(%dma_start3A_75 : memref<80xi32, #tpu.memory_space<hbm>>) target(%arg8 : memref<80xi32, #tpu.memory_space<vmem>>) target_semaphore(%arg18 : memref<!tpu.dma_semaphore, #tpu.memory_space<semaphore_mem>>)
    %dma_start3A_76 = tpu.memref_slice %arg3[%multiple_of3A_73] : memref<320000xi32, #tpu.memory_space<hbm>> -> memref<80xi32, #tpu.memory_space<hbm>>
    %dma_start3A_77 = tpu.memref_slice %arg3[%multiple_of3A_73] : memref<320000xi32, #tpu.memory_space<hbm>> -> memref<80xi32, #tpu.memory_space<hbm>>
    tpu.enqueue_dma source(%dma_start3A_77 : memref<80xi32, #tpu.memory_space<hbm>>) target(%arg11 : memref<80xi32, #tpu.memory_space<vmem>>) target_semaphore(%arg18 : memref<!tpu.dma_semaphore, #tpu.memory_space<semaphore_mem>>)
    %scan3A_78 = arith.constant 0 : i32
    %scan3A_79 = arith.constant 41 : i32
    %scan3A_80 = arith.addi %scan3A_78, %scan3A_79 : i32
    %scan3A_81 = arith.constant 1 : i32
    scf.for %scan3A_123 = %scan3A_78 to %scan3A_80 step %scan3A_81  : i32 {
      %mul3A_124 = arith.constant 1 : i32
      %mul3A_125 = arith.muli %scan3A_123, %mul3A_124 : i32
      %add3A_126 = arith.constant 0 : i32
      %add3A_127 = arith.addi %add3A_126, %mul3A_125 : i32
      %mul3A_128 = arith.constant 3 : i32
      %mul3A_129 = arith.muli %mul3A_128, %add3A_127 : i32
      %add3A_130 = arith.constant 1 : i32
      %add3A_131 = arith.addi %mul3A_129, %add3A_130 : i32
      %dma_wait3A_132 = arith.constant 0 : i32
      %dma_wait3A_133 = tpu.memref_slice %arg2[%dma_wait3A_132] : memref<320000xi32, #tpu.memory_space<hbm>> -> memref<80xi32, #tpu.memory_space<hbm>>
      %dma_wait3A_134 = arith.constant 0 : i32
      %dma_wait3A_135 = tpu.memref_slice %arg2[%dma_wait3A_134] : memref<320000xi32, #tpu.memory_space<hbm>> -> memref<80xi32, #tpu.memory_space<hbm>>
      tpu.wait_dma2 semaphore(%arg18 : memref<!tpu.dma_semaphore, #tpu.memory_space<semaphore_mem>>) src(%dma_wait3A_135 : memref<80xi32, #tpu.memory_space<hbm>>) dst(%arg8 : memref<80xi32, #tpu.memory_space<vmem>>)
      %dma_wait3A_136 = arith.constant 0 : i32
      %dma_wait3A_137 = tpu.memref_slice %arg3[%dma_wait3A_136] : memref<320000xi32, #tpu.memory_space<hbm>> -> memref<80xi32, #tpu.memory_space<hbm>>
      %dma_wait3A_138 = arith.constant 0 : i32
      %dma_wait3A_139 = tpu.memref_slice %arg3[%dma_wait3A_138] : memref<320000xi32, #tpu.memory_space<hbm>> -> memref<80xi32, #tpu.memory_space<hbm>>
      tpu.wait_dma2 semaphore(%arg18 : memref<!tpu.dma_semaphore, #tpu.memory_space<semaphore_mem>>) src(%dma_wait3A_139 : memref<80xi32, #tpu.memory_space<hbm>>) dst(%arg11 : memref<80xi32, #tpu.memory_space<vmem>>)
      %dma_wait3A_140 = arith.constant 0 : i32
      %dma_wait3A_141 = arith.constant 0 : i32
      %dma_wait3A_142 = tpu.memref_slice %arg15[%dma_wait3A_140, %dma_wait3A_141] : memref<10000x128xf32, #tpu.memory_space<vmem_shared>> -> memref<80x128xf32, #tpu.memory_space<vmem_shared>>
      %dma_wait3A_143 = arith.constant 0 : i32
      %dma_wait3A_144 = arith.constant 0 : i32
      %dma_wait3A_145 = tpu.memref_slice %arg15[%dma_wait3A_143, %dma_wait3A_144] : memref<10000x128xf32, #tpu.memory_space<vmem_shared>> -> memref<80x128xf32, #tpu.memory_space<vmem_shared>>
      tpu.wait_dma2 semaphore(%arg22 : memref<!tpu.dma_semaphore, #tpu.memory_space<semaphore_mem>>) src(%arg12 : memref<80x128xf32, #tpu.memory_space<vmem>>) dst(%dma_wait3A_145 : memref<80x128xf32, #tpu.memory_space<vmem_shared>>)
      %dma_wait3A_146 = arith.constant 0 : i32
      %dma_wait3A_147 = arith.constant 0 : i32
      %dma_wait3A_148 = tpu.memref_slice %arg4[%dma_wait3A_146, %dma_wait3A_147] : memref<10000x128xf32, #tpu.memory_space<hbm>> -> memref<80x128xf32, #tpu.memory_space<hbm>>
      %dma_wait3A_149 = arith.constant 0 : i32
      %dma_wait3A_150 = arith.constant 0 : i32
      %dma_wait3A_151 = tpu.memref_slice %arg4[%dma_wait3A_149, %dma_wait3A_150] : memref<10000x128xf32, #tpu.memory_space<hbm>> -> memref<80x128xf32, #tpu.memory_space<hbm>>
      tpu.wait_dma2 semaphore(%arg20 : memref<!tpu.dma_semaphore, #tpu.memory_space<semaphore_mem>>) src(%dma_wait3A_151 : memref<80x128xf32, #tpu.memory_space<hbm>>) dst(%arg13 : memref<80x128xf32, #tpu.memory_space<vmem>>)
      %dma_start3A_152 = arith.constant 0 : i32
      %dma_start3A_153 = arith.constant 0 : i32
      %dma_start3A_154 = tpu.memref_slice %arg4[%dma_start3A_152, %dma_start3A_153] : memref<10000x128xf32, #tpu.memory_space<hbm>> -> memref<10000x128xf32, #tpu.memory_space<hbm>>
      tpu.enqueue_indirect_dma source(%dma_start3A_154 : memref<10000x128xf32, #tpu.memory_space<hbm>>) target(%arg14 : memref<80x128xf32, #tpu.memory_space<vmem>>) offsets(%arg8 : memref<80xi32, #tpu.memory_space<vmem>>) semaphore(%arg21 : memref<!tpu.dma_semaphore, #tpu.memory_space<semaphore_mem>>)
      %dma_start3A_155 = arith.constant 0 : i32
      %dma_start3A_156 = arith.constant 0 : i32
      %dma_start3A_157 = tpu.memref_slice %arg15[%dma_start3A_155, %dma_start3A_156] : memref<10000x128xf32, #tpu.memory_space<vmem_shared>> -> memref<10000x128xf32, #tpu.memory_space<vmem_shared>>
      tpu.enqueue_indirect_dma source(%arg13 : memref<80x128xf32, #tpu.memory_space<vmem>>) target(%dma_start3A_157 : memref<10000x128xf32, #tpu.memory_space<vmem_shared>>) offsets(%arg10 : memref<80xi32, #tpu.memory_space<vmem>>) semaphore(%arg23 : memref<!tpu.dma_semaphore, #tpu.memory_space<semaphore_mem>>) {add = true}
      %add3A_158 = arith.constant 2 : i32
      %add3A_159 = arith.addi %add3A_131, %add3A_158 : i32
      %min3A_160 = arith.constant 124 : i32
      %min3A_161 = arith.minsi %add3A_159, %min3A_160 : i32
      %mul3A_162 = arith.constant 80 : i32
      %mul3A_163 = arith.muli %min3A_161, %mul3A_162 : i32
      %add3A_164 = arith.addi %mul3A_2, %mul3A_163 : i32
      %multiple_of3A_165 = tpu.assume_multiple %add3A_164, 8 : i32
      %dma_start3A_166 = tpu.memref_slice %arg2[%multiple_of3A_165] : memref<320000xi32, #tpu.memory_space<hbm>> -> memref<80xi32, #tpu.memory_space<hbm>>
      %dma_start3A_167 = tpu.memref_slice %arg2[%multiple_of3A_165] : memref<320000xi32, #tpu.memory_space<hbm>> -> memref<80xi32, #tpu.memory_space<hbm>>
      tpu.enqueue_dma source(%dma_start3A_167 : memref<80xi32, #tpu.memory_space<hbm>>) target(%arg6 : memref<80xi32, #tpu.memory_space<vmem>>) target_semaphore(%arg16 : memref<!tpu.dma_semaphore, #tpu.memory_space<semaphore_mem>>)
      %dma_start3A_168 = tpu.memref_slice %arg3[%multiple_of3A_165] : memref<320000xi32, #tpu.memory_space<hbm>> -> memref<80xi32, #tpu.memory_space<hbm>>
      %dma_start3A_169 = tpu.memref_slice %arg3[%multiple_of3A_165] : memref<320000xi32, #tpu.memory_space<hbm>> -> memref<80xi32, #tpu.memory_space<hbm>>
      tpu.enqueue_dma source(%dma_start3A_169 : memref<80xi32, #tpu.memory_space<hbm>>) target(%arg9 : memref<80xi32, #tpu.memory_space<vmem>>) target_semaphore(%arg16 : memref<!tpu.dma_semaphore, #tpu.memory_space<semaphore_mem>>)
      %add3A_170 = arith.constant 1 : i32
      %add3A_171 = arith.addi %add3A_131, %add3A_170 : i32
      %dma_wait3A_172 = arith.constant 0 : i32
      %dma_wait3A_173 = tpu.memref_slice %arg2[%dma_wait3A_172] : memref<320000xi32, #tpu.memory_space<hbm>> -> memref<80xi32, #tpu.memory_space<hbm>>
      %dma_wait3A_174 = arith.constant 0 : i32
      %dma_wait3A_175 = tpu.memref_slice %arg2[%dma_wait3A_174] : memref<320000xi32, #tpu.memory_space<hbm>> -> memref<80xi32, #tpu.memory_space<hbm>>
      tpu.wait_dma2 semaphore(%arg16 : memref<!tpu.dma_semaphore, #tpu.memory_space<semaphore_mem>>) src(%dma_wait3A_175 : memref<80xi32, #tpu.memory_space<hbm>>) dst(%arg6 : memref<80xi32, #tpu.memory_space<vmem>>)
      %dma_wait3A_176 = arith.constant 0 : i32
      %dma_wait3A_177 = tpu.memref_slice %arg3[%dma_wait3A_176] : memref<320000xi32, #tpu.memory_space<hbm>> -> memref<80xi32, #tpu.memory_space<hbm>>
      %dma_wait3A_178 = arith.constant 0 : i32
      %dma_wait3A_179 = tpu.memref_slice %arg3[%dma_wait3A_178] : memref<320000xi32, #tpu.memory_space<hbm>> -> memref<80xi32, #tpu.memory_space<hbm>>
      tpu.wait_dma2 semaphore(%arg16 : memref<!tpu.dma_semaphore, #tpu.memory_space<semaphore_mem>>) src(%dma_wait3A_179 : memref<80xi32, #tpu.memory_space<hbm>>) dst(%arg9 : memref<80xi32, #tpu.memory_space<vmem>>)
      %dma_wait3A_180 = arith.constant 0 : i32
      %dma_wait3A_181 = arith.constant 0 : i32
      %dma_wait3A_182 = tpu.memref_slice %arg15[%dma_wait3A_180, %dma_wait3A_181] : memref<10000x128xf32, #tpu.memory_space<vmem_shared>> -> memref<80x128xf32, #tpu.memory_space<vmem_shared>>
      %dma_wait3A_183 = arith.constant 0 : i32
      %dma_wait3A_184 = arith.constant 0 : i32
      %dma_wait3A_185 = tpu.memref_slice %arg15[%dma_wait3A_183, %dma_wait3A_184] : memref<10000x128xf32, #tpu.memory_space<vmem_shared>> -> memref<80x128xf32, #tpu.memory_space<vmem_shared>>
      tpu.wait_dma2 semaphore(%arg23 : memref<!tpu.dma_semaphore, #tpu.memory_space<semaphore_mem>>) src(%arg13 : memref<80x128xf32, #tpu.memory_space<vmem>>) dst(%dma_wait3A_185 : memref<80x128xf32, #tpu.memory_space<vmem_shared>>)
      %dma_wait3A_186 = arith.constant 0 : i32
      %dma_wait3A_187 = arith.constant 0 : i32
      %dma_wait3A_188 = tpu.memref_slice %arg4[%dma_wait3A_186, %dma_wait3A_187] : memref<10000x128xf32, #tpu.memory_space<hbm>> -> memref<80x128xf32, #tpu.memory_space<hbm>>
      %dma_wait3A_189 = arith.constant 0 : i32
      %dma_wait3A_190 = arith.constant 0 : i32
      %dma_wait3A_191 = tpu.memref_slice %arg4[%dma_wait3A_189, %dma_wait3A_190] : memref<10000x128xf32, #tpu.memory_space<hbm>> -> memref<80x128xf32, #tpu.memory_space<hbm>>
      tpu.wait_dma2 semaphore(%arg21 : memref<!tpu.dma_semaphore, #tpu.memory_space<semaphore_mem>>) src(%dma_wait3A_191 : memref<80x128xf32, #tpu.memory_space<hbm>>) dst(%arg14 : memref<80x128xf32, #tpu.memory_space<vmem>>)
      %dma_start3A_192 = arith.constant 0 : i32
      %dma_start3A_193 = arith.constant 0 : i32
      %dma_start3A_194 = tpu.memref_slice %arg4[%dma_start3A_192, %dma_start3A_193] : memref<10000x128xf32, #tpu.memory_space<hbm>> -> memref<10000x128xf32, #tpu.memory_space<hbm>>
      tpu.enqueue_indirect_dma source(%dma_start3A_194 : memref<10000x128xf32, #tpu.memory_space<hbm>>) target(%arg12 : memref<80x128xf32, #tpu.memory_space<vmem>>) offsets(%arg6 : memref<80xi32, #tpu.memory_space<vmem>>) semaphore(%arg19 : memref<!tpu.dma_semaphore, #tpu.memory_space<semaphore_mem>>)
      %dma_start3A_195 = arith.constant 0 : i32
      %dma_start3A_196 = arith.constant 0 : i32
      %dma_start3A_197 = tpu.memref_slice %arg15[%dma_start3A_195, %dma_start3A_196] : memref<10000x128xf32, #tpu.memory_space<vmem_shared>> -> memref<10000x128xf32, #tpu.memory_space<vmem_shared>>
      tpu.enqueue_indirect_dma source(%arg14 : memref<80x128xf32, #tpu.memory_space<vmem>>) target(%dma_start3A_197 : memref<10000x128xf32, #tpu.memory_space<vmem_shared>>) offsets(%arg11 : memref<80xi32, #tpu.memory_space<vmem>>) semaphore(%arg24 : memref<!tpu.dma_semaphore, #tpu.memory_space<semaphore_mem>>) {add = true}
      %add3A_198 = arith.constant 2 : i32
      %add3A_199 = arith.addi %add3A_171, %add3A_198 : i32
      %min3A_200 = arith.constant 124 : i32
      %min3A_201 = arith.minsi %add3A_199, %min3A_200 : i32
      %mul3A_202 = arith.constant 80 : i32
      %mul3A_203 = arith.muli %min3A_201, %mul3A_202 : i32
      %add3A_204 = arith.addi %mul3A_2, %mul3A_203 : i32
      %multiple_of3A_205 = tpu.assume_multiple %add3A_204, 8 : i32
      %dma_start3A_206 = tpu.memref_slice %arg2[%multiple_of3A_205] : memref<320000xi32, #tpu.memory_space<hbm>> -> memref<80xi32, #tpu.memory_space<hbm>>
      %dma_start3A_207 = tpu.memref_slice %arg2[%multiple_of3A_205] : memref<320000xi32, #tpu.memory_space<hbm>> -> memref<80xi32, #tpu.memory_space<hbm>>
      tpu.enqueue_dma source(%dma_start3A_207 : memref<80xi32, #tpu.memory_space<hbm>>) target(%arg7 : memref<80xi32, #tpu.memory_space<vmem>>) target_semaphore(%arg17 : memref<!tpu.dma_semaphore, #tpu.memory_space<semaphore_mem>>)
      %dma_start3A_208 = tpu.memref_slice %arg3[%multiple_of3A_205] : memref<320000xi32, #tpu.memory_space<hbm>> -> memref<80xi32, #tpu.memory_space<hbm>>
      %dma_start3A_209 = tpu.memref_slice %arg3[%multiple_of3A_205] : memref<320000xi32, #tpu.memory_space<hbm>> -> memref<80xi32, #tpu.memory_space<hbm>>
      tpu.enqueue_dma source(%dma_start3A_209 : memref<80xi32, #tpu.memory_space<hbm>>) target(%arg10 : memref<80xi32, #tpu.memory_space<vmem>>) target_semaphore(%arg17 : memref<!tpu.dma_semaphore, #tpu.memory_space<semaphore_mem>>)
      %add3A_210 = arith.constant 2 : i32
      %add3A_211 = arith.addi %add3A_131, %add3A_210 : i32
      %dma_wait3A_212 = arith.constant 0 : i32
      %dma_wait3A_213 = tpu.memref_slice %arg2[%dma_wait3A_212] : memref<320000xi32, #tpu.memory_space<hbm>> -> memref<80xi32, #tpu.memory_space<hbm>>
      %dma_wait3A_214 = arith.constant 0 : i32
      %dma_wait3A_215 = tpu.memref_slice %arg2[%dma_wait3A_214] : memref<320000xi32, #tpu.memory_space<hbm>> -> memref<80xi32, #tpu.memory_space<hbm>>
      tpu.wait_dma2 semaphore(%arg17 : memref<!tpu.dma_semaphore, #tpu.memory_space<semaphore_mem>>) src(%dma_wait3A_215 : memref<80xi32, #tpu.memory_space<hbm>>) dst(%arg7 : memref<80xi32, #tpu.memory_space<vmem>>)
      %dma_wait3A_216 = arith.constant 0 : i32
      %dma_wait3A_217 = tpu.memref_slice %arg3[%dma_wait3A_216] : memref<320000xi32, #tpu.memory_space<hbm>> -> memref<80xi32, #tpu.memory_space<hbm>>
      %dma_wait3A_218 = arith.constant 0 : i32
      %dma_wait3A_219 = tpu.memref_slice %arg3[%dma_wait3A_218] : memref<320000xi32, #tpu.memory_space<hbm>> -> memref<80xi32, #tpu.memory_space<hbm>>
      tpu.wait_dma2 semaphore(%arg17 : memref<!tpu.dma_semaphore, #tpu.memory_space<semaphore_mem>>) src(%dma_wait3A_219 : memref<80xi32, #tpu.memory_space<hbm>>) dst(%arg10 : memref<80xi32, #tpu.memory_space<vmem>>)
      %dma_wait3A_220 = arith.constant 0 : i32
      %dma_wait3A_221 = arith.constant 0 : i32
      %dma_wait3A_222 = tpu.memref_slice %arg15[%dma_wait3A_220, %dma_wait3A_221] : memref<10000x128xf32, #tpu.memory_space<vmem_shared>> -> memref<80x128xf32, #tpu.memory_space<vmem_shared>>
      %dma_wait3A_223 = arith.constant 0 : i32
      %dma_wait3A_224 = arith.constant 0 : i32
      %dma_wait3A_225 = tpu.memref_slice %arg15[%dma_wait3A_223, %dma_wait3A_224] : memref<10000x128xf32, #tpu.memory_space<vmem_shared>> -> memref<80x128xf32, #tpu.memory_space<vmem_shared>>
      tpu.wait_dma2 semaphore(%arg24 : memref<!tpu.dma_semaphore, #tpu.memory_space<semaphore_mem>>) src(%arg14 : memref<80x128xf32, #tpu.memory_space<vmem>>) dst(%dma_wait3A_225 : memref<80x128xf32, #tpu.memory_space<vmem_shared>>)
      %dma_wait3A_226 = arith.constant 0 : i32
      %dma_wait3A_227 = arith.constant 0 : i32
      %dma_wait3A_228 = tpu.memref_slice %arg4[%dma_wait3A_226, %dma_wait3A_227] : memref<10000x128xf32, #tpu.memory_space<hbm>> -> memref<80x128xf32, #tpu.memory_space<hbm>>
      %dma_wait3A_229 = arith.constant 0 : i32
      %dma_wait3A_230 = arith.constant 0 : i32
      %dma_wait3A_231 = tpu.memref_slice %arg4[%dma_wait3A_229, %dma_wait3A_230] : memref<10000x128xf32, #tpu.memory_space<hbm>> -> memref<80x128xf32, #tpu.memory_space<hbm>>
      tpu.wait_dma2 semaphore(%arg19 : memref<!tpu.dma_semaphore, #tpu.memory_space<semaphore_mem>>) src(%dma_wait3A_231 : memref<80x128xf32, #tpu.memory_space<hbm>>) dst(%arg12 : memref<80x128xf32, #tpu.memory_space<vmem>>)
      %dma_start3A_232 = arith.constant 0 : i32
      %dma_start3A_233 = arith.constant 0 : i32
      %dma_start3A_234 = tpu.memref_slice %arg4[%dma_start3A_232, %dma_start3A_233] : memref<10000x128xf32, #tpu.memory_space<hbm>> -> memref<10000x128xf32, #tpu.memory_space<hbm>>
      tpu.enqueue_indirect_dma source(%dma_start3A_234 : memref<10000x128xf32, #tpu.memory_space<hbm>>) target(%arg13 : memref<80x128xf32, #tpu.memory_space<vmem>>) offsets(%arg7 : memref<80xi32, #tpu.memory_space<vmem>>) semaphore(%arg20 : memref<!tpu.dma_semaphore, #tpu.memory_space<semaphore_mem>>)
      %dma_start3A_235 = arith.constant 0 : i32
      %dma_start3A_236 = arith.constant 0 : i32
      %dma_start3A_237 = tpu.memref_slice %arg15[%dma_start3A_235, %dma_start3A_236] : memref<10000x128xf32, #tpu.memory_space<vmem_shared>> -> memref<10000x128xf32, #tpu.memory_space<vmem_shared>>
      tpu.enqueue_indirect_dma source(%arg12 : memref<80x128xf32, #tpu.memory_space<vmem>>) target(%dma_start3A_237 : memref<10000x128xf32, #tpu.memory_space<vmem_shared>>) offsets(%arg9 : memref<80xi32, #tpu.memory_space<vmem>>) semaphore(%arg22 : memref<!tpu.dma_semaphore, #tpu.memory_space<semaphore_mem>>) {add = true}
      %add3A_238 = arith.constant 2 : i32
      %add3A_239 = arith.addi %add3A_211, %add3A_238 : i32
      %min3A_240 = arith.constant 124 : i32
      %min3A_241 = arith.minsi %add3A_239, %min3A_240 : i32
      %mul3A_242 = arith.constant 80 : i32
      %mul3A_243 = arith.muli %min3A_241, %mul3A_242 : i32
      %add3A_244 = arith.addi %mul3A_2, %mul3A_243 : i32
      %multiple_of3A_245 = tpu.assume_multiple %add3A_244, 8 : i32
      %dma_start3A_246 = tpu.memref_slice %arg2[%multiple_of3A_245] : memref<320000xi32, #tpu.memory_space<hbm>> -> memref<80xi32, #tpu.memory_space<hbm>>
      %dma_start3A_247 = tpu.memref_slice %arg2[%multiple_of3A_245] : memref<320000xi32, #tpu.memory_space<hbm>> -> memref<80xi32, #tpu.memory_space<hbm>>
      tpu.enqueue_dma source(%dma_start3A_247 : memref<80xi32, #tpu.memory_space<hbm>>) target(%arg8 : memref<80xi32, #tpu.memory_space<vmem>>) target_semaphore(%arg18 : memref<!tpu.dma_semaphore, #tpu.memory_space<semaphore_mem>>)
      %dma_start3A_248 = tpu.memref_slice %arg3[%multiple_of3A_245] : memref<320000xi32, #tpu.memory_space<hbm>> -> memref<80xi32, #tpu.memory_space<hbm>>
      %dma_start3A_249 = tpu.memref_slice %arg3[%multiple_of3A_245] : memref<320000xi32, #tpu.memory_space<hbm>> -> memref<80xi32, #tpu.memory_space<hbm>>
      tpu.enqueue_dma source(%dma_start3A_249 : memref<80xi32, #tpu.memory_space<hbm>>) target(%arg11 : memref<80xi32, #tpu.memory_space<vmem>>) target_semaphore(%arg18 : memref<!tpu.dma_semaphore, #tpu.memory_space<semaphore_mem>>)
    }
    %scan3A_82 = arith.constant 41 : i32
    %dma_wait3A_83 = arith.constant 0 : i32
    %dma_wait3A_84 = tpu.memref_slice %arg2[%dma_wait3A_83] : memref<320000xi32, #tpu.memory_space<hbm>> -> memref<80xi32, #tpu.memory_space<hbm>>
    %dma_wait3A_85 = arith.constant 0 : i32
    %dma_wait3A_86 = tpu.memref_slice %arg2[%dma_wait3A_85] : memref<320000xi32, #tpu.memory_space<hbm>> -> memref<80xi32, #tpu.memory_space<hbm>>
    tpu.wait_dma2 semaphore(%arg18 : memref<!tpu.dma_semaphore, #tpu.memory_space<semaphore_mem>>) src(%dma_wait3A_86 : memref<80xi32, #tpu.memory_space<hbm>>) dst(%arg8 : memref<80xi32, #tpu.memory_space<vmem>>)
    %dma_wait3A_87 = arith.constant 0 : i32
    %dma_wait3A_88 = tpu.memref_slice %arg3[%dma_wait3A_87] : memref<320000xi32, #tpu.memory_space<hbm>> -> memref<80xi32, #tpu.memory_space<hbm>>
    %dma_wait3A_89 = arith.constant 0 : i32
    %dma_wait3A_90 = tpu.memref_slice %arg3[%dma_wait3A_89] : memref<320000xi32, #tpu.memory_space<hbm>> -> memref<80xi32, #tpu.memory_space<hbm>>
    tpu.wait_dma2 semaphore(%arg18 : memref<!tpu.dma_semaphore, #tpu.memory_space<semaphore_mem>>) src(%dma_wait3A_90 : memref<80xi32, #tpu.memory_space<hbm>>) dst(%arg11 : memref<80xi32, #tpu.memory_space<vmem>>)
    %dma_wait3A_91 = arith.constant 0 : i32
    %dma_wait3A_92 = arith.constant 0 : i32
    %dma_wait3A_93 = tpu.memref_slice %arg15[%dma_wait3A_91, %dma_wait3A_92] : memref<10000x128xf32, #tpu.memory_space<vmem_shared>> -> memref<80x128xf32, #tpu.memory_space<vmem_shared>>
    %dma_wait3A_94 = arith.constant 0 : i32
    %dma_wait3A_95 = arith.constant 0 : i32
    %dma_wait3A_96 = tpu.memref_slice %arg15[%dma_wait3A_94, %dma_wait3A_95] : memref<10000x128xf32, #tpu.memory_space<vmem_shared>> -> memref<80x128xf32, #tpu.memory_space<vmem_shared>>
    tpu.wait_dma2 semaphore(%arg22 : memref<!tpu.dma_semaphore, #tpu.memory_space<semaphore_mem>>) src(%arg12 : memref<80x128xf32, #tpu.memory_space<vmem>>) dst(%dma_wait3A_96 : memref<80x128xf32, #tpu.memory_space<vmem_shared>>)
    %dma_wait3A_97 = arith.constant 0 : i32
    %dma_wait3A_98 = arith.constant 0 : i32
    %dma_wait3A_99 = tpu.memref_slice %arg4[%dma_wait3A_97, %dma_wait3A_98] : memref<10000x128xf32, #tpu.memory_space<hbm>> -> memref<80x128xf32, #tpu.memory_space<hbm>>
    %dma_wait3A_100 = arith.constant 0 : i32
    %dma_wait3A_101 = arith.constant 0 : i32
    %dma_wait3A_102 = tpu.memref_slice %arg4[%dma_wait3A_100, %dma_wait3A_101] : memref<10000x128xf32, #tpu.memory_space<hbm>> -> memref<80x128xf32, #tpu.memory_space<hbm>>
    tpu.wait_dma2 semaphore(%arg20 : memref<!tpu.dma_semaphore, #tpu.memory_space<semaphore_mem>>) src(%dma_wait3A_102 : memref<80x128xf32, #tpu.memory_space<hbm>>) dst(%arg13 : memref<80x128xf32, #tpu.memory_space<vmem>>)
    %dma_start3A_103 = arith.constant 0 : i32
    %dma_start3A_104 = arith.constant 0 : i32
    %dma_start3A_105 = tpu.memref_slice %arg15[%dma_start3A_103, %dma_start3A_104] : memref<10000x128xf32, #tpu.memory_space<vmem_shared>> -> memref<10000x128xf32, #tpu.memory_space<vmem_shared>>
    tpu.enqueue_indirect_dma source(%arg13 : memref<80x128xf32, #tpu.memory_space<vmem>>) target(%dma_start3A_105 : memref<10000x128xf32, #tpu.memory_space<vmem_shared>>) offsets(%arg10 : memref<80xi32, #tpu.memory_space<vmem>>) semaphore(%arg23 : memref<!tpu.dma_semaphore, #tpu.memory_space<semaphore_mem>>) {add = true}
    %dma_wait3A_106 = arith.constant 0 : i32
    %dma_wait3A_107 = arith.constant 0 : i32
    %dma_wait3A_108 = tpu.memref_slice %arg15[%dma_wait3A_106, %dma_wait3A_107] : memref<10000x128xf32, #tpu.memory_space<vmem_shared>> -> memref<80x128xf32, #tpu.memory_space<vmem_shared>>
    %dma_wait3A_109 = arith.constant 0 : i32
    %dma_wait3A_110 = arith.constant 0 : i32
    %dma_wait3A_111 = tpu.memref_slice %arg15[%dma_wait3A_109, %dma_wait3A_110] : memref<10000x128xf32, #tpu.memory_space<vmem_shared>> -> memref<80x128xf32, #tpu.memory_space<vmem_shared>>
    tpu.wait_dma2 semaphore(%arg23 : memref<!tpu.dma_semaphore, #tpu.memory_space<semaphore_mem>>) src(%arg13 : memref<80x128xf32, #tpu.memory_space<vmem>>) dst(%dma_wait3A_111 : memref<80x128xf32, #tpu.memory_space<vmem_shared>>)
    %barrier3A_112 = arith.constant 0 : index
    tpu.barrier barrier_id(%barrier3A_112)
    %lt3A_113 = arith.constant 15 : i32
    %lt3A_114 = arith.cmpi slt, %arg1, %lt3A_113 : i32
    %convert_element_type3A_115 = arith.extui %lt3A_114 : i1 to i32
    %cond3A_116 = arith.constant 0 : i32
    %cond3A_117 = arith.cmpi ne, %convert_element_type3A_115, %cond3A_116 : i32
    scf.if %cond3A_117 {
      "tpu.region"() ({
        %run_scoped3A = tpu.sem_alloc : memref<!tpu.dma_semaphore, #tpu.memory_space<semaphore_mem>>
        %dma_start3A_123 = arith.constant 0 : i32
        %dma_start3A_124 = tpu.memref_slice %arg5[%arg0, %mul3A_4, %dma_start3A_123] : memref<2x10000x128xf32, #tpu.memory_space<hbm>> -> memref<1x640x128xf32, #tpu.memory_space<hbm>>
        %dma_start3A_125 = tpu.memref_squeeze %dma_start3A_124 : memref<1x640x128xf32, #tpu.memory_space<hbm>> -> memref<640x128xf32, #tpu.memory_space<hbm>>
        %dma_start3A_126 = arith.constant 0 : i32
        %dma_start3A_127 = tpu.memref_slice %arg15[%mul3A_4, %dma_start3A_126] : memref<10000x128xf32, #tpu.memory_space<vmem_shared>> -> memref<640x128xf32, #tpu.memory_space<vmem_shared>>
        tpu.enqueue_dma source(%dma_start3A_127 : memref<640x128xf32, #tpu.memory_space<vmem_shared>>) target(%dma_start3A_125 : memref<640x128xf32, #tpu.memory_space<hbm>>) target_semaphore(%run_scoped3A : memref<!tpu.dma_semaphore, #tpu.memory_space<semaphore_mem>>)
        %dma_wait3A_128 = arith.constant 0 : i32
        %dma_wait3A_129 = tpu.memref_slice %arg5[%arg0, %mul3A_4, %dma_wait3A_128] : memref<2x10000x128xf32, #tpu.memory_space<hbm>> -> memref<1x640x128xf32, #tpu.memory_space<hbm>>
        %dma_wait3A_130 = tpu.memref_squeeze %dma_wait3A_129 : memref<1x640x128xf32, #tpu.memory_space<hbm>> -> memref<640x128xf32, #tpu.memory_space<hbm>>
        %dma_wait3A_131 = arith.constant 0 : i32
        %dma_wait3A_132 = tpu.memref_slice %arg15[%mul3A_4, %dma_wait3A_131] : memref<10000x128xf32, #tpu.memory_space<vmem_shared>> -> memref<640x128xf32, #tpu.memory_space<vmem_shared>>
        tpu.wait_dma2 semaphore(%run_scoped3A : memref<!tpu.dma_semaphore, #tpu.memory_space<semaphore_mem>>) src(%dma_wait3A_132 : memref<640x128xf32, #tpu.memory_space<vmem_shared>>) dst(%dma_wait3A_130 : memref<640x128xf32, #tpu.memory_space<hbm>>)
        tpu.yield
      }) : () -> ()
    } else {
    }
    %eq3A_118 = arith.constant 15 : i32
    %eq3A_119 = arith.cmpi eq, %arg1, %eq3A_118 : i32
    %convert_element_type3A_120 = arith.extui %eq3A_119 : i1 to i32
    %cond3A_121 = arith.constant 0 : i32
    %cond3A_122 = arith.cmpi ne, %convert_element_type3A_120, %cond3A_121 : i32
    scf.if %cond3A_122 {
      "tpu.region"() ({
        %run_scoped3A = tpu.sem_alloc : memref<!tpu.dma_semaphore, #tpu.memory_space<semaphore_mem>>
        %dma_start3A_123 = arith.constant 0 : i32
        %dma_start3A_124 = tpu.memref_slice %arg5[%arg0, %mul3A_4, %dma_start3A_123] : memref<2x10000x128xf32, #tpu.memory_space<hbm>> -> memref<1x400x128xf32, #tpu.memory_space<hbm>>
        %dma_start3A_125 = tpu.memref_squeeze %dma_start3A_124 : memref<1x400x128xf32, #tpu.memory_space<hbm>> -> memref<400x128xf32, #tpu.memory_space<hbm>>
        %dma_start3A_126 = arith.constant 0 : i32
        %dma_start3A_127 = tpu.memref_slice %arg15[%mul3A_4, %dma_start3A_126] : memref<10000x128xf32, #tpu.memory_space<vmem_shared>> -> memref<400x128xf32, #tpu.memory_space<vmem_shared>>
        tpu.enqueue_dma source(%dma_start3A_127 : memref<400x128xf32, #tpu.memory_space<vmem_shared>>) target(%dma_start3A_125 : memref<400x128xf32, #tpu.memory_space<hbm>>) target_semaphore(%run_scoped3A : memref<!tpu.dma_semaphore, #tpu.memory_space<semaphore_mem>>)
        %dma_wait3A_128 = arith.constant 0 : i32
        %dma_wait3A_129 = tpu.memref_slice %arg5[%arg0, %mul3A_4, %dma_wait3A_128] : memref<2x10000x128xf32, #tpu.memory_space<hbm>> -> memref<1x400x128xf32, #tpu.memory_space<hbm>>
        %dma_wait3A_130 = tpu.memref_squeeze %dma_wait3A_129 : memref<1x400x128xf32, #tpu.memory_space<hbm>> -> memref<400x128xf32, #tpu.memory_space<hbm>>
        %dma_wait3A_131 = arith.constant 0 : i32
        %dma_wait3A_132 = tpu.memref_slice %arg15[%mul3A_4, %dma_wait3A_131] : memref<10000x128xf32, #tpu.memory_space<vmem_shared>> -> memref<400x128xf32, #tpu.memory_space<vmem_shared>>
        tpu.wait_dma2 semaphore(%run_scoped3A : memref<!tpu.dma_semaphore, #tpu.memory_space<semaphore_mem>>) src(%dma_wait3A_132 : memref<400x128xf32, #tpu.memory_space<vmem_shared>>) dst(%dma_wait3A_130 : memref<400x128xf32, #tpu.memory_space<hbm>>)
        tpu.yield
      }) : () -> ()
    } else {
    }
    return
  }
}

#map = affine_map<(d0, d1) -> (0, 0)>
#map1 = affine_map<(d0, d1) -> (0)>
#map2 = affine_map<(d0, d1) -> (0, 0, 0)>
module attributes {stable_mosaic.version = 14 : i64} {
  func.func @_sc_cnt_body(%arg0: i32, %arg1: i32, %arg2: memref<2x320000xi32, #tpu.memory_space<hbm>>, %arg3: memref<320000xi32, #tpu.memory_space<hbm>>, %arg4: memref<320000xi32, #tpu.memory_space<hbm>>, %arg5: memref<2x10000x16xf32, #tpu.memory_space<hbm>>, %arg6: memref<256x16xf32, #tpu.memory_space<vmem>>, %arg7: memref<125x16xf32, #tpu.memory_space<vmem>>, %arg8: memref<10240xi32, #tpu.memory_space<vmem>>, %arg9: memref<10240xi32, #tpu.memory_space<vmem>>, %arg10: memref<256xi32, #tpu.memory_space<vmem>>, %arg11: memref<256xi32, #tpu.memory_space<vmem>>, %arg12: memref<256xi32, #tpu.memory_space<vmem>>, %arg13: memref<10008x16xf32, #tpu.memory_space<vmem_shared>>, %arg14: memref<!tpu.dma_semaphore, #tpu.memory_space<semaphore_mem>>, %arg15: memref<!tpu.dma_semaphore, #tpu.memory_space<semaphore_mem>>, %arg16: memref<!tpu.dma_semaphore, #tpu.memory_space<semaphore_mem>>, %arg17: memref<!tpu.dma_semaphore, #tpu.memory_space<semaphore_mem>>, %arg18: memref<!tpu.dma_semaphore, #tpu.memory_space<semaphore_mem>>, %arg19: memref<!tpu.dma_semaphore, #tpu.memory_space<semaphore_mem>>, %arg20: memref<!tpu.dma_semaphore, #tpu.memory_space<semaphore_mem>>) attributes {dimension_semantics = [#tpu.dimension_semantics<core_parallel>, #tpu.dimension_semantics<subcore_parallel>], iteration_bounds = array<i64: 2, 16>, scalar_prefetch = 0 : i64, scratch_operands = 15 : i64, tpu.core_type = #tpu.core_type<sc_vector_subcore>, window_params = [{transform_indices = #map}, {transform_indices = #map1}, {transform_indices = #map1}, {transform_indices = #map2}]} {
    %mul3A = arith.constant 16 : i32
    %mul3A_0 = arith.muli %arg0, %mul3A : i32
    %add3A = arith.addi %mul3A_0, %arg1 : i32
    %mul3A_1 = arith.constant 39 : i32
    %mul3A_2 = arith.muli %mul3A_1, %add3A : i32
    %min3A = arith.constant 2 : i32
    %min3A_3 = arith.minsi %add3A, %min3A : i32
    %add3A_4 = arith.addi %mul3A_2, %min3A_3 : i32
    %lt3A = arith.constant 2 : i32
    %lt3A_5 = arith.cmpi slt, %add3A, %lt3A : i32
    %jit3A = arith.constant 40 : i32
    %jit3A_6 = arith.constant 39 : i32
    %select_n3A = arith.select %lt3A_5, %jit3A, %jit3A_6 : i32
    %mul3A_7 = arith.constant 256 : i32
    %mul3A_8 = arith.muli %add3A_4, %mul3A_7 : i32
    %multiple_of3A = tpu.assume_multiple %mul3A_8, 8 : i32
    %lt3A_9 = arith.constant 2 : i32
    %lt3A_10 = arith.cmpi slt, %add3A, %lt3A_9 : i32
    %convert_element_type3A = arith.extui %lt3A_10 : i1 to i32
    %cond3A = arith.constant 0 : i32
    %cond3A_11 = arith.cmpi ne, %convert_element_type3A, %cond3A : i32
    scf.if %cond3A_11 {
      %dma_start3A_218 = arith.constant 0 : i32
      %dma_start3A_219 = arith.constant 0 : i32
      %dma_start3A_220 = tpu.memref_slice %arg8[%dma_start3A_219] : memref<10240xi32, #tpu.memory_space<vmem>> -> memref<10240xi32, #tpu.memory_space<vmem>>
      %dma_start3A_221 = tpu.memref_slice %arg2[%dma_start3A_218, %multiple_of3A] : memref<2x320000xi32, #tpu.memory_space<hbm>> -> memref<1x10240xi32, #tpu.memory_space<hbm>>
      %dma_start3A_222 = tpu.memref_squeeze %dma_start3A_221 : memref<1x10240xi32, #tpu.memory_space<hbm>> -> memref<10240xi32, #tpu.memory_space<hbm>>
      %dma_start3A_223 = arith.constant 0 : i32
      %dma_start3A_224 = tpu.memref_slice %arg8[%dma_start3A_223] : memref<10240xi32, #tpu.memory_space<vmem>> -> memref<10240xi32, #tpu.memory_space<vmem>>
      %dma_start3A_225 = tpu.memref_slice %arg2[%dma_start3A_218, %multiple_of3A] : memref<2x320000xi32, #tpu.memory_space<hbm>> -> memref<1x10240xi32, #tpu.memory_space<hbm>>
      %dma_start3A_226 = tpu.memref_squeeze %dma_start3A_225 : memref<1x10240xi32, #tpu.memory_space<hbm>> -> memref<10240xi32, #tpu.memory_space<hbm>>
      tpu.enqueue_dma source(%dma_start3A_226 : memref<10240xi32, #tpu.memory_space<hbm>>) target(%dma_start3A_224 : memref<10240xi32, #tpu.memory_space<vmem>>) target_semaphore(%arg20 : memref<!tpu.dma_semaphore, #tpu.memory_space<semaphore_mem>>)
      %dma_start3A_227 = arith.constant 1 : i32
      %dma_start3A_228 = arith.constant 0 : i32
      %dma_start3A_229 = tpu.memref_slice %arg9[%dma_start3A_228] : memref<10240xi32, #tpu.memory_space<vmem>> -> memref<10240xi32, #tpu.memory_space<vmem>>
      %dma_start3A_230 = tpu.memref_slice %arg2[%dma_start3A_227, %multiple_of3A] : memref<2x320000xi32, #tpu.memory_space<hbm>> -> memref<1x10240xi32, #tpu.memory_space<hbm>>
      %dma_start3A_231 = tpu.memref_squeeze %dma_start3A_230 : memref<1x10240xi32, #tpu.memory_space<hbm>> -> memref<10240xi32, #tpu.memory_space<hbm>>
      %dma_start3A_232 = arith.constant 0 : i32
      %dma_start3A_233 = tpu.memref_slice %arg9[%dma_start3A_232] : memref<10240xi32, #tpu.memory_space<vmem>> -> memref<10240xi32, #tpu.memory_space<vmem>>
      %dma_start3A_234 = tpu.memref_slice %arg2[%dma_start3A_227, %multiple_of3A] : memref<2x320000xi32, #tpu.memory_space<hbm>> -> memref<1x10240xi32, #tpu.memory_space<hbm>>
      %dma_start3A_235 = tpu.memref_squeeze %dma_start3A_234 : memref<1x10240xi32, #tpu.memory_space<hbm>> -> memref<10240xi32, #tpu.memory_space<hbm>>
      tpu.enqueue_dma source(%dma_start3A_235 : memref<10240xi32, #tpu.memory_space<hbm>>) target(%dma_start3A_233 : memref<10240xi32, #tpu.memory_space<vmem>>) target_semaphore(%arg20 : memref<!tpu.dma_semaphore, #tpu.memory_space<semaphore_mem>>)
    } else {
    }
    %ge3A = arith.constant 2 : i32
    %ge3A_12 = arith.cmpi sge, %add3A, %ge3A : i32
    %convert_element_type3A_13 = arith.extui %ge3A_12 : i1 to i32
    %cond3A_14 = arith.constant 0 : i32
    %cond3A_15 = arith.cmpi ne, %convert_element_type3A_13, %cond3A_14 : i32
    scf.if %cond3A_15 {
      %dma_start3A_218 = arith.constant 0 : i32
      %dma_start3A_219 = arith.constant 0 : i32
      %dma_start3A_220 = tpu.memref_slice %arg8[%dma_start3A_219] : memref<10240xi32, #tpu.memory_space<vmem>> -> memref<9984xi32, #tpu.memory_space<vmem>>
      %dma_start3A_221 = tpu.memref_slice %arg2[%dma_start3A_218, %multiple_of3A] : memref<2x320000xi32, #tpu.memory_space<hbm>> -> memref<1x9984xi32, #tpu.memory_space<hbm>>
      %dma_start3A_222 = tpu.memref_squeeze %dma_start3A_221 : memref<1x9984xi32, #tpu.memory_space<hbm>> -> memref<9984xi32, #tpu.memory_space<hbm>>
      %dma_start3A_223 = arith.constant 0 : i32
      %dma_start3A_224 = tpu.memref_slice %arg8[%dma_start3A_223] : memref<10240xi32, #tpu.memory_space<vmem>> -> memref<9984xi32, #tpu.memory_space<vmem>>
      %dma_start3A_225 = tpu.memref_slice %arg2[%dma_start3A_218, %multiple_of3A] : memref<2x320000xi32, #tpu.memory_space<hbm>> -> memref<1x9984xi32, #tpu.memory_space<hbm>>
      %dma_start3A_226 = tpu.memref_squeeze %dma_start3A_225 : memref<1x9984xi32, #tpu.memory_space<hbm>> -> memref<9984xi32, #tpu.memory_space<hbm>>
      tpu.enqueue_dma source(%dma_start3A_226 : memref<9984xi32, #tpu.memory_space<hbm>>) target(%dma_start3A_224 : memref<9984xi32, #tpu.memory_space<vmem>>) target_semaphore(%arg20 : memref<!tpu.dma_semaphore, #tpu.memory_space<semaphore_mem>>)
      %dma_start3A_227 = arith.constant 1 : i32
      %dma_start3A_228 = arith.constant 0 : i32
      %dma_start3A_229 = tpu.memref_slice %arg9[%dma_start3A_228] : memref<10240xi32, #tpu.memory_space<vmem>> -> memref<9984xi32, #tpu.memory_space<vmem>>
      %dma_start3A_230 = tpu.memref_slice %arg2[%dma_start3A_227, %multiple_of3A] : memref<2x320000xi32, #tpu.memory_space<hbm>> -> memref<1x9984xi32, #tpu.memory_space<hbm>>
      %dma_start3A_231 = tpu.memref_squeeze %dma_start3A_230 : memref<1x9984xi32, #tpu.memory_space<hbm>> -> memref<9984xi32, #tpu.memory_space<hbm>>
      %dma_start3A_232 = arith.constant 0 : i32
      %dma_start3A_233 = tpu.memref_slice %arg9[%dma_start3A_232] : memref<10240xi32, #tpu.memory_space<vmem>> -> memref<9984xi32, #tpu.memory_space<vmem>>
      %dma_start3A_234 = tpu.memref_slice %arg2[%dma_start3A_227, %multiple_of3A] : memref<2x320000xi32, #tpu.memory_space<hbm>> -> memref<1x9984xi32, #tpu.memory_space<hbm>>
      %dma_start3A_235 = tpu.memref_squeeze %dma_start3A_234 : memref<1x9984xi32, #tpu.memory_space<hbm>> -> memref<9984xi32, #tpu.memory_space<hbm>>
      tpu.enqueue_dma source(%dma_start3A_235 : memref<9984xi32, #tpu.memory_space<hbm>>) target(%dma_start3A_233 : memref<9984xi32, #tpu.memory_space<vmem>>) target_semaphore(%arg20 : memref<!tpu.dma_semaphore, #tpu.memory_space<semaphore_mem>>)
    } else {
    }
    %broadcast_in_dim3A = arith.constant 1.000000e+00 : f32
    %broadcast_in_dim3A_16 = vector.broadcast %broadcast_in_dim3A : f32 to vector<16xf32>
    %broadcast_in_dim3A_17 = arith.constant 0.000000e+00 : f32
    %broadcast_in_dim3A_18 = vector.broadcast %broadcast_in_dim3A_17 : f32 to vector<16xf32>
    %scan3A = arith.constant 0 : i32
    %scan3A_19 = arith.constant 256 : i32
    %scan3A_20 = arith.addi %scan3A, %scan3A_19 : i32
    %scan3A_21 = arith.constant 1 : i32
    scf.for %scan3A_218 = %scan3A to %scan3A_20 step %scan3A_21  : i32 {
      %mul3A_219 = arith.constant 1 : i32
      %mul3A_220 = arith.muli %scan3A_218, %mul3A_219 : i32
      %add3A_221 = arith.constant 0 : i32
      %add3A_222 = arith.addi %add3A_221, %mul3A_220 : i32
      %swap3A = arith.index_cast %add3A_222 : i32 to index
      %swap3A_223 = arith.constant 0 : index
      %swap3A_224 = tpu.vector_load %arg6[%swap3A, %swap3A_223] {strides = array<i32>} : memref<256x16xf32, #tpu.memory_space<vmem>>, vector<1x16xf32>,
      %swap3A_225 = vector.shape_cast %swap3A_224 : vector<1x16xf32> to vector<16xf32>
      %swap3A_226 = vector.shape_cast %broadcast_in_dim3A_16 : vector<16xf32> to vector<1x16xf32>
      tpu.vector_store %arg6[%swap3A, %swap3A_223], %swap3A_226 {strides = array<i32>} : memref<256x16xf32, #tpu.memory_space<vmem>>, vector<1x16xf32>,
    }
    %scan3A_22 = arith.constant 256 : i32
    %scan3A_23 = arith.constant 0 : i32
    %scan3A_24 = arith.constant 125 : i32
    %scan3A_25 = arith.addi %scan3A_23, %scan3A_24 : i32
    %scan3A_26 = arith.constant 1 : i32
    scf.for %scan3A_218 = %scan3A_23 to %scan3A_25 step %scan3A_26  : i32 {
      %mul3A_219 = arith.constant 1 : i32
      %mul3A_220 = arith.muli %scan3A_218, %mul3A_219 : i32
      %add3A_221 = arith.constant 0 : i32
      %add3A_222 = arith.addi %add3A_221, %mul3A_220 : i32
      %swap3A = arith.index_cast %add3A_222 : i32 to index
      %swap3A_223 = arith.constant 0 : index
      %swap3A_224 = tpu.vector_load %arg7[%swap3A, %swap3A_223] {strides = array<i32>} : memref<125x16xf32, #tpu.memory_space<vmem>>, vector<1x16xf32>,
      %swap3A_225 = vector.shape_cast %swap3A_224 : vector<1x16xf32> to vector<16xf32>
      %swap3A_226 = vector.shape_cast %broadcast_in_dim3A_18 : vector<16xf32> to vector<1x16xf32>
      tpu.vector_store %arg7[%swap3A, %swap3A_223], %swap3A_226 {strides = array<i32>} : memref<125x16xf32, #tpu.memory_space<vmem>>, vector<1x16xf32>,
    }
    %scan3A_27 = arith.constant 125 : i32
    %lt3A_28 = arith.constant 2 : i32
    %lt3A_29 = arith.cmpi slt, %add3A, %lt3A_28 : i32
    %convert_element_type3A_30 = arith.extui %lt3A_29 : i1 to i32
    %cond3A_31 = arith.constant 0 : i32
    %cond3A_32 = arith.cmpi ne, %convert_element_type3A_30, %cond3A_31 : i32
    scf.if %cond3A_32 {
      %dma_wait3A_218 = arith.constant 0 : i32
      %dma_wait3A_219 = arith.constant 0 : i32
      %dma_wait3A_220 = tpu.memref_slice %arg8[%dma_wait3A_219] : memref<10240xi32, #tpu.memory_space<vmem>> -> memref<10240xi32, #tpu.memory_space<vmem>>
      %dma_wait3A_221 = arith.constant 0 : i32
      %dma_wait3A_222 = tpu.memref_slice %arg2[%dma_wait3A_218, %dma_wait3A_221] : memref<2x320000xi32, #tpu.memory_space<hbm>> -> memref<1x10240xi32, #tpu.memory_space<hbm>>
      %dma_wait3A_223 = tpu.memref_squeeze %dma_wait3A_222 : memref<1x10240xi32, #tpu.memory_space<hbm>> -> memref<10240xi32, #tpu.memory_space<hbm>>
      %dma_wait3A_224 = arith.constant 0 : i32
      %dma_wait3A_225 = tpu.memref_slice %arg8[%dma_wait3A_224] : memref<10240xi32, #tpu.memory_space<vmem>> -> memref<10240xi32, #tpu.memory_space<vmem>>
      %dma_wait3A_226 = arith.constant 0 : i32
      %dma_wait3A_227 = tpu.memref_slice %arg2[%dma_wait3A_218, %dma_wait3A_226] : memref<2x320000xi32, #tpu.memory_space<hbm>> -> memref<1x10240xi32, #tpu.memory_space<hbm>>
      %dma_wait3A_228 = tpu.memref_squeeze %dma_wait3A_227 : memref<1x10240xi32, #tpu.memory_space<hbm>> -> memref<10240xi32, #tpu.memory_space<hbm>>
      tpu.wait_dma2 semaphore(%arg20 : memref<!tpu.dma_semaphore, #tpu.memory_space<semaphore_mem>>) src(%dma_wait3A_228 : memref<10240xi32, #tpu.memory_space<hbm>>) dst(%dma_wait3A_225 : memref<10240xi32, #tpu.memory_space<vmem>>)
      %dma_wait3A_229 = arith.constant 0 : i32
      %dma_wait3A_230 = arith.constant 0 : i32
      %dma_wait3A_231 = tpu.memref_slice %arg9[%dma_wait3A_230] : memref<10240xi32, #tpu.memory_space<vmem>> -> memref<10240xi32, #tpu.memory_space<vmem>>
      %dma_wait3A_232 = arith.constant 0 : i32
      %dma_wait3A_233 = tpu.memref_slice %arg2[%dma_wait3A_229, %dma_wait3A_232] : memref<2x320000xi32, #tpu.memory_space<hbm>> -> memref<1x10240xi32, #tpu.memory_space<hbm>>
      %dma_wait3A_234 = tpu.memref_squeeze %dma_wait3A_233 : memref<1x10240xi32, #tpu.memory_space<hbm>> -> memref<10240xi32, #tpu.memory_space<hbm>>
      %dma_wait3A_235 = arith.constant 0 : i32
      %dma_wait3A_236 = tpu.memref_slice %arg9[%dma_wait3A_235] : memref<10240xi32, #tpu.memory_space<vmem>> -> memref<10240xi32, #tpu.memory_space<vmem>>
      %dma_wait3A_237 = arith.constant 0 : i32
      %dma_wait3A_238 = tpu.memref_slice %arg2[%dma_wait3A_229, %dma_wait3A_237] : memref<2x320000xi32, #tpu.memory_space<hbm>> -> memref<1x10240xi32, #tpu.memory_space<hbm>>
      %dma_wait3A_239 = tpu.memref_squeeze %dma_wait3A_238 : memref<1x10240xi32, #tpu.memory_space<hbm>> -> memref<10240xi32, #tpu.memory_space<hbm>>
      tpu.wait_dma2 semaphore(%arg20 : memref<!tpu.dma_semaphore, #tpu.memory_space<semaphore_mem>>) src(%dma_wait3A_239 : memref<10240xi32, #tpu.memory_space<hbm>>) dst(%dma_wait3A_236 : memref<10240xi32, #tpu.memory_space<vmem>>)
      %dma_start3A_240 = arith.constant 0 : i32
      %dma_start3A_241 = tpu.memref_slice %arg8[%dma_start3A_240] : memref<10240xi32, #tpu.memory_space<vmem>> -> memref<10240xi32, #tpu.memory_space<vmem>>
      %dma_start3A_242 = tpu.memref_slice %arg3[%multiple_of3A] : memref<320000xi32, #tpu.memory_space<hbm>> -> memref<10240xi32, #tpu.memory_space<hbm>>
      %dma_start3A_243 = tpu.memref_slice %arg3[%multiple_of3A] : memref<320000xi32, #tpu.memory_space<hbm>> -> memref<10240xi32, #tpu.memory_space<hbm>>
      %dma_start3A_244 = arith.constant 0 : i32
      %dma_start3A_245 = tpu.memref_slice %arg8[%dma_start3A_244] : memref<10240xi32, #tpu.memory_space<vmem>> -> memref<10240xi32, #tpu.memory_space<vmem>>
      tpu.enqueue_dma source(%dma_start3A_245 : memref<10240xi32, #tpu.memory_space<vmem>>) target(%dma_start3A_243 : memref<10240xi32, #tpu.memory_space<hbm>>) target_semaphore(%arg20 : memref<!tpu.dma_semaphore, #tpu.memory_space<semaphore_mem>>)
      %dma_start3A_246 = arith.constant 0 : i32
      %dma_start3A_247 = tpu.memref_slice %arg9[%dma_start3A_246] : memref<10240xi32, #tpu.memory_space<vmem>> -> memref<10240xi32, #tpu.memory_space<vmem>>
      %dma_start3A_248 = tpu.memref_slice %arg4[%multiple_of3A] : memref<320000xi32, #tpu.memory_space<hbm>> -> memref<10240xi32, #tpu.memory_space<hbm>>
      %dma_start3A_249 = tpu.memref_slice %arg4[%multiple_of3A] : memref<320000xi32, #tpu.memory_space<hbm>> -> memref<10240xi32, #tpu.memory_space<hbm>>
      %dma_start3A_250 = arith.constant 0 : i32
      %dma_start3A_251 = tpu.memref_slice %arg9[%dma_start3A_250] : memref<10240xi32, #tpu.memory_space<vmem>> -> memref<10240xi32, #tpu.memory_space<vmem>>
      tpu.enqueue_dma source(%dma_start3A_251 : memref<10240xi32, #tpu.memory_space<vmem>>) target(%dma_start3A_249 : memref<10240xi32, #tpu.memory_space<hbm>>) target_semaphore(%arg20 : memref<!tpu.dma_semaphore, #tpu.memory_space<semaphore_mem>>)
    } else {
    }
    %ge3A_33 = arith.constant 2 : i32
    %ge3A_34 = arith.cmpi sge, %add3A, %ge3A_33 : i32
    %convert_element_type3A_35 = arith.extui %ge3A_34 : i1 to i32
    %cond3A_36 = arith.constant 0 : i32
    %cond3A_37 = arith.cmpi ne, %convert_element_type3A_35, %cond3A_36 : i32
    scf.if %cond3A_37 {
      %dma_wait3A_218 = arith.constant 0 : i32
      %dma_wait3A_219 = arith.constant 0 : i32
      %dma_wait3A_220 = tpu.memref_slice %arg8[%dma_wait3A_219] : memref<10240xi32, #tpu.memory_space<vmem>> -> memref<9984xi32, #tpu.memory_space<vmem>>
      %dma_wait3A_221 = arith.constant 0 : i32
      %dma_wait3A_222 = tpu.memref_slice %arg2[%dma_wait3A_218, %dma_wait3A_221] : memref<2x320000xi32, #tpu.memory_space<hbm>> -> memref<1x9984xi32, #tpu.memory_space<hbm>>
      %dma_wait3A_223 = tpu.memref_squeeze %dma_wait3A_222 : memref<1x9984xi32, #tpu.memory_space<hbm>> -> memref<9984xi32, #tpu.memory_space<hbm>>
      %dma_wait3A_224 = arith.constant 0 : i32
      %dma_wait3A_225 = tpu.memref_slice %arg8[%dma_wait3A_224] : memref<10240xi32, #tpu.memory_space<vmem>> -> memref<9984xi32, #tpu.memory_space<vmem>>
      %dma_wait3A_226 = arith.constant 0 : i32
      %dma_wait3A_227 = tpu.memref_slice %arg2[%dma_wait3A_218, %dma_wait3A_226] : memref<2x320000xi32, #tpu.memory_space<hbm>> -> memref<1x9984xi32, #tpu.memory_space<hbm>>
      %dma_wait3A_228 = tpu.memref_squeeze %dma_wait3A_227 : memref<1x9984xi32, #tpu.memory_space<hbm>> -> memref<9984xi32, #tpu.memory_space<hbm>>
      tpu.wait_dma2 semaphore(%arg20 : memref<!tpu.dma_semaphore, #tpu.memory_space<semaphore_mem>>) src(%dma_wait3A_228 : memref<9984xi32, #tpu.memory_space<hbm>>) dst(%dma_wait3A_225 : memref<9984xi32, #tpu.memory_space<vmem>>)
      %dma_wait3A_229 = arith.constant 0 : i32
      %dma_wait3A_230 = arith.constant 0 : i32
      %dma_wait3A_231 = tpu.memref_slice %arg9[%dma_wait3A_230] : memref<10240xi32, #tpu.memory_space<vmem>> -> memref<9984xi32, #tpu.memory_space<vmem>>
      %dma_wait3A_232 = arith.constant 0 : i32
      %dma_wait3A_233 = tpu.memref_slice %arg2[%dma_wait3A_229, %dma_wait3A_232] : memref<2x320000xi32, #tpu.memory_space<hbm>> -> memref<1x9984xi32, #tpu.memory_space<hbm>>
      %dma_wait3A_234 = tpu.memref_squeeze %dma_wait3A_233 : memref<1x9984xi32, #tpu.memory_space<hbm>> -> memref<9984xi32, #tpu.memory_space<hbm>>
      %dma_wait3A_235 = arith.constant 0 : i32
      %dma_wait3A_236 = tpu.memref_slice %arg9[%dma_wait3A_235] : memref<10240xi32, #tpu.memory_space<vmem>> -> memref<9984xi32, #tpu.memory_space<vmem>>
      %dma_wait3A_237 = arith.constant 0 : i32
      %dma_wait3A_238 = tpu.memref_slice %arg2[%dma_wait3A_229, %dma_wait3A_237] : memref<2x320000xi32, #tpu.memory_space<hbm>> -> memref<1x9984xi32, #tpu.memory_space<hbm>>
      %dma_wait3A_239 = tpu.memref_squeeze %dma_wait3A_238 : memref<1x9984xi32, #tpu.memory_space<hbm>> -> memref<9984xi32, #tpu.memory_space<hbm>>
      tpu.wait_dma2 semaphore(%arg20 : memref<!tpu.dma_semaphore, #tpu.memory_space<semaphore_mem>>) src(%dma_wait3A_239 : memref<9984xi32, #tpu.memory_space<hbm>>) dst(%dma_wait3A_236 : memref<9984xi32, #tpu.memory_space<vmem>>)
      %dma_start3A_240 = arith.constant 0 : i32
      %dma_start3A_241 = tpu.memref_slice %arg8[%dma_start3A_240] : memref<10240xi32, #tpu.memory_space<vmem>> -> memref<9984xi32, #tpu.memory_space<vmem>>
      %dma_start3A_242 = tpu.memref_slice %arg3[%multiple_of3A] : memref<320000xi32, #tpu.memory_space<hbm>> -> memref<9984xi32, #tpu.memory_space<hbm>>
      %dma_start3A_243 = tpu.memref_slice %arg3[%multiple_of3A] : memref<320000xi32, #tpu.memory_space<hbm>> -> memref<9984xi32, #tpu.memory_space<hbm>>
      %dma_start3A_244 = arith.constant 0 : i32
      %dma_start3A_245 = tpu.memref_slice %arg8[%dma_start3A_244] : memref<10240xi32, #tpu.memory_space<vmem>> -> memref<9984xi32, #tpu.memory_space<vmem>>
      tpu.enqueue_dma source(%dma_start3A_245 : memref<9984xi32, #tpu.memory_space<vmem>>) target(%dma_start3A_243 : memref<9984xi32, #tpu.memory_space<hbm>>) target_semaphore(%arg20 : memref<!tpu.dma_semaphore, #tpu.memory_space<semaphore_mem>>)
      %dma_start3A_246 = arith.constant 0 : i32
      %dma_start3A_247 = tpu.memref_slice %arg9[%dma_start3A_246] : memref<10240xi32, #tpu.memory_space<vmem>> -> memref<9984xi32, #tpu.memory_space<vmem>>
      %dma_start3A_248 = tpu.memref_slice %arg4[%multiple_of3A] : memref<320000xi32, #tpu.memory_space<hbm>> -> memref<9984xi32, #tpu.memory_space<hbm>>
      %dma_start3A_249 = tpu.memref_slice %arg4[%multiple_of3A] : memref<320000xi32, #tpu.memory_space<hbm>> -> memref<9984xi32, #tpu.memory_space<hbm>>
      %dma_start3A_250 = arith.constant 0 : i32
      %dma_start3A_251 = tpu.memref_slice %arg9[%dma_start3A_250] : memref<10240xi32, #tpu.memory_space<vmem>> -> memref<9984xi32, #tpu.memory_space<vmem>>
      tpu.enqueue_dma source(%dma_start3A_251 : memref<9984xi32, #tpu.memory_space<vmem>>) target(%dma_start3A_249 : memref<9984xi32, #tpu.memory_space<hbm>>) target_semaphore(%arg20 : memref<!tpu.dma_semaphore, #tpu.memory_space<semaphore_mem>>)
    } else {
    }
    %scan3A_38 = arith.constant 0 : i32
    %scan3A_39 = arith.constant 5 : i32
    %scan3A_40 = arith.addi %scan3A_38, %scan3A_39 : i32
    %scan3A_41 = arith.constant 1 : i32
    scf.for %scan3A_218 = %scan3A_38 to %scan3A_40 step %scan3A_41  : i32 {
      %mul3A_219 = arith.constant 125 : i32
      %mul3A_220 = arith.muli %scan3A_218, %mul3A_219 : i32
      %add3A_221 = arith.constant 0 : i32
      %add3A_222 = arith.addi %add3A_221, %mul3A_220 : i32
      %mul3A_223 = arith.constant 625 : i32
      %mul3A_224 = arith.muli %arg1, %mul3A_223 : i32
      %add3A_225 = arith.addi %mul3A_224, %add3A_222 : i32
      "tpu.region"() ({
        %run_scoped3A = tpu.sem_alloc : memref<!tpu.dma_semaphore, #tpu.memory_space<semaphore_mem>>
        %dma_start3A_226 = arith.constant 0 : i32
        %dma_start3A_227 = tpu.memref_slice %arg13[%add3A_225, %dma_start3A_226] : memref<10008x16xf32, #tpu.memory_space<vmem_shared>> -> memref<125x16xf32, #tpu.memory_space<vmem_shared>>
        %dma_start3A_228 = arith.constant 0 : i32
        %dma_start3A_229 = tpu.memref_slice %arg13[%add3A_225, %dma_start3A_228] : memref<10008x16xf32, #tpu.memory_space<vmem_shared>> -> memref<125x16xf32, #tpu.memory_space<vmem_shared>>
        tpu.enqueue_dma source(%arg7 : memref<125x16xf32, #tpu.memory_space<vmem>>) target(%dma_start3A_229 : memref<125x16xf32, #tpu.memory_space<vmem_shared>>) target_semaphore(%run_scoped3A : memref<!tpu.dma_semaphore, #tpu.memory_space<semaphore_mem>>)
        %dma_wait3A_230 = arith.constant 0 : i32
        %dma_wait3A_231 = tpu.memref_slice %arg13[%add3A_225, %dma_wait3A_230] : memref<10008x16xf32, #tpu.memory_space<vmem_shared>> -> memref<125x16xf32, #tpu.memory_space<vmem_shared>>
        %dma_wait3A_232 = arith.constant 0 : i32
        %dma_wait3A_233 = tpu.memref_slice %arg13[%add3A_225, %dma_wait3A_232] : memref<10008x16xf32, #tpu.memory_space<vmem_shared>> -> memref<125x16xf32, #tpu.memory_space<vmem_shared>>
        tpu.wait_dma2 semaphore(%run_scoped3A : memref<!tpu.dma_semaphore, #tpu.memory_space<semaphore_mem>>) src(%arg7 : memref<125x16xf32, #tpu.memory_space<vmem>>) dst(%dma_wait3A_233 : memref<125x16xf32, #tpu.memory_space<vmem_shared>>)
        tpu.yield
      }) : () -> ()
    }
    %scan3A_42 = arith.constant 5 : i32
    %lt3A_43 = arith.constant 2 : i32
    %lt3A_44 = arith.cmpi slt, %add3A, %lt3A_43 : i32
    %convert_element_type3A_45 = arith.extui %lt3A_44 : i1 to i32
    %cond3A_46 = arith.constant 0 : i32
    %cond3A_47 = arith.cmpi ne, %convert_element_type3A_45, %cond3A_46 : i32
    scf.if %cond3A_47 {
      %dma_wait3A_218 = arith.constant 0 : i32
      %dma_wait3A_219 = arith.constant 0 : i32
      %dma_wait3A_220 = tpu.memref_slice %arg8[%dma_wait3A_219] : memref<10240xi32, #tpu.memory_space<vmem>> -> memref<10240xi32, #tpu.memory_space<vmem>>
      %dma_wait3A_221 = arith.constant 0 : i32
      %dma_wait3A_222 = tpu.memref_slice %arg2[%dma_wait3A_218, %dma_wait3A_221] : memref<2x320000xi32, #tpu.memory_space<hbm>> -> memref<1x10240xi32, #tpu.memory_space<hbm>>
      %dma_wait3A_223 = tpu.memref_squeeze %dma_wait3A_222 : memref<1x10240xi32, #tpu.memory_space<hbm>> -> memref<10240xi32, #tpu.memory_space<hbm>>
      %dma_wait3A_224 = arith.constant 0 : i32
      %dma_wait3A_225 = tpu.memref_slice %arg8[%dma_wait3A_224] : memref<10240xi32, #tpu.memory_space<vmem>> -> memref<10240xi32, #tpu.memory_space<vmem>>
      %dma_wait3A_226 = arith.constant 0 : i32
      %dma_wait3A_227 = tpu.memref_slice %arg2[%dma_wait3A_218, %dma_wait3A_226] : memref<2x320000xi32, #tpu.memory_space<hbm>> -> memref<1x10240xi32, #tpu.memory_space<hbm>>
      %dma_wait3A_228 = tpu.memref_squeeze %dma_wait3A_227 : memref<1x10240xi32, #tpu.memory_space<hbm>> -> memref<10240xi32, #tpu.memory_space<hbm>>
      tpu.wait_dma2 semaphore(%arg20 : memref<!tpu.dma_semaphore, #tpu.memory_space<semaphore_mem>>) src(%dma_wait3A_228 : memref<10240xi32, #tpu.memory_space<hbm>>) dst(%dma_wait3A_225 : memref<10240xi32, #tpu.memory_space<vmem>>)
      %dma_wait3A_229 = arith.constant 0 : i32
      %dma_wait3A_230 = arith.constant 0 : i32
      %dma_wait3A_231 = tpu.memref_slice %arg9[%dma_wait3A_230] : memref<10240xi32, #tpu.memory_space<vmem>> -> memref<10240xi32, #tpu.memory_space<vmem>>
      %dma_wait3A_232 = arith.constant 0 : i32
      %dma_wait3A_233 = tpu.memref_slice %arg2[%dma_wait3A_229, %dma_wait3A_232] : memref<2x320000xi32, #tpu.memory_space<hbm>> -> memref<1x10240xi32, #tpu.memory_space<hbm>>
      %dma_wait3A_234 = tpu.memref_squeeze %dma_wait3A_233 : memref<1x10240xi32, #tpu.memory_space<hbm>> -> memref<10240xi32, #tpu.memory_space<hbm>>
      %dma_wait3A_235 = arith.constant 0 : i32
      %dma_wait3A_236 = tpu.memref_slice %arg9[%dma_wait3A_235] : memref<10240xi32, #tpu.memory_space<vmem>> -> memref<10240xi32, #tpu.memory_space<vmem>>
      %dma_wait3A_237 = arith.constant 0 : i32
      %dma_wait3A_238 = tpu.memref_slice %arg2[%dma_wait3A_229, %dma_wait3A_237] : memref<2x320000xi32, #tpu.memory_space<hbm>> -> memref<1x10240xi32, #tpu.memory_space<hbm>>
      %dma_wait3A_239 = tpu.memref_squeeze %dma_wait3A_238 : memref<1x10240xi32, #tpu.memory_space<hbm>> -> memref<10240xi32, #tpu.memory_space<hbm>>
      tpu.wait_dma2 semaphore(%arg20 : memref<!tpu.dma_semaphore, #tpu.memory_space<semaphore_mem>>) src(%dma_wait3A_239 : memref<10240xi32, #tpu.memory_space<hbm>>) dst(%dma_wait3A_236 : memref<10240xi32, #tpu.memory_space<vmem>>)
    } else {
    }
    %ge3A_48 = arith.constant 2 : i32
    %ge3A_49 = arith.cmpi sge, %add3A, %ge3A_48 : i32
    %convert_element_type3A_50 = arith.extui %ge3A_49 : i1 to i32
    %cond3A_51 = arith.constant 0 : i32
    %cond3A_52 = arith.cmpi ne, %convert_element_type3A_50, %cond3A_51 : i32
    scf.if %cond3A_52 {
      %dma_wait3A_218 = arith.constant 0 : i32
      %dma_wait3A_219 = arith.constant 0 : i32
      %dma_wait3A_220 = tpu.memref_slice %arg8[%dma_wait3A_219] : memref<10240xi32, #tpu.memory_space<vmem>> -> memref<9984xi32, #tpu.memory_space<vmem>>
      %dma_wait3A_221 = arith.constant 0 : i32
      %dma_wait3A_222 = tpu.memref_slice %arg2[%dma_wait3A_218, %dma_wait3A_221] : memref<2x320000xi32, #tpu.memory_space<hbm>> -> memref<1x9984xi32, #tpu.memory_space<hbm>>
      %dma_wait3A_223 = tpu.memref_squeeze %dma_wait3A_222 : memref<1x9984xi32, #tpu.memory_space<hbm>> -> memref<9984xi32, #tpu.memory_space<hbm>>
      %dma_wait3A_224 = arith.constant 0 : i32
      %dma_wait3A_225 = tpu.memref_slice %arg8[%dma_wait3A_224] : memref<10240xi32, #tpu.memory_space<vmem>> -> memref<9984xi32, #tpu.memory_space<vmem>>
      %dma_wait3A_226 = arith.constant 0 : i32
      %dma_wait3A_227 = tpu.memref_slice %arg2[%dma_wait3A_218, %dma_wait3A_226] : memref<2x320000xi32, #tpu.memory_space<hbm>> -> memref<1x9984xi32, #tpu.memory_space<hbm>>
      %dma_wait3A_228 = tpu.memref_squeeze %dma_wait3A_227 : memref<1x9984xi32, #tpu.memory_space<hbm>> -> memref<9984xi32, #tpu.memory_space<hbm>>
      tpu.wait_dma2 semaphore(%arg20 : memref<!tpu.dma_semaphore, #tpu.memory_space<semaphore_mem>>) src(%dma_wait3A_228 : memref<9984xi32, #tpu.memory_space<hbm>>) dst(%dma_wait3A_225 : memref<9984xi32, #tpu.memory_space<vmem>>)
      %dma_wait3A_229 = arith.constant 0 : i32
      %dma_wait3A_230 = arith.constant 0 : i32
      %dma_wait3A_231 = tpu.memref_slice %arg9[%dma_wait3A_230] : memref<10240xi32, #tpu.memory_space<vmem>> -> memref<9984xi32, #tpu.memory_space<vmem>>
      %dma_wait3A_232 = arith.constant 0 : i32
      %dma_wait3A_233 = tpu.memref_slice %arg2[%dma_wait3A_229, %dma_wait3A_232] : memref<2x320000xi32, #tpu.memory_space<hbm>> -> memref<1x9984xi32, #tpu.memory_space<hbm>>
      %dma_wait3A_234 = tpu.memref_squeeze %dma_wait3A_233 : memref<1x9984xi32, #tpu.memory_space<hbm>> -> memref<9984xi32, #tpu.memory_space<hbm>>
      %dma_wait3A_235 = arith.constant 0 : i32
      %dma_wait3A_236 = tpu.memref_slice %arg9[%dma_wait3A_235] : memref<10240xi32, #tpu.memory_space<vmem>> -> memref<9984xi32, #tpu.memory_space<vmem>>
      %dma_wait3A_237 = arith.constant 0 : i32
      %dma_wait3A_238 = tpu.memref_slice %arg2[%dma_wait3A_229, %dma_wait3A_237] : memref<2x320000xi32, #tpu.memory_space<hbm>> -> memref<1x9984xi32, #tpu.memory_space<hbm>>
      %dma_wait3A_239 = tpu.memref_squeeze %dma_wait3A_238 : memref<1x9984xi32, #tpu.memory_space<hbm>> -> memref<9984xi32, #tpu.memory_space<hbm>>
      tpu.wait_dma2 semaphore(%arg20 : memref<!tpu.dma_semaphore, #tpu.memory_space<semaphore_mem>>) src(%dma_wait3A_239 : memref<9984xi32, #tpu.memory_space<hbm>>) dst(%dma_wait3A_236 : memref<9984xi32, #tpu.memory_space<vmem>>)
    } else {
    }
    %barrier3A = arith.constant 0 : index
    tpu.barrier barrier_id(%barrier3A)
    %min3A_53 = arith.constant 0 : i32
    %min3A_54 = arith.constant 39 : i32
    %min3A_55 = arith.minsi %min3A_53, %min3A_54 : i32
    %add3A_56 = arith.addi %add3A_4, %min3A_55 : i32
    %mul3A_57 = arith.constant 256 : i32
    %mul3A_58 = arith.muli %add3A_56, %mul3A_57 : i32
    %multiple_of3A_59 = tpu.assume_multiple %mul3A_58, 8 : i32
    %dma_start3A = arith.constant 1 : i32
    %dma_start3A_60 = tpu.memref_slice %arg2[%dma_start3A, %multiple_of3A_59] : memref<2x320000xi32, #tpu.memory_space<hbm>> -> memref<1x256xi32, #tpu.memory_space<hbm>>
    %dma_start3A_61 = tpu.memref_squeeze %dma_start3A_60 : memref<1x256xi32, #tpu.memory_space<hbm>> -> memref<256xi32, #tpu.memory_space<hbm>>
    %dma_start3A_62 = tpu.memref_slice %arg2[%dma_start3A, %multiple_of3A_59] : memref<2x320000xi32, #tpu.memory_space<hbm>> -> memref<1x256xi32, #tpu.memory_space<hbm>>
    %dma_start3A_63 = tpu.memref_squeeze %dma_start3A_62 : memref<1x256xi32, #tpu.memory_space<hbm>> -> memref<256xi32, #tpu.memory_space<hbm>>
    tpu.enqueue_dma source(%dma_start3A_63 : memref<256xi32, #tpu.memory_space<hbm>>) target(%arg10 : memref<256xi32, #tpu.memory_space<vmem>>) target_semaphore(%arg14 : memref<!tpu.dma_semaphore, #tpu.memory_space<semaphore_mem>>)
    %min3A_64 = arith.constant 1 : i32
    %min3A_65 = arith.constant 39 : i32
    %min3A_66 = arith.minsi %min3A_64, %min3A_65 : i32
    %add3A_67 = arith.addi %add3A_4, %min3A_66 : i32
    %mul3A_68 = arith.constant 256 : i32
    %mul3A_69 = arith.muli %add3A_67, %mul3A_68 : i32
    %multiple_of3A_70 = tpu.assume_multiple %mul3A_69, 8 : i32
    %dma_start3A_71 = arith.constant 1 : i32
    %dma_start3A_72 = tpu.memref_slice %arg2[%dma_start3A_71, %multiple_of3A_70] : memref<2x320000xi32, #tpu.memory_space<hbm>> -> memref<1x256xi32, #tpu.memory_space<hbm>>
    %dma_start3A_73 = tpu.memref_squeeze %dma_start3A_72 : memref<1x256xi32, #tpu.memory_space<hbm>> -> memref<256xi32, #tpu.memory_space<hbm>>
    %dma_start3A_74 = tpu.memref_slice %arg2[%dma_start3A_71, %multiple_of3A_70] : memref<2x320000xi32, #tpu.memory_space<hbm>> -> memref<1x256xi32, #tpu.memory_space<hbm>>
    %dma_start3A_75 = tpu.memref_squeeze %dma_start3A_74 : memref<1x256xi32, #tpu.memory_space<hbm>> -> memref<256xi32, #tpu.memory_space<hbm>>
    tpu.enqueue_dma source(%dma_start3A_75 : memref<256xi32, #tpu.memory_space<hbm>>) target(%arg11 : memref<256xi32, #tpu.memory_space<vmem>>) target_semaphore(%arg15 : memref<!tpu.dma_semaphore, #tpu.memory_space<semaphore_mem>>)
    %dma_wait3A = arith.constant 1 : i32
    %dma_wait3A_76 = arith.constant 0 : i32
    %dma_wait3A_77 = tpu.memref_slice %arg2[%dma_wait3A, %dma_wait3A_76] : memref<2x320000xi32, #tpu.memory_space<hbm>> -> memref<1x256xi32, #tpu.memory_space<hbm>>
    %dma_wait3A_78 = tpu.memref_squeeze %dma_wait3A_77 : memref<1x256xi32, #tpu.memory_space<hbm>> -> memref<256xi32, #tpu.memory_space<hbm>>
    %dma_wait3A_79 = arith.constant 0 : i32
    %dma_wait3A_80 = tpu.memref_slice %arg2[%dma_wait3A, %dma_wait3A_79] : memref<2x320000xi32, #tpu.memory_space<hbm>> -> memref<1x256xi32, #tpu.memory_space<hbm>>
    %dma_wait3A_81 = tpu.memref_squeeze %dma_wait3A_80 : memref<1x256xi32, #tpu.memory_space<hbm>> -> memref<256xi32, #tpu.memory_space<hbm>>
    tpu.wait_dma2 semaphore(%arg14 : memref<!tpu.dma_semaphore, #tpu.memory_space<semaphore_mem>>) src(%dma_wait3A_81 : memref<256xi32, #tpu.memory_space<hbm>>) dst(%arg10 : memref<256xi32, #tpu.memory_space<vmem>>)
    %ge3A_82 = arith.constant 0 : i32
    %ge3A_83 = arith.cmpi sge, %ge3A_82, %select_n3A : i32
    %convert_element_type3A_84 = arith.extui %ge3A_83 : i1 to i32
    %cond3A_85 = arith.constant 0 : i32
    %cond3A_86 = arith.cmpi ne, %convert_element_type3A_84, %cond3A_85 : i32
    scf.if %cond3A_86 {
      %broadcast_in_dim3A_218 = arith.constant 10000 : i32
      %broadcast_in_dim3A_219 = vector.broadcast %broadcast_in_dim3A_218 : i32 to vector<16xi32>
      %scan3A_220 = arith.constant 0 : i32
      %scan3A_221 = arith.constant 16 : i32
      %scan3A_222 = arith.addi %scan3A_220, %scan3A_221 : i32
      %scan3A_223 = arith.constant 1 : i32
      scf.for %scan3A_225 = %scan3A_220 to %scan3A_222 step %scan3A_223  : i32 {
        %mul3A_226 = arith.constant 16 : i32
        %mul3A_227 = arith.muli %scan3A_225, %mul3A_226 : i32
        %add3A_228 = arith.constant 0 : i32
        %add3A_229 = arith.addi %add3A_228, %mul3A_227 : i32
        %swap3A = arith.index_cast %add3A_229 : i32 to index
        %swap3A_230 = tpu.vector_load %arg10[%swap3A] {strides = array<i32>} : memref<256xi32, #tpu.memory_space<vmem>>, vector<16xi32>,
        %swap3A_231 = vector.shape_cast %swap3A_230 : vector<16xi32> to vector<16xi32>
        %swap3A_232 = vector.shape_cast %broadcast_in_dim3A_219 : vector<16xi32> to vector<16xi32>
        tpu.vector_store %arg10[%swap3A], %swap3A_232 {strides = array<i32>} : memref<256xi32, #tpu.memory_space<vmem>>, vector<16xi32>,
      }
      %scan3A_224 = arith.constant 16 : i32
    } else {
    }
    %dma_start3A_87 = arith.constant 0 : i32
    %dma_start3A_88 = arith.constant 0 : i32
    %dma_start3A_89 = tpu.memref_slice %arg13[%dma_start3A_87, %dma_start3A_88] : memref<10008x16xf32, #tpu.memory_space<vmem_shared>> -> memref<10008x16xf32, #tpu.memory_space<vmem_shared>>
    tpu.enqueue_indirect_dma source(%arg6 : memref<256x16xf32, #tpu.memory_space<vmem>>) target(%dma_start3A_89 : memref<10008x16xf32, #tpu.memory_space<vmem_shared>>) offsets(%arg10 : memref<256xi32, #tpu.memory_space<vmem>>) semaphore(%arg17 : memref<!tpu.dma_semaphore, #tpu.memory_space<semaphore_mem>>) {add = true}
    %add3A_90 = arith.constant 0 : i32
    %add3A_91 = arith.constant 2 : i32
    %add3A_92 = arith.addi %add3A_90, %add3A_91 : i32
    %min3A_93 = arith.constant 39 : i32
    %min3A_94 = arith.minsi %add3A_92, %min3A_93 : i32
    %add3A_95 = arith.addi %add3A_4, %min3A_94 : i32
    %mul3A_96 = arith.constant 256 : i32
    %mul3A_97 = arith.muli %add3A_95, %mul3A_96 : i32
    %multiple_of3A_98 = tpu.assume_multiple %mul3A_97, 8 : i32
    %dma_start3A_99 = arith.constant 1 : i32
    %dma_start3A_100 = tpu.memref_slice %arg2[%dma_start3A_99, %multiple_of3A_98] : memref<2x320000xi32, #tpu.memory_space<hbm>> -> memref<1x256xi32, #tpu.memory_space<hbm>>
    %dma_start3A_101 = tpu.memref_squeeze %dma_start3A_100 : memref<1x256xi32, #tpu.memory_space<hbm>> -> memref<256xi32, #tpu.memory_space<hbm>>
    %dma_start3A_102 = tpu.memref_slice %arg2[%dma_start3A_99, %multiple_of3A_98] : memref<2x320000xi32, #tpu.memory_space<hbm>> -> memref<1x256xi32, #tpu.memory_space<hbm>>
    %dma_start3A_103 = tpu.memref_squeeze %dma_start3A_102 : memref<1x256xi32, #tpu.memory_space<hbm>> -> memref<256xi32, #tpu.memory_space<hbm>>
    tpu.enqueue_dma source(%dma_start3A_103 : memref<256xi32, #tpu.memory_space<hbm>>) target(%arg12 : memref<256xi32, #tpu.memory_space<vmem>>) target_semaphore(%arg16 : memref<!tpu.dma_semaphore, #tpu.memory_space<semaphore_mem>>)
    %scan3A_104 = arith.constant 0 : i32
    %scan3A_105 = arith.constant 12 : i32
    %scan3A_106 = arith.addi %scan3A_104, %scan3A_105 : i32
    %scan3A_107 = arith.constant 1 : i32
    scf.for %scan3A_218 = %scan3A_104 to %scan3A_106 step %scan3A_107  : i32 {
      %mul3A_219 = arith.constant 1 : i32
      %mul3A_220 = arith.muli %scan3A_218, %mul3A_219 : i32
      %add3A_221 = arith.constant 0 : i32
      %add3A_222 = arith.addi %add3A_221, %mul3A_220 : i32
      %mul3A_223 = arith.constant 3 : i32
      %mul3A_224 = arith.muli %mul3A_223, %add3A_222 : i32
      %add3A_225 = arith.constant 1 : i32
      %add3A_226 = arith.addi %mul3A_224, %add3A_225 : i32
      %dma_wait3A_227 = arith.constant 1 : i32
      %dma_wait3A_228 = arith.constant 0 : i32
      %dma_wait3A_229 = tpu.memref_slice %arg2[%dma_wait3A_227, %dma_wait3A_228] : memref<2x320000xi32, #tpu.memory_space<hbm>> -> memref<1x256xi32, #tpu.memory_space<hbm>>
      %dma_wait3A_230 = tpu.memref_squeeze %dma_wait3A_229 : memref<1x256xi32, #tpu.memory_space<hbm>> -> memref<256xi32, #tpu.memory_space<hbm>>
      %dma_wait3A_231 = arith.constant 0 : i32
      %dma_wait3A_232 = tpu.memref_slice %arg2[%dma_wait3A_227, %dma_wait3A_231] : memref<2x320000xi32, #tpu.memory_space<hbm>> -> memref<1x256xi32, #tpu.memory_space<hbm>>
      %dma_wait3A_233 = tpu.memref_squeeze %dma_wait3A_232 : memref<1x256xi32, #tpu.memory_space<hbm>> -> memref<256xi32, #tpu.memory_space<hbm>>
      tpu.wait_dma2 semaphore(%arg15 : memref<!tpu.dma_semaphore, #tpu.memory_space<semaphore_mem>>) src(%dma_wait3A_233 : memref<256xi32, #tpu.memory_space<hbm>>) dst(%arg11 : memref<256xi32, #tpu.memory_space<vmem>>)
      %ge3A_234 = arith.cmpi sge, %add3A_226, %select_n3A : i32
      %convert_element_type3A_235 = arith.extui %ge3A_234 : i1 to i32
      %cond3A_236 = arith.constant 0 : i32
      %cond3A_237 = arith.cmpi ne, %convert_element_type3A_235, %cond3A_236 : i32
      scf.if %cond3A_237 {
        %broadcast_in_dim3A_330 = arith.constant 10000 : i32
        %broadcast_in_dim3A_331 = vector.broadcast %broadcast_in_dim3A_330 : i32 to vector<16xi32>
        %scan3A_332 = arith.constant 0 : i32
        %scan3A_333 = arith.constant 16 : i32
        %scan3A_334 = arith.addi %scan3A_332, %scan3A_333 : i32
        %scan3A_335 = arith.constant 1 : i32
        scf.for %scan3A_337 = %scan3A_332 to %scan3A_334 step %scan3A_335  : i32 {
          %mul3A_338 = arith.constant 16 : i32
          %mul3A_339 = arith.muli %scan3A_337, %mul3A_338 : i32
          %add3A_340 = arith.constant 0 : i32
          %add3A_341 = arith.addi %add3A_340, %mul3A_339 : i32
          %swap3A = arith.index_cast %add3A_341 : i32 to index
          %swap3A_342 = tpu.vector_load %arg11[%swap3A] {strides = array<i32>} : memref<256xi32, #tpu.memory_space<vmem>>, vector<16xi32>,
          %swap3A_343 = vector.shape_cast %swap3A_342 : vector<16xi32> to vector<16xi32>
          %swap3A_344 = vector.shape_cast %broadcast_in_dim3A_331 : vector<16xi32> to vector<16xi32>
          tpu.vector_store %arg11[%swap3A], %swap3A_344 {strides = array<i32>} : memref<256xi32, #tpu.memory_space<vmem>>, vector<16xi32>,
        }
        %scan3A_336 = arith.constant 16 : i32
      } else {
      }
      %dma_start3A_238 = arith.constant 0 : i32
      %dma_start3A_239 = arith.constant 0 : i32
      %dma_start3A_240 = tpu.memref_slice %arg13[%dma_start3A_238, %dma_start3A_239] : memref<10008x16xf32, #tpu.memory_space<vmem_shared>> -> memref<10008x16xf32, #tpu.memory_space<vmem_shared>>
      tpu.enqueue_indirect_dma source(%arg6 : memref<256x16xf32, #tpu.memory_space<vmem>>) target(%dma_start3A_240 : memref<10008x16xf32, #tpu.memory_space<vmem_shared>>) offsets(%arg11 : memref<256xi32, #tpu.memory_space<vmem>>) semaphore(%arg18 : memref<!tpu.dma_semaphore, #tpu.memory_space<semaphore_mem>>) {add = true}
      %dma_wait3A_241 = arith.constant 0 : i32
      %dma_wait3A_242 = arith.constant 0 : i32
      %dma_wait3A_243 = tpu.memref_slice %arg13[%dma_wait3A_241, %dma_wait3A_242] : memref<10008x16xf32, #tpu.memory_space<vmem_shared>> -> memref<256x16xf32, #tpu.memory_space<vmem_shared>>
      %dma_wait3A_244 = arith.constant 0 : i32
      %dma_wait3A_245 = arith.constant 0 : i32
      %dma_wait3A_246 = tpu.memref_slice %arg13[%dma_wait3A_244, %dma_wait3A_245] : memref<10008x16xf32, #tpu.memory_space<vmem_shared>> -> memref<256x16xf32, #tpu.memory_space<vmem_shared>>
      tpu.wait_dma2 semaphore(%arg17 : memref<!tpu.dma_semaphore, #tpu.memory_space<semaphore_mem>>) src(%arg6 : memref<256x16xf32, #tpu.memory_space<vmem>>) dst(%dma_wait3A_246 : memref<256x16xf32, #tpu.memory_space<vmem_shared>>)
      %add3A_247 = arith.constant 2 : i32
      %add3A_248 = arith.addi %add3A_226, %add3A_247 : i32
      %min3A_249 = arith.constant 39 : i32
      %min3A_250 = arith.minsi %add3A_248, %min3A_249 : i32
      %add3A_251 = arith.addi %add3A_4, %min3A_250 : i32
      %mul3A_252 = arith.constant 256 : i32
      %mul3A_253 = arith.muli %add3A_251, %mul3A_252 : i32
      %multiple_of3A_254 = tpu.assume_multiple %mul3A_253, 8 : i32
      %dma_start3A_255 = arith.constant 1 : i32
      %dma_start3A_256 = tpu.memref_slice %arg2[%dma_start3A_255, %multiple_of3A_254] : memref<2x320000xi32, #tpu.memory_space<hbm>> -> memref<1x256xi32, #tpu.memory_space<hbm>>
      %dma_start3A_257 = tpu.memref_squeeze %dma_start3A_256 : memref<1x256xi32, #tpu.memory_space<hbm>> -> memref<256xi32, #tpu.memory_space<hbm>>
      %dma_start3A_258 = tpu.memref_slice %arg2[%dma_start3A_255, %multiple_of3A_254] : memref<2x320000xi32, #tpu.memory_space<hbm>> -> memref<1x256xi32, #tpu.memory_space<hbm>>
      %dma_start3A_259 = tpu.memref_squeeze %dma_start3A_258 : memref<1x256xi32, #tpu.memory_space<hbm>> -> memref<256xi32, #tpu.memory_space<hbm>>
      tpu.enqueue_dma source(%dma_start3A_259 : memref<256xi32, #tpu.memory_space<hbm>>) target(%arg10 : memref<256xi32, #tpu.memory_space<vmem>>) target_semaphore(%arg14 : memref<!tpu.dma_semaphore, #tpu.memory_space<semaphore_mem>>)
      %add3A_260 = arith.constant 1 : i32
      %add3A_261 = arith.addi %add3A_226, %add3A_260 : i32
      %dma_wait3A_262 = arith.constant 1 : i32
      %dma_wait3A_263 = arith.constant 0 : i32
      %dma_wait3A_264 = tpu.memref_slice %arg2[%dma_wait3A_262, %dma_wait3A_263] : memref<2x320000xi32, #tpu.memory_space<hbm>> -> memref<1x256xi32, #tpu.memory_space<hbm>>
      %dma_wait3A_265 = tpu.memref_squeeze %dma_wait3A_264 : memref<1x256xi32, #tpu.memory_space<hbm>> -> memref<256xi32, #tpu.memory_space<hbm>>
      %dma_wait3A_266 = arith.constant 0 : i32
      %dma_wait3A_267 = tpu.memref_slice %arg2[%dma_wait3A_262, %dma_wait3A_266] : memref<2x320000xi32, #tpu.memory_space<hbm>> -> memref<1x256xi32, #tpu.memory_space<hbm>>
      %dma_wait3A_268 = tpu.memref_squeeze %dma_wait3A_267 : memref<1x256xi32, #tpu.memory_space<hbm>> -> memref<256xi32, #tpu.memory_space<hbm>>
      tpu.wait_dma2 semaphore(%arg16 : memref<!tpu.dma_semaphore, #tpu.memory_space<semaphore_mem>>) src(%dma_wait3A_268 : memref<256xi32, #tpu.memory_space<hbm>>) dst(%arg12 : memref<256xi32, #tpu.memory_space<vmem>>)
      %ge3A_269 = arith.cmpi sge, %add3A_261, %select_n3A : i32
      %convert_element_type3A_270 = arith.extui %ge3A_269 : i1 to i32
      %cond3A_271 = arith.constant 0 : i32
      %cond3A_272 = arith.cmpi ne, %convert_element_type3A_270, %cond3A_271 : i32
      scf.if %cond3A_272 {
        %broadcast_in_dim3A_330 = arith.constant 10000 : i32
        %broadcast_in_dim3A_331 = vector.broadcast %broadcast_in_dim3A_330 : i32 to vector<16xi32>
        %scan3A_332 = arith.constant 0 : i32
        %scan3A_333 = arith.constant 16 : i32
        %scan3A_334 = arith.addi %scan3A_332, %scan3A_333 : i32
        %scan3A_335 = arith.constant 1 : i32
        scf.for %scan3A_337 = %scan3A_332 to %scan3A_334 step %scan3A_335  : i32 {
          %mul3A_338 = arith.constant 16 : i32
          %mul3A_339 = arith.muli %scan3A_337, %mul3A_338 : i32
          %add3A_340 = arith.constant 0 : i32
          %add3A_341 = arith.addi %add3A_340, %mul3A_339 : i32
          %swap3A = arith.index_cast %add3A_341 : i32 to index
          %swap3A_342 = tpu.vector_load %arg12[%swap3A] {strides = array<i32>} : memref<256xi32, #tpu.memory_space<vmem>>, vector<16xi32>,
          %swap3A_343 = vector.shape_cast %swap3A_342 : vector<16xi32> to vector<16xi32>
          %swap3A_344 = vector.shape_cast %broadcast_in_dim3A_331 : vector<16xi32> to vector<16xi32>
          tpu.vector_store %arg12[%swap3A], %swap3A_344 {strides = array<i32>} : memref<256xi32, #tpu.memory_space<vmem>>, vector<16xi32>,
        }
        %scan3A_336 = arith.constant 16 : i32
      } else {
      }
      %dma_start3A_273 = arith.constant 0 : i32
      %dma_start3A_274 = arith.constant 0 : i32
      %dma_start3A_275 = tpu.memref_slice %arg13[%dma_start3A_273, %dma_start3A_274] : memref<10008x16xf32, #tpu.memory_space<vmem_shared>> -> memref<10008x16xf32, #tpu.memory_space<vmem_shared>>
      tpu.enqueue_indirect_dma source(%arg6 : memref<256x16xf32, #tpu.memory_space<vmem>>) target(%dma_start3A_275 : memref<10008x16xf32, #tpu.memory_space<vmem_shared>>) offsets(%arg12 : memref<256xi32, #tpu.memory_space<vmem>>) semaphore(%arg19 : memref<!tpu.dma_semaphore, #tpu.memory_space<semaphore_mem>>) {add = true}
      %dma_wait3A_276 = arith.constant 0 : i32
      %dma_wait3A_277 = arith.constant 0 : i32
      %dma_wait3A_278 = tpu.memref_slice %arg13[%dma_wait3A_276, %dma_wait3A_277] : memref<10008x16xf32, #tpu.memory_space<vmem_shared>> -> memref<256x16xf32, #tpu.memory_space<vmem_shared>>
      %dma_wait3A_279 = arith.constant 0 : i32
      %dma_wait3A_280 = arith.constant 0 : i32
      %dma_wait3A_281 = tpu.memref_slice %arg13[%dma_wait3A_279, %dma_wait3A_280] : memref<10008x16xf32, #tpu.memory_space<vmem_shared>> -> memref<256x16xf32, #tpu.memory_space<vmem_shared>>
      tpu.wait_dma2 semaphore(%arg18 : memref<!tpu.dma_semaphore, #tpu.memory_space<semaphore_mem>>) src(%arg6 : memref<256x16xf32, #tpu.memory_space<vmem>>) dst(%dma_wait3A_281 : memref<256x16xf32, #tpu.memory_space<vmem_shared>>)
      %add3A_282 = arith.constant 2 : i32
      %add3A_283 = arith.addi %add3A_261, %add3A_282 : i32
      %min3A_284 = arith.constant 39 : i32
      %min3A_285 = arith.minsi %add3A_283, %min3A_284 : i32
      %add3A_286 = arith.addi %add3A_4, %min3A_285 : i32
      %mul3A_287 = arith.constant 256 : i32
      %mul3A_288 = arith.muli %add3A_286, %mul3A_287 : i32
      %multiple_of3A_289 = tpu.assume_multiple %mul3A_288, 8 : i32
      %dma_start3A_290 = arith.constant 1 : i32
      %dma_start3A_291 = tpu.memref_slice %arg2[%dma_start3A_290, %multiple_of3A_289] : memref<2x320000xi32, #tpu.memory_space<hbm>> -> memref<1x256xi32, #tpu.memory_space<hbm>>
      %dma_start3A_292 = tpu.memref_squeeze %dma_start3A_291 : memref<1x256xi32, #tpu.memory_space<hbm>> -> memref<256xi32, #tpu.memory_space<hbm>>
      %dma_start3A_293 = tpu.memref_slice %arg2[%dma_start3A_290, %multiple_of3A_289] : memref<2x320000xi32, #tpu.memory_space<hbm>> -> memref<1x256xi32, #tpu.memory_space<hbm>>
      %dma_start3A_294 = tpu.memref_squeeze %dma_start3A_293 : memref<1x256xi32, #tpu.memory_space<hbm>> -> memref<256xi32, #tpu.memory_space<hbm>>
      tpu.enqueue_dma source(%dma_start3A_294 : memref<256xi32, #tpu.memory_space<hbm>>) target(%arg11 : memref<256xi32, #tpu.memory_space<vmem>>) target_semaphore(%arg15 : memref<!tpu.dma_semaphore, #tpu.memory_space<semaphore_mem>>)
      %add3A_295 = arith.constant 2 : i32
      %add3A_296 = arith.addi %add3A_226, %add3A_295 : i32
      %dma_wait3A_297 = arith.constant 1 : i32
      %dma_wait3A_298 = arith.constant 0 : i32
      %dma_wait3A_299 = tpu.memref_slice %arg2[%dma_wait3A_297, %dma_wait3A_298] : memref<2x320000xi32, #tpu.memory_space<hbm>> -> memref<1x256xi32, #tpu.memory_space<hbm>>
      %dma_wait3A_300 = tpu.memref_squeeze %dma_wait3A_299 : memref<1x256xi32, #tpu.memory_space<hbm>> -> memref<256xi32, #tpu.memory_space<hbm>>
      %dma_wait3A_301 = arith.constant 0 : i32
      %dma_wait3A_302 = tpu.memref_slice %arg2[%dma_wait3A_297, %dma_wait3A_301] : memref<2x320000xi32, #tpu.memory_space<hbm>> -> memref<1x256xi32, #tpu.memory_space<hbm>>
      %dma_wait3A_303 = tpu.memref_squeeze %dma_wait3A_302 : memref<1x256xi32, #tpu.memory_space<hbm>> -> memref<256xi32, #tpu.memory_space<hbm>>
      tpu.wait_dma2 semaphore(%arg14 : memref<!tpu.dma_semaphore, #tpu.memory_space<semaphore_mem>>) src(%dma_wait3A_303 : memref<256xi32, #tpu.memory_space<hbm>>) dst(%arg10 : memref<256xi32, #tpu.memory_space<vmem>>)
      %ge3A_304 = arith.cmpi sge, %add3A_296, %select_n3A : i32
      %convert_element_type3A_305 = arith.extui %ge3A_304 : i1 to i32
      %cond3A_306 = arith.constant 0 : i32
      %cond3A_307 = arith.cmpi ne, %convert_element_type3A_305, %cond3A_306 : i32
      scf.if %cond3A_307 {
        %broadcast_in_dim3A_330 = arith.constant 10000 : i32
        %broadcast_in_dim3A_331 = vector.broadcast %broadcast_in_dim3A_330 : i32 to vector<16xi32>
        %scan3A_332 = arith.constant 0 : i32
        %scan3A_333 = arith.constant 16 : i32
        %scan3A_334 = arith.addi %scan3A_332, %scan3A_333 : i32
        %scan3A_335 = arith.constant 1 : i32
        scf.for %scan3A_337 = %scan3A_332 to %scan3A_334 step %scan3A_335  : i32 {
          %mul3A_338 = arith.constant 16 : i32
          %mul3A_339 = arith.muli %scan3A_337, %mul3A_338 : i32
          %add3A_340 = arith.constant 0 : i32
          %add3A_341 = arith.addi %add3A_340, %mul3A_339 : i32
          %swap3A = arith.index_cast %add3A_341 : i32 to index
          %swap3A_342 = tpu.vector_load %arg10[%swap3A] {strides = array<i32>} : memref<256xi32, #tpu.memory_space<vmem>>, vector<16xi32>,
          %swap3A_343 = vector.shape_cast %swap3A_342 : vector<16xi32> to vector<16xi32>
          %swap3A_344 = vector.shape_cast %broadcast_in_dim3A_331 : vector<16xi32> to vector<16xi32>
          tpu.vector_store %arg10[%swap3A], %swap3A_344 {strides = array<i32>} : memref<256xi32, #tpu.memory_space<vmem>>, vector<16xi32>,
        }
        %scan3A_336 = arith.constant 16 : i32
      } else {
      }
      %dma_start3A_308 = arith.constant 0 : i32
      %dma_start3A_309 = arith.constant 0 : i32
      %dma_start3A_310 = tpu.memref_slice %arg13[%dma_start3A_308, %dma_start3A_309] : memref<10008x16xf32, #tpu.memory_space<vmem_shared>> -> memref<10008x16xf32, #tpu.memory_space<vmem_shared>>
      tpu.enqueue_indirect_dma source(%arg6 : memref<256x16xf32, #tpu.memory_space<vmem>>) target(%dma_start3A_310 : memref<10008x16xf32, #tpu.memory_space<vmem_shared>>) offsets(%arg10 : memref<256xi32, #tpu.memory_space<vmem>>) semaphore(%arg17 : memref<!tpu.dma_semaphore, #tpu.memory_space<semaphore_mem>>) {add = true}
      %dma_wait3A_311 = arith.constant 0 : i32
      %dma_wait3A_312 = arith.constant 0 : i32
      %dma_wait3A_313 = tpu.memref_slice %arg13[%dma_wait3A_311, %dma_wait3A_312] : memref<10008x16xf32, #tpu.memory_space<vmem_shared>> -> memref<256x16xf32, #tpu.memory_space<vmem_shared>>
      %dma_wait3A_314 = arith.constant 0 : i32
      %dma_wait3A_315 = arith.constant 0 : i32
      %dma_wait3A_316 = tpu.memref_slice %arg13[%dma_wait3A_314, %dma_wait3A_315] : memref<10008x16xf32, #tpu.memory_space<vmem_shared>> -> memref<256x16xf32, #tpu.memory_space<vmem_shared>>
      tpu.wait_dma2 semaphore(%arg19 : memref<!tpu.dma_semaphore, #tpu.memory_space<semaphore_mem>>) src(%arg6 : memref<256x16xf32, #tpu.memory_space<vmem>>) dst(%dma_wait3A_316 : memref<256x16xf32, #tpu.memory_space<vmem_shared>>)
      %add3A_317 = arith.constant 2 : i32
      %add3A_318 = arith.addi %add3A_296, %add3A_317 : i32
      %min3A_319 = arith.constant 39 : i32
      %min3A_320 = arith.minsi %add3A_318, %min3A_319 : i32
      %add3A_321 = arith.addi %add3A_4, %min3A_320 : i32
      %mul3A_322 = arith.constant 256 : i32
      %mul3A_323 = arith.muli %add3A_321, %mul3A_322 : i32
      %multiple_of3A_324 = tpu.assume_multiple %mul3A_323, 8 : i32
      %dma_start3A_325 = arith.constant 1 : i32
      %dma_start3A_326 = tpu.memref_slice %arg2[%dma_start3A_325, %multiple_of3A_324] : memref<2x320000xi32, #tpu.memory_space<hbm>> -> memref<1x256xi32, #tpu.memory_space<hbm>>
      %dma_start3A_327 = tpu.memref_squeeze %dma_start3A_326 : memref<1x256xi32, #tpu.memory_space<hbm>> -> memref<256xi32, #tpu.memory_space<hbm>>
      %dma_start3A_328 = tpu.memref_slice %arg2[%dma_start3A_325, %multiple_of3A_324] : memref<2x320000xi32, #tpu.memory_space<hbm>> -> memref<1x256xi32, #tpu.memory_space<hbm>>
      %dma_start3A_329 = tpu.memref_squeeze %dma_start3A_328 : memref<1x256xi32, #tpu.memory_space<hbm>> -> memref<256xi32, #tpu.memory_space<hbm>>
      tpu.enqueue_dma source(%dma_start3A_329 : memref<256xi32, #tpu.memory_space<hbm>>) target(%arg12 : memref<256xi32, #tpu.memory_space<vmem>>) target_semaphore(%arg16 : memref<!tpu.dma_semaphore, #tpu.memory_space<semaphore_mem>>)
    }
    %scan3A_108 = arith.constant 12 : i32
    %dma_wait3A_109 = arith.constant 1 : i32
    %dma_wait3A_110 = arith.constant 0 : i32
    %dma_wait3A_111 = tpu.memref_slice %arg2[%dma_wait3A_109, %dma_wait3A_110] : memref<2x320000xi32, #tpu.memory_space<hbm>> -> memref<1x256xi32, #tpu.memory_space<hbm>>
    %dma_wait3A_112 = tpu.memref_squeeze %dma_wait3A_111 : memref<1x256xi32, #tpu.memory_space<hbm>> -> memref<256xi32, #tpu.memory_space<hbm>>
    %dma_wait3A_113 = arith.constant 0 : i32
    %dma_wait3A_114 = tpu.memref_slice %arg2[%dma_wait3A_109, %dma_wait3A_113] : memref<2x320000xi32, #tpu.memory_space<hbm>> -> memref<1x256xi32, #tpu.memory_space<hbm>>
    %dma_wait3A_115 = tpu.memref_squeeze %dma_wait3A_114 : memref<1x256xi32, #tpu.memory_space<hbm>> -> memref<256xi32, #tpu.memory_space<hbm>>
    tpu.wait_dma2 semaphore(%arg15 : memref<!tpu.dma_semaphore, #tpu.memory_space<semaphore_mem>>) src(%dma_wait3A_115 : memref<256xi32, #tpu.memory_space<hbm>>) dst(%arg11 : memref<256xi32, #tpu.memory_space<vmem>>)
    %ge3A_116 = arith.constant 37 : i32
    %ge3A_117 = arith.cmpi sge, %ge3A_116, %select_n3A : i32
    %convert_element_type3A_118 = arith.extui %ge3A_117 : i1 to i32
    %cond3A_119 = arith.constant 0 : i32
    %cond3A_120 = arith.cmpi ne, %convert_element_type3A_118, %cond3A_119 : i32
    scf.if %cond3A_120 {
      %broadcast_in_dim3A_218 = arith.constant 10000 : i32
      %broadcast_in_dim3A_219 = vector.broadcast %broadcast_in_dim3A_218 : i32 to vector<16xi32>
      %scan3A_220 = arith.constant 0 : i32
      %scan3A_221 = arith.constant 16 : i32
      %scan3A_222 = arith.addi %scan3A_220, %scan3A_221 : i32
      %scan3A_223 = arith.constant 1 : i32
      scf.for %scan3A_225 = %scan3A_220 to %scan3A_222 step %scan3A_223  : i32 {
        %mul3A_226 = arith.constant 16 : i32
        %mul3A_227 = arith.muli %scan3A_225, %mul3A_226 : i32
        %add3A_228 = arith.constant 0 : i32
        %add3A_229 = arith.addi %add3A_228, %mul3A_227 : i32
        %swap3A = arith.index_cast %add3A_229 : i32 to index
        %swap3A_230 = tpu.vector_load %arg11[%swap3A] {strides = array<i32>} : memref<256xi32, #tpu.memory_space<vmem>>, vector<16xi32>,
        %swap3A_231 = vector.shape_cast %swap3A_230 : vector<16xi32> to vector<16xi32>
        %swap3A_232 = vector.shape_cast %broadcast_in_dim3A_219 : vector<16xi32> to vector<16xi32>
        tpu.vector_store %arg11[%swap3A], %swap3A_232 {strides = array<i32>} : memref<256xi32, #tpu.memory_space<vmem>>, vector<16xi32>,
      }
      %scan3A_224 = arith.constant 16 : i32
    } else {
    }
    %dma_start3A_121 = arith.constant 0 : i32
    %dma_start3A_122 = arith.constant 0 : i32
    %dma_start3A_123 = tpu.memref_slice %arg13[%dma_start3A_121, %dma_start3A_122] : memref<10008x16xf32, #tpu.memory_space<vmem_shared>> -> memref<10008x16xf32, #tpu.memory_space<vmem_shared>>
    tpu.enqueue_indirect_dma source(%arg6 : memref<256x16xf32, #tpu.memory_space<vmem>>) target(%dma_start3A_123 : memref<10008x16xf32, #tpu.memory_space<vmem_shared>>) offsets(%arg11 : memref<256xi32, #tpu.memory_space<vmem>>) semaphore(%arg18 : memref<!tpu.dma_semaphore, #tpu.memory_space<semaphore_mem>>) {add = true}
    %dma_wait3A_124 = arith.constant 0 : i32
    %dma_wait3A_125 = arith.constant 0 : i32
    %dma_wait3A_126 = tpu.memref_slice %arg13[%dma_wait3A_124, %dma_wait3A_125] : memref<10008x16xf32, #tpu.memory_space<vmem_shared>> -> memref<256x16xf32, #tpu.memory_space<vmem_shared>>
    %dma_wait3A_127 = arith.constant 0 : i32
    %dma_wait3A_128 = arith.constant 0 : i32
    %dma_wait3A_129 = tpu.memref_slice %arg13[%dma_wait3A_127, %dma_wait3A_128] : memref<10008x16xf32, #tpu.memory_space<vmem_shared>> -> memref<256x16xf32, #tpu.memory_space<vmem_shared>>
    tpu.wait_dma2 semaphore(%arg17 : memref<!tpu.dma_semaphore, #tpu.memory_space<semaphore_mem>>) src(%arg6 : memref<256x16xf32, #tpu.memory_space<vmem>>) dst(%dma_wait3A_129 : memref<256x16xf32, #tpu.memory_space<vmem_shared>>)
    %add3A_130 = arith.constant 37 : i32
    %add3A_131 = arith.constant 2 : i32
    %add3A_132 = arith.addi %add3A_130, %add3A_131 : i32
    %min3A_133 = arith.constant 39 : i32
    %min3A_134 = arith.minsi %add3A_132, %min3A_133 : i32
    %add3A_135 = arith.addi %add3A_4, %min3A_134 : i32
    %mul3A_136 = arith.constant 256 : i32
    %mul3A_137 = arith.muli %add3A_135, %mul3A_136 : i32
    %multiple_of3A_138 = tpu.assume_multiple %mul3A_137, 8 : i32
    %dma_start3A_139 = arith.constant 1 : i32
    %dma_start3A_140 = tpu.memref_slice %arg2[%dma_start3A_139, %multiple_of3A_138] : memref<2x320000xi32, #tpu.memory_space<hbm>> -> memref<1x256xi32, #tpu.memory_space<hbm>>
    %dma_start3A_141 = tpu.memref_squeeze %dma_start3A_140 : memref<1x256xi32, #tpu.memory_space<hbm>> -> memref<256xi32, #tpu.memory_space<hbm>>
    %dma_start3A_142 = tpu.memref_slice %arg2[%dma_start3A_139, %multiple_of3A_138] : memref<2x320000xi32, #tpu.memory_space<hbm>> -> memref<1x256xi32, #tpu.memory_space<hbm>>
    %dma_start3A_143 = tpu.memref_squeeze %dma_start3A_142 : memref<1x256xi32, #tpu.memory_space<hbm>> -> memref<256xi32, #tpu.memory_space<hbm>>
    tpu.enqueue_dma source(%dma_start3A_143 : memref<256xi32, #tpu.memory_space<hbm>>) target(%arg10 : memref<256xi32, #tpu.memory_space<vmem>>) target_semaphore(%arg14 : memref<!tpu.dma_semaphore, #tpu.memory_space<semaphore_mem>>)
    %dma_wait3A_144 = arith.constant 1 : i32
    %dma_wait3A_145 = arith.constant 0 : i32
    %dma_wait3A_146 = tpu.memref_slice %arg2[%dma_wait3A_144, %dma_wait3A_145] : memref<2x320000xi32, #tpu.memory_space<hbm>> -> memref<1x256xi32, #tpu.memory_space<hbm>>
    %dma_wait3A_147 = tpu.memref_squeeze %dma_wait3A_146 : memref<1x256xi32, #tpu.memory_space<hbm>> -> memref<256xi32, #tpu.memory_space<hbm>>
    %dma_wait3A_148 = arith.constant 0 : i32
    %dma_wait3A_149 = tpu.memref_slice %arg2[%dma_wait3A_144, %dma_wait3A_148] : memref<2x320000xi32, #tpu.memory_space<hbm>> -> memref<1x256xi32, #tpu.memory_space<hbm>>
    %dma_wait3A_150 = tpu.memref_squeeze %dma_wait3A_149 : memref<1x256xi32, #tpu.memory_space<hbm>> -> memref<256xi32, #tpu.memory_space<hbm>>
    tpu.wait_dma2 semaphore(%arg16 : memref<!tpu.dma_semaphore, #tpu.memory_space<semaphore_mem>>) src(%dma_wait3A_150 : memref<256xi32, #tpu.memory_space<hbm>>) dst(%arg12 : memref<256xi32, #tpu.memory_space<vmem>>)
    %ge3A_151 = arith.constant 38 : i32
    %ge3A_152 = arith.cmpi sge, %ge3A_151, %select_n3A : i32
    %convert_element_type3A_153 = arith.extui %ge3A_152 : i1 to i32
    %cond3A_154 = arith.constant 0 : i32
    %cond3A_155 = arith.cmpi ne, %convert_element_type3A_153, %cond3A_154 : i32
    scf.if %cond3A_155 {
      %broadcast_in_dim3A_218 = arith.constant 10000 : i32
      %broadcast_in_dim3A_219 = vector.broadcast %broadcast_in_dim3A_218 : i32 to vector<16xi32>
      %scan3A_220 = arith.constant 0 : i32
      %scan3A_221 = arith.constant 16 : i32
      %scan3A_222 = arith.addi %scan3A_220, %scan3A_221 : i32
      %scan3A_223 = arith.constant 1 : i32
      scf.for %scan3A_225 = %scan3A_220 to %scan3A_222 step %scan3A_223  : i32 {
        %mul3A_226 = arith.constant 16 : i32
        %mul3A_227 = arith.muli %scan3A_225, %mul3A_226 : i32
        %add3A_228 = arith.constant 0 : i32
        %add3A_229 = arith.addi %add3A_228, %mul3A_227 : i32
        %swap3A = arith.index_cast %add3A_229 : i32 to index
        %swap3A_230 = tpu.vector_load %arg12[%swap3A] {strides = array<i32>} : memref<256xi32, #tpu.memory_space<vmem>>, vector<16xi32>,
        %swap3A_231 = vector.shape_cast %swap3A_230 : vector<16xi32> to vector<16xi32>
        %swap3A_232 = vector.shape_cast %broadcast_in_dim3A_219 : vector<16xi32> to vector<16xi32>
        tpu.vector_store %arg12[%swap3A], %swap3A_232 {strides = array<i32>} : memref<256xi32, #tpu.memory_space<vmem>>, vector<16xi32>,
      }
      %scan3A_224 = arith.constant 16 : i32
    } else {
    }
    %dma_start3A_156 = arith.constant 0 : i32
    %dma_start3A_157 = arith.constant 0 : i32
    %dma_start3A_158 = tpu.memref_slice %arg13[%dma_start3A_156, %dma_start3A_157] : memref<10008x16xf32, #tpu.memory_space<vmem_shared>> -> memref<10008x16xf32, #tpu.memory_space<vmem_shared>>
    tpu.enqueue_indirect_dma source(%arg6 : memref<256x16xf32, #tpu.memory_space<vmem>>) target(%dma_start3A_158 : memref<10008x16xf32, #tpu.memory_space<vmem_shared>>) offsets(%arg12 : memref<256xi32, #tpu.memory_space<vmem>>) semaphore(%arg19 : memref<!tpu.dma_semaphore, #tpu.memory_space<semaphore_mem>>) {add = true}
    %dma_wait3A_159 = arith.constant 0 : i32
    %dma_wait3A_160 = arith.constant 0 : i32
    %dma_wait3A_161 = tpu.memref_slice %arg13[%dma_wait3A_159, %dma_wait3A_160] : memref<10008x16xf32, #tpu.memory_space<vmem_shared>> -> memref<256x16xf32, #tpu.memory_space<vmem_shared>>
    %dma_wait3A_162 = arith.constant 0 : i32
    %dma_wait3A_163 = arith.constant 0 : i32
    %dma_wait3A_164 = tpu.memref_slice %arg13[%dma_wait3A_162, %dma_wait3A_163] : memref<10008x16xf32, #tpu.memory_space<vmem_shared>> -> memref<256x16xf32, #tpu.memory_space<vmem_shared>>
    tpu.wait_dma2 semaphore(%arg18 : memref<!tpu.dma_semaphore, #tpu.memory_space<semaphore_mem>>) src(%arg6 : memref<256x16xf32, #tpu.memory_space<vmem>>) dst(%dma_wait3A_164 : memref<256x16xf32, #tpu.memory_space<vmem_shared>>)
    %add3A_165 = arith.constant 38 : i32
    %add3A_166 = arith.constant 2 : i32
    %add3A_167 = arith.addi %add3A_165, %add3A_166 : i32
    %min3A_168 = arith.constant 39 : i32
    %min3A_169 = arith.minsi %add3A_167, %min3A_168 : i32
    %add3A_170 = arith.addi %add3A_4, %min3A_169 : i32
    %mul3A_171 = arith.constant 256 : i32
    %mul3A_172 = arith.muli %add3A_170, %mul3A_171 : i32
    %multiple_of3A_173 = tpu.assume_multiple %mul3A_172, 8 : i32
    %dma_start3A_174 = arith.constant 1 : i32
    %dma_start3A_175 = tpu.memref_slice %arg2[%dma_start3A_174, %multiple_of3A_173] : memref<2x320000xi32, #tpu.memory_space<hbm>> -> memref<1x256xi32, #tpu.memory_space<hbm>>
    %dma_start3A_176 = tpu.memref_squeeze %dma_start3A_175 : memref<1x256xi32, #tpu.memory_space<hbm>> -> memref<256xi32, #tpu.memory_space<hbm>>
    %dma_start3A_177 = tpu.memref_slice %arg2[%dma_start3A_174, %multiple_of3A_173] : memref<2x320000xi32, #tpu.memory_space<hbm>> -> memref<1x256xi32, #tpu.memory_space<hbm>>
    %dma_start3A_178 = tpu.memref_squeeze %dma_start3A_177 : memref<1x256xi32, #tpu.memory_space<hbm>> -> memref<256xi32, #tpu.memory_space<hbm>>
    tpu.enqueue_dma source(%dma_start3A_178 : memref<256xi32, #tpu.memory_space<hbm>>) target(%arg11 : memref<256xi32, #tpu.memory_space<vmem>>) target_semaphore(%arg15 : memref<!tpu.dma_semaphore, #tpu.memory_space<semaphore_mem>>)
    %dma_wait3A_179 = arith.constant 1 : i32
    %dma_wait3A_180 = arith.constant 0 : i32
    %dma_wait3A_181 = tpu.memref_slice %arg2[%dma_wait3A_179, %dma_wait3A_180] : memref<2x320000xi32, #tpu.memory_space<hbm>> -> memref<1x256xi32, #tpu.memory_space<hbm>>
    %dma_wait3A_182 = tpu.memref_squeeze %dma_wait3A_181 : memref<1x256xi32, #tpu.memory_space<hbm>> -> memref<256xi32, #tpu.memory_space<hbm>>
    %dma_wait3A_183 = arith.constant 0 : i32
    %dma_wait3A_184 = tpu.memref_slice %arg2[%dma_wait3A_179, %dma_wait3A_183] : memref<2x320000xi32, #tpu.memory_space<hbm>> -> memref<1x256xi32, #tpu.memory_space<hbm>>
    %dma_wait3A_185 = tpu.memref_squeeze %dma_wait3A_184 : memref<1x256xi32, #tpu.memory_space<hbm>> -> memref<256xi32, #tpu.memory_space<hbm>>
    tpu.wait_dma2 semaphore(%arg14 : memref<!tpu.dma_semaphore, #tpu.memory_space<semaphore_mem>>) src(%dma_wait3A_185 : memref<256xi32, #tpu.memory_space<hbm>>) dst(%arg10 : memref<256xi32, #tpu.memory_space<vmem>>)
    %ge3A_186 = arith.constant 39 : i32
    %ge3A_187 = arith.cmpi sge, %ge3A_186, %select_n3A : i32
    %convert_element_type3A_188 = arith.extui %ge3A_187 : i1 to i32
    %cond3A_189 = arith.constant 0 : i32
    %cond3A_190 = arith.cmpi ne, %convert_element_type3A_188, %cond3A_189 : i32
    scf.if %cond3A_190 {
      %broadcast_in_dim3A_218 = arith.constant 10000 : i32
      %broadcast_in_dim3A_219 = vector.broadcast %broadcast_in_dim3A_218 : i32 to vector<16xi32>
      %scan3A_220 = arith.constant 0 : i32
      %scan3A_221 = arith.constant 16 : i32
      %scan3A_222 = arith.addi %scan3A_220, %scan3A_221 : i32
      %scan3A_223 = arith.constant 1 : i32
      scf.for %scan3A_225 = %scan3A_220 to %scan3A_222 step %scan3A_223  : i32 {
        %mul3A_226 = arith.constant 16 : i32
        %mul3A_227 = arith.muli %scan3A_225, %mul3A_226 : i32
        %add3A_228 = arith.constant 0 : i32
        %add3A_229 = arith.addi %add3A_228, %mul3A_227 : i32
        %swap3A = arith.index_cast %add3A_229 : i32 to index
        %swap3A_230 = tpu.vector_load %arg10[%swap3A] {strides = array<i32>} : memref<256xi32, #tpu.memory_space<vmem>>, vector<16xi32>,
        %swap3A_231 = vector.shape_cast %swap3A_230 : vector<16xi32> to vector<16xi32>
        %swap3A_232 = vector.shape_cast %broadcast_in_dim3A_219 : vector<16xi32> to vector<16xi32>
        tpu.vector_store %arg10[%swap3A], %swap3A_232 {strides = array<i32>} : memref<256xi32, #tpu.memory_space<vmem>>, vector<16xi32>,
      }
      %scan3A_224 = arith.constant 16 : i32
    } else {
    }
    %dma_start3A_191 = arith.constant 0 : i32
    %dma_start3A_192 = arith.constant 0 : i32
    %dma_start3A_193 = tpu.memref_slice %arg13[%dma_start3A_191, %dma_start3A_192] : memref<10008x16xf32, #tpu.memory_space<vmem_shared>> -> memref<10008x16xf32, #tpu.memory_space<vmem_shared>>
    tpu.enqueue_indirect_dma source(%arg6 : memref<256x16xf32, #tpu.memory_space<vmem>>) target(%dma_start3A_193 : memref<10008x16xf32, #tpu.memory_space<vmem_shared>>) offsets(%arg10 : memref<256xi32, #tpu.memory_space<vmem>>) semaphore(%arg17 : memref<!tpu.dma_semaphore, #tpu.memory_space<semaphore_mem>>) {add = true}
    %dma_wait3A_194 = arith.constant 0 : i32
    %dma_wait3A_195 = arith.constant 0 : i32
    %dma_wait3A_196 = tpu.memref_slice %arg13[%dma_wait3A_194, %dma_wait3A_195] : memref<10008x16xf32, #tpu.memory_space<vmem_shared>> -> memref<256x16xf32, #tpu.memory_space<vmem_shared>>
    %dma_wait3A_197 = arith.constant 0 : i32
    %dma_wait3A_198 = arith.constant 0 : i32
    %dma_wait3A_199 = tpu.memref_slice %arg13[%dma_wait3A_197, %dma_wait3A_198] : memref<10008x16xf32, #tpu.memory_space<vmem_shared>> -> memref<256x16xf32, #tpu.memory_space<vmem_shared>>
    tpu.wait_dma2 semaphore(%arg19 : memref<!tpu.dma_semaphore, #tpu.memory_space<semaphore_mem>>) src(%arg6 : memref<256x16xf32, #tpu.memory_space<vmem>>) dst(%dma_wait3A_199 : memref<256x16xf32, #tpu.memory_space<vmem_shared>>)
    %dma_wait3A_200 = arith.constant 1 : i32
    %dma_wait3A_201 = arith.constant 0 : i32
    %dma_wait3A_202 = tpu.memref_slice %arg2[%dma_wait3A_200, %dma_wait3A_201] : memref<2x320000xi32, #tpu.memory_space<hbm>> -> memref<1x256xi32, #tpu.memory_space<hbm>>
    %dma_wait3A_203 = tpu.memref_squeeze %dma_wait3A_202 : memref<1x256xi32, #tpu.memory_space<hbm>> -> memref<256xi32, #tpu.memory_space<hbm>>
    %dma_wait3A_204 = arith.constant 0 : i32
    %dma_wait3A_205 = tpu.memref_slice %arg2[%dma_wait3A_200, %dma_wait3A_204] : memref<2x320000xi32, #tpu.memory_space<hbm>> -> memref<1x256xi32, #tpu.memory_space<hbm>>
    %dma_wait3A_206 = tpu.memref_squeeze %dma_wait3A_205 : memref<1x256xi32, #tpu.memory_space<hbm>> -> memref<256xi32, #tpu.memory_space<hbm>>
    tpu.wait_dma2 semaphore(%arg15 : memref<!tpu.dma_semaphore, #tpu.memory_space<semaphore_mem>>) src(%dma_wait3A_206 : memref<256xi32, #tpu.memory_space<hbm>>) dst(%arg11 : memref<256xi32, #tpu.memory_space<vmem>>)
    %dma_wait3A_207 = arith.constant 0 : i32
    %dma_wait3A_208 = arith.constant 0 : i32
    %dma_wait3A_209 = tpu.memref_slice %arg13[%dma_wait3A_207, %dma_wait3A_208] : memref<10008x16xf32, #tpu.memory_space<vmem_shared>> -> memref<256x16xf32, #tpu.memory_space<vmem_shared>>
    %dma_wait3A_210 = arith.constant 0 : i32
    %dma_wait3A_211 = arith.constant 0 : i32
    %dma_wait3A_212 = tpu.memref_slice %arg13[%dma_wait3A_210, %dma_wait3A_211] : memref<10008x16xf32, #tpu.memory_space<vmem_shared>> -> memref<256x16xf32, #tpu.memory_space<vmem_shared>>
    tpu.wait_dma2 semaphore(%arg17 : memref<!tpu.dma_semaphore, #tpu.memory_space<semaphore_mem>>) src(%arg6 : memref<256x16xf32, #tpu.memory_space<vmem>>) dst(%dma_wait3A_212 : memref<256x16xf32, #tpu.memory_space<vmem_shared>>)
    %barrier3A_213 = arith.constant 0 : index
    tpu.barrier barrier_id(%barrier3A_213)
    %mul3A_214 = arith.constant 625 : i32
    %mul3A_215 = arith.muli %arg1, %mul3A_214 : i32
    %mul3A_216 = arith.constant 625 : i32
    %mul3A_217 = arith.muli %arg1, %mul3A_216 : i32
    "tpu.region"() ({
      %run_scoped3A = tpu.sem_alloc : memref<!tpu.dma_semaphore, #tpu.memory_space<semaphore_mem>>
      %dma_start3A_218 = arith.constant 0 : i32
      %dma_start3A_219 = tpu.memref_slice %arg5[%arg0, %mul3A_217, %dma_start3A_218] : memref<2x10000x16xf32, #tpu.memory_space<hbm>> -> memref<1x625x16xf32, #tpu.memory_space<hbm>>
      %dma_start3A_220 = tpu.memref_squeeze %dma_start3A_219 : memref<1x625x16xf32, #tpu.memory_space<hbm>> -> memref<625x16xf32, #tpu.memory_space<hbm>>
      %dma_start3A_221 = arith.constant 0 : i32
      %dma_start3A_222 = tpu.memref_slice %arg13[%mul3A_215, %dma_start3A_221] : memref<10008x16xf32, #tpu.memory_space<vmem_shared>> -> memref<625x16xf32, #tpu.memory_space<vmem_shared>>
      tpu.enqueue_dma source(%dma_start3A_222 : memref<625x16xf32, #tpu.memory_space<vmem_shared>>) target(%dma_start3A_220 : memref<625x16xf32, #tpu.memory_space<hbm>>) target_semaphore(%run_scoped3A : memref<!tpu.dma_semaphore, #tpu.memory_space<semaphore_mem>>)
      %dma_wait3A_223 = arith.constant 0 : i32
      %dma_wait3A_224 = tpu.memref_slice %arg5[%arg0, %mul3A_217, %dma_wait3A_223] : memref<2x10000x16xf32, #tpu.memory_space<hbm>> -> memref<1x625x16xf32, #tpu.memory_space<hbm>>
      %dma_wait3A_225 = tpu.memref_squeeze %dma_wait3A_224 : memref<1x625x16xf32, #tpu.memory_space<hbm>> -> memref<625x16xf32, #tpu.memory_space<hbm>>
      %dma_wait3A_226 = arith.constant 0 : i32
      %dma_wait3A_227 = tpu.memref_slice %arg13[%mul3A_215, %dma_wait3A_226] : memref<10008x16xf32, #tpu.memory_space<vmem_shared>> -> memref<625x16xf32, #tpu.memory_space<vmem_shared>>
      tpu.wait_dma2 semaphore(%run_scoped3A : memref<!tpu.dma_semaphore, #tpu.memory_space<semaphore_mem>>) src(%dma_wait3A_227 : memref<625x16xf32, #tpu.memory_space<vmem_shared>>) dst(%dma_wait3A_225 : memref<625x16xf32, #tpu.memory_space<hbm>>)
      tpu.yield
    }) : () -> ()
    return
  }
}

module attributes {stable_mosaic.version = 14 : i64} {
  func.func @_pre_body(%arg0: i32, %arg1: memref<1000x128xf32, #tpu.memory_space<vmem>>, %arg2: memref<128x128xf32, #tpu.memory_space<vmem>>, %arg3: memref<1x128xf32, #tpu.memory_space<vmem>>, %arg4: memref<1000x128xf32, #tpu.memory_space<vmem>>, %arg5: memref<1000x128xf32, #tpu.memory_space<vmem>>) attributes {dimension_semantics = [#tpu.dimension_semantics<arbitrary>], iteration_bounds = array<i64: 10>, scalar_prefetch = 0 : i64, scratch_operands = 0 : i64, tpu.core_type = #tpu.core_type<tc>, window_params = [{transform_indices = @transform_0, window_bounds = array<i64: 1000, 128>}, {pipeline_mode = #tpu.pipeline_mode<synchronous>, transform_indices = @transform_1, window_bounds = array<i64: 128, 128>}, {pipeline_mode = #tpu.pipeline_mode<synchronous>, transform_indices = @transform_2, window_bounds = array<i64: 1, 128>}, {transform_indices = @transform_3, window_bounds = array<i64: 1000, 128>}, {transform_indices = @transform_4, window_bounds = array<i64: 1000, 128>}]} {
    %get3A = arith.constant 0 : index
    %get3A_0 = arith.constant 0 : index
    %get3A_1 = vector.load %arg1[%get3A, %get3A_0] : memref<1000x128xf32, #tpu.memory_space<vmem>>, vector<1000x128xf32>
    %get3A_2 = arith.constant 0 : index
    %get3A_3 = arith.constant 0 : index
    %get3A_4 = vector.load %arg2[%get3A_2, %get3A_3] : memref<128x128xf32, #tpu.memory_space<vmem>>, vector<128x128xf32>
    %dot_general3A = arith.constant dense<0.000000e+00> : vector<1000x128xf32>
    %dot_general3A_5 = tpu.matmul %get3A_1, %get3A_4, %dot_general3A {dimension_numbers = #tpu.dot_dimension_numbers<[1], [0], [0], [1], [0, 0, 1, 1], [], []>, transpose_lhs_hint = false} : vector<1000x128xf32>, vector<128x128xf32>, vector<1000x128xf32> -> vector<1000x128xf32>
    %get3A_6 = arith.constant 0 : index
    %get3A_7 = arith.constant 0 : index
    %get3A_8 = vector.load %arg3[%get3A_6, %get3A_7] : memref<1x128xf32, #tpu.memory_space<vmem>>, vector<1x128xf32>
    %add3A = vector.broadcast %get3A_8 : vector<1x128xf32> to vector<1000x128xf32>
    %add3A_9 = arith.addf %dot_general3A_5, %add3A : vector<1000x128xf32>
    %swap3A = arith.constant 0 : index
    %swap3A_10 = arith.constant 0 : index
    %swap3A_11 = vector.load %arg4[%swap3A, %swap3A_10] : memref<1000x128xf32, #tpu.memory_space<vmem>>, vector<1000x128xf32>
    tpu.vector_store %arg4[%swap3A, %swap3A_10], %add3A_9 {strides = array<i32>} : memref<1000x128xf32, #tpu.memory_space<vmem>>, vector<1000x128xf32>,
    %max3A = arith.constant 0.000000e+00 : f32
    %max3A_12 = vector.broadcast %max3A : f32 to vector<1000x128xf32>
    %max3A_13 = arith.maximumf %add3A_9, %max3A_12 : vector<1000x128xf32>
    %swap3A_14 = arith.constant 0 : index
    %swap3A_15 = arith.constant 0 : index
    %swap3A_16 = vector.load %arg5[%swap3A_14, %swap3A_15] : memref<1000x128xf32, #tpu.memory_space<vmem>>, vector<1000x128xf32>
    tpu.vector_store %arg5[%swap3A_14, %swap3A_15], %max3A_13 {strides = array<i32>} : memref<1000x128xf32, #tpu.memory_space<vmem>>, vector<1000x128xf32>,
    return
  }
  func.func @transform_0(%arg0: i32) -> (i32, i32) {
    %c0_i32 = arith.constant 0 : i32
    %c0_i32_0 = arith.constant 0 : i32
    return %arg0, %c0_i32 : i32, i32
  }
  func.func @transform_1(%arg0: i32) -> (i32, i32) {
    %c0_i32 = arith.constant 0 : i32
    %c0_i32_0 = arith.constant 0 : i32
    %c0_i32_1 = arith.constant 0 : i32
    return %c0_i32, %c0_i32_0 : i32, i32
  }
  func.func @transform_2(%arg0: i32) -> (i32, i32) {
    %c0_i32 = arith.constant 0 : i32
    %c0_i32_0 = arith.constant 0 : i32
    %c0_i32_1 = arith.constant 0 : i32
    return %c0_i32, %c0_i32_0 : i32, i32
  }
  func.func @transform_3(%arg0: i32) -> (i32, i32) {
    %c0_i32 = arith.constant 0 : i32
    %c0_i32_0 = arith.constant 0 : i32
    return %arg0, %c0_i32 : i32, i32
  }
  func.func @transform_4(%arg0: i32) -> (i32, i32) {
    %c0_i32 = arith.constant 0 : i32
    %c0_i32_0 = arith.constant 0 : i32
    return %arg0, %c0_i32 : i32, i32
  }
}

module attributes {stable_mosaic.version = 14 : i64} {
  func.func @_root_body(%arg0: i32, %arg1: memref<1000x128xf32, #tpu.memory_space<vmem>>, %arg2: memref<128x128xf32, #tpu.memory_space<vmem>>, %arg3: memref<1x128xf32, #tpu.memory_space<vmem>>, %arg4: memref<1000x128xf32, #tpu.memory_space<vmem>>) attributes {dimension_semantics = [#tpu.dimension_semantics<arbitrary>], iteration_bounds = array<i64: 10>, scalar_prefetch = 0 : i64, scratch_operands = 0 : i64, tpu.core_type = #tpu.core_type<tc>, window_params = [{transform_indices = @transform_0, window_bounds = array<i64: 1000, 128>}, {pipeline_mode = #tpu.pipeline_mode<synchronous>, transform_indices = @transform_1, window_bounds = array<i64: 128, 128>}, {pipeline_mode = #tpu.pipeline_mode<synchronous>, transform_indices = @transform_2, window_bounds = array<i64: 1, 128>}, {transform_indices = @transform_3, window_bounds = array<i64: 1000, 128>}]} {
    %get3A = arith.constant 0 : index
    %get3A_0 = arith.constant 0 : index
    %get3A_1 = vector.load %arg1[%get3A, %get3A_0] : memref<1000x128xf32, #tpu.memory_space<vmem>>, vector<1000x128xf32>
    %get3A_2 = arith.constant 0 : index
    %get3A_3 = arith.constant 0 : index
    %get3A_4 = vector.load %arg2[%get3A_2, %get3A_3] : memref<128x128xf32, #tpu.memory_space<vmem>>, vector<128x128xf32>
    %dot_general3A = arith.constant dense<0.000000e+00> : vector<1000x128xf32>
    %dot_general3A_5 = tpu.matmul %get3A_1, %get3A_4, %dot_general3A {dimension_numbers = #tpu.dot_dimension_numbers<[1], [0], [0], [1], [0, 0, 1, 1], [], []>, transpose_lhs_hint = false} : vector<1000x128xf32>, vector<128x128xf32>, vector<1000x128xf32> -> vector<1000x128xf32>
    %get3A_6 = arith.constant 0 : index
    %get3A_7 = arith.constant 0 : index
    %get3A_8 = vector.load %arg3[%get3A_6, %get3A_7] : memref<1x128xf32, #tpu.memory_space<vmem>>, vector<1x128xf32>
    %add3A = vector.broadcast %get3A_8 : vector<1x128xf32> to vector<1000x128xf32>
    %add3A_9 = arith.addf %dot_general3A_5, %add3A : vector<1000x128xf32>
    %swap3A = arith.constant 0 : index
    %swap3A_10 = arith.constant 0 : index
    %swap3A_11 = vector.load %arg4[%swap3A, %swap3A_10] : memref<1000x128xf32, #tpu.memory_space<vmem>>, vector<1000x128xf32>
    tpu.vector_store %arg4[%swap3A, %swap3A_10], %add3A_9 {strides = array<i32>} : memref<1000x128xf32, #tpu.memory_space<vmem>>, vector<1000x128xf32>,
    return
  }
  func.func @transform_0(%arg0: i32) -> (i32, i32) {
    %c0_i32 = arith.constant 0 : i32
    %c0_i32_0 = arith.constant 0 : i32
    return %arg0, %c0_i32 : i32, i32
  }
  func.func @transform_1(%arg0: i32) -> (i32, i32) {
    %c0_i32 = arith.constant 0 : i32
    %c0_i32_0 = arith.constant 0 : i32
    %c0_i32_1 = arith.constant 0 : i32
    return %c0_i32, %c0_i32_0 : i32, i32
  }
  func.func @transform_2(%arg0: i32) -> (i32, i32) {
    %c0_i32 = arith.constant 0 : i32
    %c0_i32_0 = arith.constant 0 : i32
    %c0_i32_1 = arith.constant 0 : i32
    return %c0_i32, %c0_i32_0 : i32, i32
  }
  func.func @transform_3(%arg0: i32) -> (i32, i32) {
    %c0_i32 = arith.constant 0 : i32
    %c0_i32_0 = arith.constant 0 : i32
    return %arg0, %c0_i32 : i32, i32
  }
}

module attributes {stable_mosaic.version = 14 : i64} {
  func.func @_post_body(%arg0: i32, %arg1: memref<2x1000x128xf32, #tpu.memory_space<vmem>>, %arg2: memref<2x1000x16xf32, #tpu.memory_space<vmem>>, %arg3: memref<1000x128xf32, #tpu.memory_space<vmem>>, %arg4: memref<128x128xf32, #tpu.memory_space<vmem>>, %arg5: memref<128x40xf32, #tpu.memory_space<vmem>>, %arg6: memref<1000x40xf32, #tpu.memory_space<vmem>>, %arg7: memref<1000x128xf32, #tpu.memory_space<vmem>>) attributes {dimension_semantics = [#tpu.dimension_semantics<arbitrary>], iteration_bounds = array<i64: 10>, scalar_prefetch = 0 : i64, scratch_operands = 0 : i64, tpu.core_type = #tpu.core_type<tc>, window_params = [{transform_indices = @transform_0, window_bounds = array<i64: 2, 1000, 128>}, {transform_indices = @transform_1, window_bounds = array<i64: 2, 1000, 16>}, {transform_indices = @transform_2, window_bounds = array<i64: 1000, 128>}, {pipeline_mode = #tpu.pipeline_mode<synchronous>, transform_indices = @transform_3, window_bounds = array<i64: 128, 128>}, {pipeline_mode = #tpu.pipeline_mode<synchronous>, transform_indices = @transform_4, window_bounds = array<i64: 128, 40>}, {transform_indices = @transform_5, window_bounds = array<i64: 1000, 40>}, {transform_indices = @transform_6, window_bounds = array<i64: 1000, 128>}]} {
    %get3A = arith.constant 0 : index
    %get3A_0 = arith.constant 0 : index
    %get3A_1 = arith.constant 0 : index
    %get3A_2 = vector.load %arg1[%get3A, %get3A_0, %get3A_1] : memref<2x1000x128xf32, #tpu.memory_space<vmem>>, vector<1x1000x128xf32>
    %get3A_3 = vector.shape_cast %get3A_2 : vector<1x1000x128xf32> to vector<1000x128xf32>
    %get3A_4 = arith.constant 1 : index
    %get3A_5 = arith.constant 0 : index
    %get3A_6 = arith.constant 0 : index
    %get3A_7 = vector.load %arg1[%get3A_4, %get3A_5, %get3A_6] : memref<2x1000x128xf32, #tpu.memory_space<vmem>>, vector<1x1000x128xf32>
    %get3A_8 = vector.shape_cast %get3A_7 : vector<1x1000x128xf32> to vector<1000x128xf32>
    %add3A = arith.addf %get3A_3, %get3A_8 : vector<1000x128xf32>
    %get3A_9 = arith.constant 0 : index
    %get3A_10 = arith.constant 0 : index
    %get3A_11 = arith.constant 0 : index
    %get3A_12 = vector.load %arg2[%get3A_9, %get3A_10, %get3A_11] : memref<2x1000x16xf32, #tpu.memory_space<vmem>>, vector<1x1000x1xf32>
    %get3A_13 = vector.shape_cast %get3A_12 : vector<1x1000x1xf32> to vector<1000x1xf32>
    %get3A_14 = arith.constant 1 : index
    %get3A_15 = arith.constant 0 : index
    %get3A_16 = arith.constant 0 : index
    %get3A_17 = vector.load %arg2[%get3A_14, %get3A_15, %get3A_16] : memref<2x1000x16xf32, #tpu.memory_space<vmem>>, vector<1x1000x1xf32>
    %get3A_18 = vector.shape_cast %get3A_17 : vector<1x1000x1xf32> to vector<1000x1xf32>
    %add3A_19 = arith.addf %get3A_13, %get3A_18 : vector<1000x1xf32>
    %max3A = arith.constant 1.000000e+00 : f32
    %max3A_20 = vector.broadcast %max3A : f32 to vector<1000x1xf32>
    %max3A_21 = arith.maximumf %add3A_19, %max3A_20 : vector<1000x1xf32>
    %div3A = vector.broadcast %max3A_21 : vector<1000x1xf32> to vector<1000x128xf32>
    %div3A_22 = arith.divf %add3A, %div3A : vector<1000x128xf32>
    %get3A_23 = arith.constant 0 : index
    %get3A_24 = arith.constant 0 : index
    %get3A_25 = vector.load %arg4[%get3A_23, %get3A_24] : memref<128x128xf32, #tpu.memory_space<vmem>>, vector<128x128xf32>
    %dot_general3A = arith.constant dense<0.000000e+00> : vector<1000x128xf32>
    %dot_general3A_26 = tpu.matmul %div3A_22, %get3A_25, %dot_general3A {dimension_numbers = #tpu.dot_dimension_numbers<[1], [0], [0], [1], [0, 0, 1, 1], [], []>, transpose_lhs_hint = false} : vector<1000x128xf32>, vector<128x128xf32>, vector<1000x128xf32> -> vector<1000x128xf32>
    %get3A_27 = arith.constant 0 : index
    %get3A_28 = arith.constant 0 : index
    %get3A_29 = vector.load %arg3[%get3A_27, %get3A_28] : memref<1000x128xf32, #tpu.memory_space<vmem>>, vector<1000x128xf32>
    %add3A_30 = arith.addf %dot_general3A_26, %get3A_29 : vector<1000x128xf32>
    %swap3A = arith.constant 0 : index
    %swap3A_31 = arith.constant 0 : index
    %swap3A_32 = vector.load %arg7[%swap3A, %swap3A_31] : memref<1000x128xf32, #tpu.memory_space<vmem>>, vector<1000x128xf32>
    tpu.vector_store %arg7[%swap3A, %swap3A_31], %add3A_30 {strides = array<i32>} : memref<1000x128xf32, #tpu.memory_space<vmem>>, vector<1000x128xf32>,
    %mul3A = arith.mulf %add3A_30, %add3A_30 : vector<1000x128xf32>
    %reduce_sum3A = arith.constant dense<0.000000e+00> : vector<1000xf32>
    %reduce_sum3A_33 = vector.multi_reduction <add>, %mul3A, %reduce_sum3A [1] : vector<1000x128xf32> to vector<1000xf32>
    %broadcast_in_dim3A = vector.shape_cast %reduce_sum3A_33 : vector<1000xf32> to vector<1000x1xf32>
    %sqrt3A = math.sqrt %broadcast_in_dim3A : vector<1000x1xf32>
    %max3A_34 = arith.constant 9.99999996E-13 : f32
    %max3A_35 = vector.broadcast %max3A_34 : f32 to vector<1000x1xf32>
    %max3A_36 = arith.maximumf %sqrt3A, %max3A_35 : vector<1000x1xf32>
    %div3A_37 = vector.broadcast %max3A_36 : vector<1000x1xf32> to vector<1000x128xf32>
    %div3A_38 = arith.divf %add3A_30, %div3A_37 : vector<1000x128xf32>
    %get3A_39 = arith.constant 0 : index
    %get3A_40 = arith.constant 0 : index
    %get3A_41 = vector.load %arg5[%get3A_39, %get3A_40] : memref<128x40xf32, #tpu.memory_space<vmem>>, vector<128x40xf32>
    %mul3A_42 = arith.mulf %get3A_41, %get3A_41 : vector<128x40xf32>
    %reduce_sum3A_43 = arith.constant dense<0.000000e+00> : vector<40xf32>
    %reduce_sum3A_44 = vector.multi_reduction <add>, %mul3A_42, %reduce_sum3A_43 [0] : vector<128x40xf32> to vector<40xf32>
    %broadcast_in_dim3A_45 = vector.shape_cast %reduce_sum3A_44 : vector<40xf32> to vector<1x40xf32>
    %sqrt3A_46 = math.sqrt %broadcast_in_dim3A_45 : vector<1x40xf32>
    %max3A_47 = arith.constant 9.99999996E-13 : f32
    %max3A_48 = vector.broadcast %max3A_47 : f32 to vector<1x40xf32>
    %max3A_49 = arith.maximumf %sqrt3A_46, %max3A_48 : vector<1x40xf32>
    %div3A_50 = vector.broadcast %max3A_49 : vector<1x40xf32> to vector<128x40xf32>
    %div3A_51 = arith.divf %get3A_41, %div3A_50 : vector<128x40xf32>
    %dot_general3A_52 = arith.constant dense<0.000000e+00> : vector<1000x40xf32>
    %dot_general3A_53 = tpu.matmul %div3A_38, %div3A_51, %dot_general3A_52 {dimension_numbers = #tpu.dot_dimension_numbers<[1], [0], [0], [1], [0, 0, 1, 1], [], []>, transpose_lhs_hint = false} : vector<1000x128xf32>, vector<128x40xf32>, vector<1000x40xf32> -> vector<1000x40xf32>
    %mul3A_54 = arith.constant 1.000000e+01 : f32
    %mul3A_55 = vector.broadcast %mul3A_54 : f32 to vector<1000x40xf32>
    %mul3A_56 = arith.mulf %mul3A_55, %dot_general3A_53 : vector<1000x40xf32>
    %swap3A_57 = arith.constant 0 : index
    %swap3A_58 = arith.constant 0 : index
    %swap3A_59 = vector.load %arg6[%swap3A_57, %swap3A_58] : memref<1000x40xf32, #tpu.memory_space<vmem>>, vector<1000x40xf32>
    tpu.vector_store %arg6[%swap3A_57, %swap3A_58], %mul3A_56 {strides = array<i32>} : memref<1000x40xf32, #tpu.memory_space<vmem>>, vector<1000x40xf32>,
    return
  }
  func.func @transform_0(%arg0: i32) -> (i32, i32, i32) {
    %c0_i32 = arith.constant 0 : i32
    %c0_i32_0 = arith.constant 0 : i32
    %c0_i32_1 = arith.constant 0 : i32
    return %c0_i32, %arg0, %c0_i32_0 : i32, i32, i32
  }
  func.func @transform_1(%arg0: i32) -> (i32, i32, i32) {
    %c0_i32 = arith.constant 0 : i32
    %c0_i32_0 = arith.constant 0 : i32
    %c0_i32_1 = arith.constant 0 : i32
    return %c0_i32, %arg0, %c0_i32_0 : i32, i32, i32
  }
  func.func @transform_2(%arg0: i32) -> (i32, i32) {
    %c0_i32 = arith.constant 0 : i32
    %c0_i32_0 = arith.constant 0 : i32
    return %arg0, %c0_i32 : i32, i32
  }
  func.func @transform_3(%arg0: i32) -> (i32, i32) {
    %c0_i32 = arith.constant 0 : i32
    %c0_i32_0 = arith.constant 0 : i32
    %c0_i32_1 = arith.constant 0 : i32
    return %c0_i32, %c0_i32_0 : i32, i32
  }
  func.func @transform_4(%arg0: i32) -> (i32, i32) {
    %c0_i32 = arith.constant 0 : i32
    %c0_i32_0 = arith.constant 0 : i32
    %c0_i32_1 = arith.constant 0 : i32
    return %c0_i32, %c0_i32_0 : i32, i32
  }
  func.func @transform_5(%arg0: i32) -> (i32, i32) {
    %c0_i32 = arith.constant 0 : i32
    %c0_i32_0 = arith.constant 0 : i32
    return %arg0, %c0_i32 : i32, i32
  }
  func.func @transform_6(%arg0: i32) -> (i32, i32) {
    %c0_i32 = arith.constant 0 : i32
    %c0_i32_0 = arith.constant 0 : i32
    return %arg0, %c0_i32 : i32, i32
  }
}

</mosaic_0001>

<sc_bundles>
// kernel: _run.10.cloned.1.call-start
scs
__scs_entry_jumppad:
0x0: {  	(pc) =	sbr.rel $0x88, $3  }
0x1: {  	(tag) =	ssettag $0x0;
	lr =	simm.s32 $0x1  }
0x2: {  	[smem:$0x3F99] =	sst lr;
	_ =	strace $0xD0000000  }
0x3: {  	_ = 	snop  }
0x4: {  	_ = 	snop  }
0x5: {  	_ = 	snop  }
0x6: {  	_ = 	snop  }
0x7: {  	_ = 	snop  }
__scs_overlays_trampoline_lowered:
0x8: {  	[smem:$0x3FA8] =	sst s0  }
0x9: {  	[smem:$0x3FA9] =	sst s1  }
0xa: {  	[smem:$0x3FAA] =	sst s2  }
0xb: {  	[smem:$0x3FAB] =	sst s3  }
0xc: {  	[smem:$0x3FAC] =	sst s4  }
0xd: {  	[smem:$0x3FAD] =	sst s5  }
0xe: {  	[smem:$0x3FAE] =	sst s6  }
0xf: {  	[smem:$0x3FAF] =	sst s7  }
0x10: {  	[smem:$0x3FB0] =	sst s8  }
0x11: {  	[smem:$0x3FB1] =	sst s9;
	s0 =	simm.s32 @!p0 $0x0  }
0x12: {  	s1 =	sld [smem:$0x3F97];
	s0 =	simm.s32 @p0 $0x1  }
0x13: {  	[smem:$0x3FB2] =	sst s0;
	s0 =	simm.s32 @!p1 $0x0  }
0x14: {  	s2 =	sld [smem:$0x3F96];
	s0 =	simm.s32 @p1 $0x1  }
0x15: {  	[smem:$0x3FB3] =	sst s0;
	s0 =	simm.s32 @!p2 $0x0  }
0x16: {  	s3 =	sld [smem:$0x3FDB];
	s0 =	simm.s32 @p2 $0x1  }
0x17: {  	s4 =	simm.s32 $0x1BF5;
	[smem:$0x3FB5] =	sst s0  }
0x18: {  	s0 =	sld [smem:$0x3F98];
	_ =	swait.ge [sflag:s4], $0x0  }
0x19: {  	s7 =	sld [smem:$0x3F99]  }
0x1a: {  	s8 =	sadd.s32 $0xFFFFE003, lr  }
0x1b: {  	s9 =	sadd.s32 $0xFFFFFEF7, lr;
	s5 =	simm.s32 $0xFFFFFFFF;
	p2 =	slt.u32 s8, $0xFFFFF086  }
0x1c: {  	p1 =	slt.u32 s9, $0xF7A;
	s5 =	simm.s32 @!p2 $0x0  }
0x1d: {  	s5 =	simm.s32 @p1 $0x1;
	p0 =	seq.s32 s7, s2  }
0x1e: {  	s7 =	smul.u32 @!p0 $0xF7A, s2;
	p2 =	seq.s32 @!p0 s5, $0x0  }
0x1f: {  	s9 =	smul.u32 $0xF7A, s1;
	s8 =	simm.s32 @!p0 $0x1BF5;
	p2 =	por !p2, p0  }
0x20: {  	[sflag:s8] =	ssyncset.s32 @!p0 $0xFFFFF086;
	s6 =	sadd.s32 @!p0 s3, s7;
	s7 =	simm.s32 @!p0 $0x108  }
0x21: {  	s3 =	sadd.s32 s3, s9;
	s6 =	sadd.s32 @!p0 $0x88, s6;
	s7 =	simm.s32 @p2 $0x1082  }
0x22: {  	[simem:s7], [sflag:s8] =	dma.local @!p0 [hbm:s6], $0xF7A  }
0x23: {  	s9 =	sor.u32 $0xD0000000, s2;
	s6 =	simm.s32 $0x108;
	_ =	swait.ge @!p0 [sflag:s8], $0x0  }
0x24: {  	s3 =	sadd.s32 $0x88, s3;
	s6 =	simm.s32 @!p1 $0x1082;
	[sflag:s4] =	ssyncset.s32 $0xFFFFF086  }
0x25: {  	[simem:s6], [sflag:s4] =	dma.local [hbm:s3], $0xF7A  }
0x26: {  	[smem:$0x3F99] =	sst s1;
	(tag) =	ssettag s2;
	_ =	strace s9  }
0x27: {  	s1 =	sld [smem:$0x3FA9]  }
0x28: {  	s2 =	sld [smem:$0x3FAA]  }
0x29: {  	s4 =	sld [smem:$0x3FAC]  }
0x2a: {  	p0 =	seq.s32 s5, $0x0;
	s5 =	sld [smem:$0x3FAD]  }
0x2b: {  	s6 =	sld [smem:$0x3FAE]  }
0x2c: {  	s7 =	sld [smem:$0x3FAF]  }
0x2d: {  	s3 =	simm.s32 $0x108;
	s8 =	sld [smem:$0x3FB0]  }
0x2e: {  	s3 =	simm.s32 @!p0 $0x1082;
	s9 =	sld [smem:$0x3FB1]  }
0x2f: {  	lr =	sadd.s32 s0, s3;
	s0 =	sld [smem:$0x3FA8]  }
0x30: {  	s3 =	sld [smem:$0x3FAB]  }
0x31: {  	[smem:$0x3FB4] =	sst s10  }
0x32: {  	s10 =	sld [smem:$0x3FB2];
	_ =	sdelay $0x3  }
0x33: {  	p0 =	seq.s32 s10, $0x1;
	s10 =	sld [smem:$0x3FB4];
	_ =	sdelay $0x3  }
0x34: {  	[smem:$0x3FB4] =	sst s10  }
0x35: {  	s10 =	sld [smem:$0x3FB3];
	_ =	sdelay $0x3  }
0x36: {  	p1 =	seq.s32 s10, $0x1;
	s10 =	sld [smem:$0x3FB4];
	_ =	sdelay $0x3  }
0x37: {  	[smem:$0x3FB4] =	sst s10  }
0x38: {  	s10 =	sld [smem:$0x3FB5]  }
0x39: {  	_ = 	snop;
	(pc) =	sbr.ind lr, $3  }
0x3a: {  	_ = 	snop  }
0x3b: {  	_ = 	snop  }
0x3c: {  	p2 =	seq.s32 s10, $0x1;
	s10 =	sld [smem:$0x3FB4]  }
0x3d: {  	_ =	shalt  }
0x3e: {  	_ =	shalt  }
0x3f: {  	_ =	shalt  }
0x40: {  	_ =	shalt  }
0x41: {  	_ =	shalt  }
0x42: {  	_ =	shalt  }
0x43: {  	_ =	shalt  }
0x44: {  	_ =	shalt  }
0x45: {  	_ =	shalt  }
0x46: {  	_ =	shalt  }
0x47: {  	_ =	shalt  }
0x48: {  	_ =	shalt  }
0x49: {  	_ =	shalt  }
0x4a: {  	_ =	shalt  }
0x4b: {  	_ =	shalt  }
0x4c: {  	_ =	shalt  }
0x4d: {  	_ =	shalt  }
0x4e: {  	_ =	shalt  }
0x4f: {  	_ =	shalt  }
0x50: {  	_ =	shalt  }
0x51: {  	_ =	shalt  }
0x52: {  	_ =	shalt  }
0x53: {  	_ =	shalt  }
0x54: {  	_ =	shalt  }
0x55: {  	_ =	shalt  }
0x56: {  	_ =	shalt  }
0x57: {  	_ =	shalt  }
0x58: {  	_ =	shalt  }
0x59: {  	_ =	shalt  }
0x5a: {  	_ =	shalt  }
0x5b: {  	_ =	shalt  }
0x5c: {  	_ =	shalt  }
0x5d: {  	_ =	shalt  }
0x5e: {  	_ =	shalt  }
0x5f: {  	_ =	shalt  }
0x60: {  	_ =	shalt  }
0x61: {  	_ =	shalt  }
0x62: {  	_ =	shalt  }
0x63: {  	_ =	shalt  }
0x64: {  	_ =	shalt  }
0x65: {  	_ =	shalt  }
0x66: {  	_ =	shalt  }
0x67: {  	_ =	shalt  }
0x68: {  	_ =	shalt  }
0x69: {  	_ =	shalt  }
0x6a: {  	_ =	shalt  }
0x6b: {  	_ =	shalt  }
0x6c: {  	_ =	shalt  }
0x6d: {  	_ =	shalt  }
0x6e: {  	_ =	shalt  }
0x6f: {  	_ =	shalt  }
0x70: {  	_ =	shalt  }
0x71: {  	_ =	shalt  }
0x72: {  	_ =	shalt  }
0x73: {  	_ =	shalt  }
0x74: {  	_ =	shalt  }
0x75: {  	_ =	shalt  }
0x76: {  	_ =	shalt  }
0x77: {  	_ =	shalt  }
0x78: {  	_ =	shalt  }
0x79: {  	_ =	shalt  }
0x7a: {  	_ =	shalt  }
0x7b: {  	_ =	shalt  }
0x7c: {  	_ =	shalt  }
0x7d: {  	_ =	shalt  }
0x7e: {  	_ =	shalt  }
0x7f: {  	_ =	shalt  }
0x80: {  	_ =	shalt  }
0x81: {  	_ =	shalt  }
0x82: {  	_ =	shalt  }
0x83: {  	_ =	shalt  }
0x84: {  	_ =	shalt  }
0x85: {  	_ =	shalt  }
0x86: {  	_ =	shalt  }
0x87: {  	_ =	shalt  }
.Lfunc_end0:
.L_simem_size_0:
called_computation.1_lowered:
.L_overlay_start_0:
0x88: {  	s2 =	sld [smem:$0x3FD9]  }
0x89: {  	s3 =	sld [smem:$0x3FFE];
	_ =	sdelay $0x1  }
0x8a: {  	s1 =	srdreg.scid  }
0x8b: {  	s0 =	sand.u32 $0x1, s1  }
0x8c: {  	s14 =	sshll.u32 s0, $0xA;
	s2 =	sadd.s32 s3, s2  }
0x8d: {  	s2 =	sadd.s32 s2, s14  }
0x8e: {  	[smem:$0x3FC0] =	sst s2  }
0x8f: {  	_ = 	snop  }
0x90: {  	s2 =	sld [smem:$0x3FD0];
	_ =	sdelay $0x2  }
0x91: {  	s15 =	simm.s32 $0xA;
	s4 =	simm.s32 $0x10  }
0x92: {  	[smem:s4], [sflag:s15] =	dma.local [hbm:s2], $0x1  }
0x93: {  	_ =	swait.eq [sflag:s15], $0x1  }
0x94: {  	[sflag:s15] =	ssyncset.done $0x0  }
0x95: {  	s16 =	sld [smem:$0x10];
	[sflag:s15] =	ssyncadd.s32 $0xFFFFFFFF  }
0x96: {  	s17 =	sld [smem:$0x12];
	(tm) =	ssettm $0x1  }
0x97: {  	s18 =	sld [smem:$0x3FFB];
	_ =	sdelay $0x3  }
0x98: {  	_ =	strace s18  }
0x99: {  	s4 =	sld [smem:$0x3FFC];
	_ =	sdelay $0x3  }
0x9a: {  	_ =	strace s4  }
0x9b: {  	s4 =	sld [smem:$0x3FFD];
	_ =	sdelay $0x3  }
0x9c: {  	_ =	strace s4  }
0x9d: {  	_ =	strace $0x8FFFFFFF  }
0x9e: {  	s19 =	sld [smem:$0x3FDB];
	_ =	sdelay $0x1  }
0x9f: {  	s5 =	simm.s32 $_scs_section_size  }
0xa0: {  	s6 =	simm.s32 $_size__tile_overlayer_lowered;
	s7 =	simm.s32 $_tile_overlayer_lowered  }
0xa1: {  	s22 =	simm.s32 $0x1BFF;
	s21 =	sshll.u32 s7, $0x1;
	s4 =	sadd.s32 s5, s19  }
0xa2: {  	s8 =	simm.s32 $0x0;
	s20 =	sshll.u32 s6, $0x1;
	s6 =	sadd.s32 s21, s4  }
0xa3: {  	[timem:s8], [sflag:s22] =	dma.local [hbm:s6], s20  }
0xa4: {  	_ =	swait.ge [sflag:s22], s20  }
0xa5: {  	s5 =	ssub.s32 $0x0, s20;
	[sflag:s22] =	ssyncset.done $0x0  }
0xa6: {  	[sflag:s22] =	ssyncadd.s32 s5;
	_ =	sdelay $0x1  }
0xa7: {  	s23 =	simm.s32 $0x1B8B  }
0xa8: {  	_ =	swait.ge [sflag:s23], $0x1  }
0xa9: {  	[sflag:s23] =	ssyncset.done $0x0  }
0xaa: {  	s25 =	simm.s32 $0x1B8E;
	s24 =	sld [smem:$0x3FFE];
	[sflag:s23] =	ssyncadd.s32 $0xFFFFFFFF  }
0xab: {  	s26 =	simm.s32 $execute0_lowered;
	[smem:$0x3FD2] =	sst s25  }
0xac: {  	s6 =	sshll.u32 s26, $0x1;
	_ =	strace $0x80000049;
	[dreg:$0x1] =	wrdreg $0xFFFFFFFF  }
0xad: {  	s28 =	simm.s32 $_size_execute0_lowered;
	s4 =	sadd.s32 s4, s6;
	[dreg:$0x0] =	wrdreg $0x0  }
0xae: {  	s6 =	sshll.u32 s28, $0x1;
	[dreg:$0x2] =	wrdreg s4  }
0xaf: {  	[dreg:$0x3] =	wrdreg s6  }
0xb0: {  	[dreg:$0x4] =	wrdreg $0xC0  }
0xb1: {  	_ =	task [dreg:s8], $0x5FFFF  }
0xb2: {  	[dreg:$0x1] =	wrdreg $0xFFFFFFFF  }
0xb3: {  	[dreg:$0x0] =	wrdreg $0x60  }
0xb4: {  	[dreg:$0x2] =	wrdreg s16  }
0xb5: {  	[dreg:$0x3] =	wrdreg s24  }
0xb6: {  	[dreg:$0x4] =	wrdreg s17  }
0xb7: {  	[dreg:$0x5] =	wrdreg $0x7B000  }
0xb8: {  	[dreg:$0x6] =	wrdreg $0x9  }
0xb9: {  	_ =	task.clear_ibuf [dreg:s8], $0x7FFFF;
	_ =	strace $0x90000049  }
0xba: {  	s29 =	simm.s32 $0x9;
	_ =	strace $0x8000004B  }
0xbb: {  	_ =	swait.ge [sflag:s29], $0x1  }
0xbc: {  	[sflag:s29] =	ssyncadd.s32 $0xFFFFFFFF  }
0xbd: {  	_ =	strace $0x9000004B  }
0xbe: {  	_ =	sfence  }
0xbf: {  	s30 =	sld [smem:$0x0];
	_ =	sdelay $0x2  }
0xc0: {  	s31 =	sshll.u32 s1, $0xD;
	s1 =	sshrl.u32 s1, $0x2  }
0xc1: {  	s3 =	sand.u32 $0x4000, s31;
	s1 =	sadd.s32 s1, s30  }
0xc2: {  	s0 =	sor.u32 s3, s0;
	s1 =	sshll.u32 s1, $0x11  }
0xc3: {  	s0 =	sor.u32 s1, s0  }
0xc4: {  	s0 =	sadd.s32 $0x8F2B, s0  }
0xc5: {  	[sflag:s0] =	ssyncadd.remote.s32 $0x1  }
0xc6: {  	_ =	sfence.sel $0xFFFF  }
0xc7: {  	[dreg:$0x0] =	wrdreg $0xFFFFFFFF;
	(pc) =	sbr.abs _section_cstart, $3  }
0xc8: {  	[dreg:$0x1] =	wrdreg $0xFFFFFFFF  }
0xc9: {  	_ =	task.clear_ibuf [dreg:s8], $0x2FFFF;
	_ =	strace $0x9FFFFFFF  }
0xca: {  	(tm) =	ssettm $0x7FFFFFFF  }
0xcb: {  	_ =	shalt  }
tec
execute0_lowered:
.L_overlay_start_1:
0x0: {  	(tag) =	ssettag $0x1  }
0x1: {  	s0 =	rddreg [dreg:$0x0]  }
0x2: {  	s1 =	rddreg [dreg:$0x1]  }
0x3: {  	s2 =	srdreg.scid;
	s3 =	rddreg [dreg:$0x2]  }
0x4: {  	s4 =	rddreg [dreg:$0x3];
	s13 =	stileid.u32  }
0x5: {  	s5 =	simm.s32 $0x0;
	s29 =	simm.s32 $0x300;
	s30 =	simm.s32 $0xA  }
0x6: {  	s31 =	simm.s32 $0x180;
	s28 =	simm.s32 $0x9;
	s14 =	smul.u32 $0x14000, s13  }
0x7: {  	s2 =	sand.u32 $0x1, s2;
	[smem:$0x7FF] =	sst s5;
	s15 =	smul.u32 $0x50000, s13  }
0x8: {  	s21 =	smul.u32 $0x2710, s13;
	p0 =	seq.s32 s13, $0xF;
	s6 =	sshll.u32 s2, $0x4  }
0x9: {  	_ =	strace $0x8000004A;
	s8 =	ssub.s32 $0x2, s2;
	s26 =	smul.u32 $0x138800, s2  }
0xa: {  	s20 =	smul.u32 $0x27100, s2;
	s2 =	sadd.s32 $0x131000, s4;
	s6 =	sor.u32 s13, s6  }
0xb: {  	s9 =	sshrl.u32 s8, $0x1;
	s17 =	sshrl.u32 s15, $0x2;
	s13 =	simm.s32 $0x280  }
0xc: {  	s15 =	simm.s32 $0x3;
	s7 =	smul.u32 $0x2710, s6;
	s6 =	sadd.s32 $0x20400, s1  }
0xd: {  	s1 =	sadd.s32 $0x2A200, s1;
	s8 =	ssub.s32 s8, s9;
	s16 =	sadd.s32 s14, s26  }
0xe: {  	s18 =	sshrl.u32 s26, $0x3;
	s19 =	smax.u32 s8, $0x1;
	s10 =	sshrl.u32 s7, $0x3  }
0xf: {  	s7 =	sadd.s32 $0x190, s7;
	[dreg:$0x10] =	wrdreg s19;
	s19 =	simm.s32 $0x6  }
0x10: {  	s23 =	sadd.s32 s0, s10;
	s24 =	sadd.s32 $0xA, s10;
	[dreg:$0x5] =	wrdreg s7  }
0x11: {  	s11 =	sadd.s32 s6, s10;
	s10 =	sadd.s32 $0x14, s10;
	[dreg:$0x6] =	wrdreg s23  }
0x12: {  	s7 =	sshrl.u32 s16, $0x3;
	s16 =	simm.s32 $0x5;
	[dreg:$0x7] =	wrdreg s11  }
0x13: {  	s25 =	sadd.s32 s0, s24;
	s9 =	sadd.s32 s6, s24;
	s12 =	sadd.s32 s0, s10  }
0x14: {  	s7 =	sadd.s32 s1, s7;
	s23 =	sadd.s32 s17, s4;
	[dreg:$0x8] =	wrdreg s25  }
0x15: {  	s1 =	sadd.s32 s1, s18;
	s17 =	simm.s32 $0x7;
	[dreg:$0x9] =	wrdreg s9  }
0x16: {  	s18 =	simm.s32 $0x5300;
	[dreg:$0xa] =	wrdreg s12;
	s9 =	sadd.s32 s6, s10  }
0x17: {  	[dreg:$0xc] =	wrdreg s7;
	s1 =	sadd.s32 $0x25800, s1;
	s8 =	sadd.s32 $0x7800, s23  }
0x18: {  	s10 =	sadd.s32 $0xA000, s23;
	s11 =	sadd.s32 $0xC800, s23;
	[dreg:$0xd] =	wrdreg s23  }
0x19: {  	s12 =	sadd.s32 $0xF000, s23;
	s14 =	sadd.s32 $0x11800, s23;
	[dreg:$0xb] =	wrdreg s9  }
0x1a: {  	s7 =	sadd.s32 $0x12E800, s4;
	s25 =	sadd.s32 $0x2800, s23;
	[dreg:$0xe] =	wrdreg s1  }
0x1b: {  	s26 =	sadd.s32 $0x5000, s23;
	s9 =	sadd.s32 $0x12C000, s4;
	[dreg:$0x19] =	wrdreg s25  }
0x1c: {  	s1 =	sadd.s32 s21, s20;
	s10 =	smov.u32 @p0 s7;
	[dreg:$0x1a] =	wrdreg s26  }
0x1d: {  	s7 =	sadd.s32 $0x133800, s4;
	s11 =	smov.u32 @p0 s2;
	[dreg:$0x12] =	wrdreg s10  }
0x1e: {  	s26 =	simm.s32 $0x8;
	s21 =	simm.s32 $0x0;
	[dreg:$0x13] =	wrdreg s11  }
0x1f: {  	s22 =	sadd.s32 $0x140, s1;
	s12 =	smov.u32 @p0 s7;
	s7 =	sadd.s32 $0x136000, s4  }
0x20: {  	s1 =	sadd.s32 $0xF0, s1;
	[dreg:$0xf] =	wrdreg s9;
	s8 =	smov.u32 @p0 s9  }
0x21: {  	s9 =	simm.s32 $0x2;
	s10 =	simm.s32 $0x4;
	[dreg:$0x14] =	wrdreg s12  }
0x22: {  	s11 =	simm.s32 $0x2B00;
	s2 =	sshrl.u32 s22, $0x3;
	[dreg:$0x18] =	wrdreg s1  }
0x23: {  	s14 =	smov.u32 @p0 s7;
	[dreg:$0x11] =	wrdreg s8;
	s1 =	simm.s32 $0x1  }
0x24: {  	s7 =	simm.s32 $0x200;
	[dreg:$0x15] =	wrdreg s14;
	s24 =	sadd.s32 s2, s6  }
0x25: {  	s8 =	simm.s32 $0x50;
	s2 =	sadd.s32 s2, s0;
	[dreg:$0x16] =	wrdreg s24  }
0x26: {  	v0 =	vimm.f32 $0.0e+00;
	s12 =	simm.s32 $0x100;
	[dreg:$0x17] =	wrdreg s2;
	s2 =	simm.s32 $0x80  }
.LBB2_1:
0x27: {  	[dreg:$0x1b] =	wrdreg s21;
	s21 =	simm.s32 $0x70;
	s22 =	simm.s32 $0x3C0  }
.LBB2_2:
0x28: {  	p1 =	sne.s32 s22, $0x9FC0;
	[tilespmem:s21+$0x300] =	vst v0  }
0x29: {  	[tilespmem:s21+$0x290] =	vst v0  }
0x2a: {  	[tilespmem:s21+$0x2A0] =	vst v0  }
.Ltmp0:
0x2b: {  	[tilespmem:s21+$0x2B0] =	vst v0;
	(pc) =	sbr.rel @p1 .LBB2_2-.Ltmp0, $4  }
0x2c: {  	[tilespmem:s21+$0x2C0] =	vst v0  }
0x2d: {  	[tilespmem:s21+$0x2D0] =	vst v0  }
0x2e: {  	[tilespmem:s21+$0x2E0] =	vst v0  }
0x2f: {  	[tilespmem:s21+$0x2F0] =	vst v0;
	s21 =	sshra.s32 s22, $0x2;
	s22 =	sadd.s32 $0x200, s22  }
0x30: {  	[tilespmem:s21+$0x300] =	vst v0  }
0x31: {  	[tilespmem:s21+$0x290] =	vst v0  }
0x32: {  	[tilespmem:s21+$0x2A0] =	vst v0  }
0x33: {  	[tilespmem:s21+$0x2B0] =	vst v0  }
0x34: {  	[tilespmem:s21+$0x2C0] =	vst v0  }
0x35: {  	[tilespmem:s21+$0x2D0] =	vst v0  }
0x36: {  	[tilespmem:s21+$0x2E0] =	vst v0  }
0x37: {  	[tilespmem:s21+$0x2F0] =	vst v0;
	s14 =	simm.s32 @!p0 $0x300;
	s21 =	simm.s32 @!p0 $0xA  }
0x38: {  	[spmem:s23] =	stream.linear.scatter @!p0 [tilespmem:s14], [sflag:$0xA], $0x2800, $0x38;
	[tilespmem:$0x1B380] =	vst v63  }
0x39: {  	_ =	swait.ge @!p0 [sflag:s21], $0x2800  }
0x3a: {  	[sflag:s21] =	ssyncset.done @!p0 $0x0  }
0x3b: {  	s20 =	rddreg [dreg:$0x19];
	[sflag:s21] =	ssyncadd.s32 @!p0 $0xFFFFD800  }
0x3c: {  	[spmem:s20] =	stream.linear.scatter @!p0 [tilespmem:s14], [sflag:$0xA], $0x2800, $0x38;
	[tilespmem:$0x1B380] =	vst v63  }
0x3d: {  	_ =	swait.ge @!p0 [sflag:s21], $0x2800  }
0x3e: {  	[sflag:s21] =	ssyncset.done @!p0 $0x0  }
0x3f: {  	s20 =	rddreg [dreg:$0x1a];
	[sflag:s21] =	ssyncadd.s32 @!p0 $0xFFFFD800  }
0x40: {  	[spmem:s20] =	stream.linear.scatter @!p0 [tilespmem:s14], [sflag:$0xA], $0x2800, $0x38;
	[tilespmem:$0x1B380] =	vst v63  }
0x41: {  	_ =	swait.ge @!p0 [sflag:s21], $0x2800  }
0x42: {  	[sflag:s21] =	ssyncset.done @!p0 $0x0  }
0x43: {  	s20 =	rddreg [dreg:$0x11];
	[sflag:s21] =	ssyncadd.s32 @!p0 $0xFFFFD800  }
0x44: {  	[spmem:s20] =	stream.linear.scatter [tilespmem:s29], [sflag:$0xA], $0x2800, $0x38;
	[tilespmem:$0x1B380] =	vst v63  }
0x45: {  	_ =	swait.ge [sflag:s30], $0x2800  }
0x46: {  	[sflag:s30] =	ssyncset.done $0x0  }
0x47: {  	s21 =	rddreg [dreg:$0x12];
	[sflag:s30] =	ssyncadd.s32 $0xFFFFD800  }
0x48: {  	[spmem:s21] =	stream.linear.scatter [tilespmem:s29], [sflag:$0xA], $0x2800, $0x38;
	[tilespmem:$0x1B380] =	vst v63  }
0x49: {  	_ =	swait.ge [sflag:s30], $0x2800  }
0x4a: {  	[sflag:s30] =	ssyncset.done $0x0  }
0x4b: {  	s22 =	rddreg [dreg:$0x13];
	[sflag:s30] =	ssyncadd.s32 $0xFFFFD800  }
0x4c: {  	[spmem:s22] =	stream.linear.scatter [tilespmem:s29], [sflag:$0xA], $0x2800, $0x38;
	[tilespmem:$0x1B380] =	vst v63  }
0x4d: {  	_ =	swait.ge [sflag:s30], $0x2800  }
0x4e: {  	[sflag:s30] =	ssyncset.done $0x0  }
0x4f: {  	s23 =	rddreg [dreg:$0x14];
	[sflag:s30] =	ssyncadd.s32 $0xFFFFD800  }
0x50: {  	[spmem:s23] =	stream.linear.scatter [tilespmem:s29], [sflag:$0xA], $0x2800, $0x38;
	[tilespmem:$0x1B380] =	vst v63  }
0x51: {  	_ =	swait.ge [sflag:s30], $0x2800  }
0x52: {  	[sflag:s30] =	ssyncset.done $0x0  }
0x53: {  	s24 =	rddreg [dreg:$0x15];
	[sflag:s30] =	ssyncadd.s32 $0xFFFFD800  }
0x54: {  	[spmem:s24] =	stream.linear.scatter [tilespmem:s29], [sflag:$0xA], $0x2800, $0x38;
	[tilespmem:$0x1B380] =	vst v63  }
0x55: {  	_ =	swait.ge [sflag:s30], $0x2800  }
0x56: {  	[sflag:s30] =	ssyncset.done $0x0  }
0x57: {  	[sflag:s30] =	ssyncadd.s32 $0xFFFFD800  }
0x58: {  	[bflag:$0x0] =	sbarrier.arrive $0xFFFF  }
0x59: {  	s21 =	simm.s32 $0x0;
	s25 =	rddreg [dreg:$0x6]  }
0x5a: {  	[tilespmem:s21], [sflag:$0x1] =	stream.linear.gather [hbm4b:s25+s21], $0x50, $0x38;
	[tilespmem:$0x1B380] =	vst v63  }
0x5b: {  	s20 =	rddreg [dreg:$0x7]  }
0x5c: {  	[tilespmem:s31], [sflag:$0x1] =	stream.linear.gather [hbm4b:s20+s21], $0x50, $0x38;
	[tilespmem:$0x1B380] =	vst v63  }
0x5d: {  	_ =	swait.ge [sflag:s1], $0x50  }
0x5e: {  	[sflag:s1] =	ssyncset.done $0x0  }
0x5f: {  	[sflag:s1] =	ssyncadd.s32 $0xFFFFFFB0  }
0x60: {  	_ =	swait.ge [sflag:s1], $0x50  }
0x61: {  	[sflag:s1] =	ssyncset.done $0x0  }
0x62: {  	s22 =	rddreg [dreg:$0x8];
	[sflag:s1] =	ssyncadd.s32 $0xFFFFFFB0  }
0x63: {  	[tilespmem:s2], [sflag:$0x2] =	stream.linear.gather [hbm4b:s22+s21], $0x50, $0x38;
	[tilespmem:$0x1B380] =	vst v63  }
0x64: {  	s23 =	rddreg [dreg:$0x9]  }
0x65: {  	[tilespmem:s7], [sflag:$0x2] =	stream.linear.gather [hbm4b:s23+s21], $0x50, $0x38;
	[tilespmem:$0x1B380] =	vst v63  }
0x66: {  	_ = 	snop  }
0x67: {  	[tilespmem:s29], [sflag:$0x4] =	stream.indirect.gather [hbm4b:s3+s8], $0x80, s21, s8, $0xb8;
	[tilespmem:$0x1B380] =	vst v63  }
0x68: {  	_ =	swait.ge [sflag:s9], $0x50  }
0x69: {  	[sflag:s9] =	ssyncset.done $0x0  }
0x6a: {  	[sflag:s9] =	ssyncadd.s32 $0xFFFFFFB0  }
0x6b: {  	_ =	swait.ge [sflag:s9], $0x50  }
0x6c: {  	[sflag:s9] =	ssyncset.done $0x0  }
0x6d: {  	[sflag:s9] =	ssyncadd.s32 $0xFFFFFFB0  }
0x6e: {  	_ =	swait.ge [sflag:s10], $0x2800  }
0x6f: {  	[sflag:s10] =	ssyncset.done $0x0  }
0x70: {  	[sflag:s10] =	ssyncadd.s32 $0xFFFFD800  }
0x71: {  	[tilespmem:s11], [sflag:$0x5] =	stream.indirect.gather [hbm4b:s3+s8], $0x80, s2, s8, $0xb8;
	[tilespmem:$0x1B380] =	vst v63  }
0x72: {  	_ = 	snop  }
0x73: {  	[spmem:s4] =	stream.indirect.scatter.add.f32 [tilespmem:s29], [sflag:$0x7], $0x80, s31, s8, $0xb8;
	[tilespmem:$0x1B380] =	vst v63  }
0x74: {  	s24 =	rddreg [dreg:$0xa]  }
0x75: {  	[tilespmem:s12], [sflag:$0x3] =	stream.linear.gather [hbm4b:s24+s21], $0x50, $0x38;
	[tilespmem:$0x1B380] =	vst v63  }
0x76: {  	s25 =	rddreg [dreg:$0xb]  }
0x77: {  	[tilespmem:s13], [sflag:$0x3] =	stream.linear.gather [hbm4b:s25+s21], $0x50, $0x38;
	[tilespmem:$0x1B380] =	vst v63  }
0x78: {  	_ =	swait.ge [sflag:s15], $0x50  }
0x79: {  	[sflag:s15] =	ssyncset.done $0x0  }
0x7a: {  	[sflag:s15] =	ssyncadd.s32 $0xFFFFFFB0  }
0x7b: {  	_ =	swait.ge [sflag:s15], $0x50  }
0x7c: {  	[sflag:s15] =	ssyncset.done $0x0  }
0x7d: {  	[sflag:s15] =	ssyncadd.s32 $0xFFFFFFB0  }
0x7e: {  	_ =	swait.ge [sflag:s17], $0x2800  }
0x7f: {  	[sflag:s17] =	ssyncset.done $0x0  }
0x80: {  	[sflag:s17] =	ssyncadd.s32 $0xFFFFD800  }
0x81: {  	_ =	swait.ge [sflag:s16], $0x2800  }
0x82: {  	[sflag:s16] =	ssyncset.done $0x0  }
0x83: {  	s25 =	rddreg [dreg:$0x18];
	[sflag:s16] =	ssyncadd.s32 $0xFFFFD800  }
0x84: {  	[tilespmem:s18], [sflag:$0x6] =	stream.indirect.gather [hbm4b:s3+s8], $0x80, s12, s8, $0xb8;
	[tilespmem:$0x1B380] =	vst v63  }
0x85: {  	s20 =	sshrl.u32 s25, $0x3  }
0x86: {  	[spmem:s4] =	stream.indirect.scatter.add.f32 [tilespmem:s11], [sflag:$0x8], $0x80, s7, s8, $0xb8;
	[tilespmem:$0x1B380] =	vst v63  }
0x87: {  	s22 =	sadd.s32 s0, s20  }
0x88: {  	[tilespmem:s5], [sflag:$0x1] =	stream.linear.gather [hbm4b:s22+s5], $0x50, $0x38;
	[tilespmem:$0x1B380] =	vst v63  }
0x89: {  	s14 =	sadd.s32 s6, s20  }
0x8a: {  	[tilespmem:s31], [sflag:$0x1] =	stream.linear.gather [hbm4b:s14+s5], $0x50, $0x38;
	[tilespmem:$0x1B380] =	vst v63  }
0x8b: {  	_ =	swait.ge [sflag:s1], $0x50  }
0x8c: {  	[sflag:s1] =	ssyncset.done $0x0  }
0x8d: {  	[sflag:s1] =	ssyncadd.s32 $0xFFFFFFB0  }
0x8e: {  	_ =	swait.ge [sflag:s1], $0x50  }
0x8f: {  	[sflag:s1] =	ssyncset.done $0x0  }
0x90: {  	[sflag:s1] =	ssyncadd.s32 $0xFFFFFFB0  }
0x91: {  	_ =	swait.ge [sflag:s26], $0x2800  }
0x92: {  	[sflag:s26] =	ssyncset.done $0x0  }
0x93: {  	[sflag:s26] =	ssyncadd.s32 $0xFFFFD800  }
0x94: {  	_ =	swait.ge [sflag:s19], $0x2800  }
0x95: {  	[sflag:s19] =	ssyncset.done $0x0  }
0x96: {  	[sflag:s19] =	ssyncadd.s32 $0xFFFFD800  }
0x97: {  	[tilespmem:s29], [sflag:$0x4] =	stream.indirect.gather [hbm4b:s3+s8], $0x80, s5, s8, $0xb8;
	[tilespmem:$0x1B380] =	vst v63  }
0x98: {  	_ = 	snop  }
0x99: {  	[spmem:s4] =	stream.indirect.scatter.add.f32 [tilespmem:s18], [sflag:$0x9], $0x80, s13, s8, $0xb8;
	[tilespmem:$0x1B380] =	vst v63  }
0x9a: {  	s24 =	rddreg [dreg:$0x17]  }
0x9b: {  	[tilespmem:s2], [sflag:$0x2] =	stream.linear.gather [hbm4b:s24+s5], $0x50, $0x38;
	[tilespmem:$0x1B380] =	vst v63  }
0x9c: {  	s23 =	rddreg [dreg:$0x16]  }
0x9d: {  	[tilespmem:s7], [sflag:$0x2] =	stream.linear.gather [hbm4b:s23+s5], $0x50, $0x38;
	[tilespmem:$0x1B380] =	vst v63  }
0x9e: {  	_ =	swait.ge [sflag:s9], $0x50  }
0x9f: {  	[sflag:s9] =	ssyncset.done $0x0  }
0xa0: {  	[sflag:s9] =	ssyncadd.s32 $0xFFFFFFB0  }
0xa1: {  	_ =	swait.ge [sflag:s9], $0x50  }
0xa2: {  	[sflag:s9] =	ssyncset.done $0x0  }
0xa3: {  	[sflag:s9] =	ssyncadd.s32 $0xFFFFFFB0  }
0xa4: {  	_ =	swait.ge [sflag:s28], $0x2800  }
0xa5: {  	[sflag:s28] =	ssyncset.done $0x0  }
0xa6: {  	s22 =	smin.u32 s21, $0x77;
	[sflag:s28] =	ssyncadd.s32 $0xFFFFD800  }
0xa7: {  	s14 =	smul.u32 $0x50, s22;
	_ =	swait.ge [sflag:s10], $0x2800  }
0xa8: {  	[sflag:s10] =	ssyncset.done $0x0;
	s20 =	rddreg [dreg:$0x5]  }
0xa9: {  	[sflag:s10] =	ssyncadd.s32 $0xFFFFD800;
	s14 =	sadd.s32 s14, s20  }
0xaa: {  	[tilespmem:s11], [sflag:$0x5] =	stream.indirect.gather [hbm4b:s3+s8], $0x80, s2, s8, $0xb8;
	[tilespmem:$0x1B380] =	vst v63  }
0xab: {  	s14 =	sshrl.u32 s14, $0x3  }
0xac: {  	[spmem:s4] =	stream.indirect.scatter.add.f32 [tilespmem:s29], [sflag:$0x7], $0x80, s31, s8, $0xb8;
	[tilespmem:$0x1B380] =	vst v63  }
0xad: {  	s21 =	simm.s32 $0x3;
	s22 =	sadd.s32 s0, s14;
	s14 =	sadd.s32 s6, s14  }
0xae: {  	[tilespmem:s12], [sflag:$0x3] =	stream.linear.gather [hbm4b:s22+s5], $0x50, $0x38;
	[tilespmem:$0x1B380] =	vst v63  }
.LBB2_4:
0xaf: {  	[tilespmem:s13], [sflag:$0x3] =	stream.linear.gather [hbm4b:s14+s5], $0x50, $0x38;
	[tilespmem:$0x1B380] =	vst v63  }
0xb0: {  	_ =	swait.ge [sflag:s15], $0x50  }
0xb1: {  	[sflag:s15] =	ssyncset.done $0x0  }
0xb2: {  	[sflag:s15] =	ssyncadd.s32 $0xFFFFFFB0  }
0xb3: {  	_ =	swait.ge [sflag:s15], $0x50  }
0xb4: {  	[sflag:s15] =	ssyncset.done $0x0  }
0xb5: {  	[sflag:s15] =	ssyncadd.s32 $0xFFFFFFB0  }
0xb6: {  	_ =	swait.ge [sflag:s17], $0x2800  }
0xb7: {  	[sflag:s17] =	ssyncset.done $0x0  }
0xb8: {  	[sflag:s17] =	ssyncadd.s32 $0xFFFFD800  }
0xb9: {  	_ =	swait.ge [sflag:s16], $0x2800  }
0xba: {  	[sflag:s16] =	ssyncset.done $0x0  }
0xbb: {  	s25 =	sadd.s32 $0xF0, s25;
	[sflag:s16] =	ssyncadd.s32 $0xFFFFD800  }
0xbc: {  	[tilespmem:s18], [sflag:$0x6] =	stream.indirect.gather [hbm4b:s3+s8], $0x80, s12, s8, $0xb8;
	[tilespmem:$0x1B380] =	vst v63  }
0xbd: {  	s14 =	sshrl.u32 s25, $0x3  }
0xbe: {  	[spmem:s4] =	stream.indirect.scatter.add.f32 [tilespmem:s11], [sflag:$0x8], $0x80, s7, s8, $0xb8;
	[tilespmem:$0x1B380] =	vst v63  }
0xbf: {  	s20 =	sadd.s32 s0, s14  }
0xc0: {  	[tilespmem:s5], [sflag:$0x1] =	stream.linear.gather [hbm4b:s20+s5], $0x50, $0x38;
	[tilespmem:$0x1B380] =	vst v63  }
0xc1: {  	s14 =	sadd.s32 s6, s14  }
0xc2: {  	[tilespmem:s31], [sflag:$0x1] =	stream.linear.gather [hbm4b:s14+s5], $0x50, $0x38;
	[tilespmem:$0x1B380] =	vst v63  }
0xc3: {  	_ =	swait.ge [sflag:s1], $0x50  }
0xc4: {  	[sflag:s1] =	ssyncset.done $0x0  }
0xc5: {  	[sflag:s1] =	ssyncadd.s32 $0xFFFFFFB0  }
0xc6: {  	_ =	swait.ge [sflag:s1], $0x50  }
0xc7: {  	[sflag:s1] =	ssyncset.done $0x0  }
0xc8: {  	[sflag:s1] =	ssyncadd.s32 $0xFFFFFFB0  }
0xc9: {  	_ =	swait.ge [sflag:s26], $0x2800  }
0xca: {  	[sflag:s26] =	ssyncset.done $0x0  }
0xcb: {  	[sflag:s26] =	ssyncadd.s32 $0xFFFFD800  }
0xcc: {  	_ =	swait.ge [sflag:s19], $0x2800  }
0xcd: {  	[sflag:s19] =	ssyncset.done $0x0  }
0xce: {  	[sflag:s19] =	ssyncadd.s32 $0xFFFFD800  }
0xcf: {  	[tilespmem:s29], [sflag:$0x4] =	stream.indirect.gather [hbm4b:s3+s8], $0x80, s5, s8, $0xb8;
	[tilespmem:$0x1B380] =	vst v63  }
0xd0: {  	_ = 	snop  }
0xd1: {  	[spmem:s4] =	stream.indirect.scatter.add.f32 [tilespmem:s18], [sflag:$0x9], $0x80, s13, s8, $0xb8;
	[tilespmem:$0x1B380] =	vst v63  }
0xd2: {  	s24 =	sadd.s32 $0x1E, s24  }
0xd3: {  	[tilespmem:s2], [sflag:$0x2] =	stream.linear.gather [hbm4b:s24+s5], $0x50, $0x38;
	[tilespmem:$0x1B380] =	vst v63  }
0xd4: {  	s23 =	sadd.s32 $0x1E, s23  }
0xd5: {  	[tilespmem:s7], [sflag:$0x2] =	stream.linear.gather [hbm4b:s23+s5], $0x50, $0x38;
	[tilespmem:$0x1B380] =	vst v63  }
0xd6: {  	_ =	swait.ge [sflag:s9], $0x50  }
0xd7: {  	[sflag:s9] =	ssyncset.done $0x0  }
0xd8: {  	[sflag:s9] =	ssyncadd.s32 $0xFFFFFFB0  }
0xd9: {  	_ =	swait.ge [sflag:s9], $0x50  }
0xda: {  	[sflag:s9] =	ssyncset.done $0x0  }
0xdb: {  	[sflag:s9] =	ssyncadd.s32 $0xFFFFFFB0  }
0xdc: {  	_ =	swait.ge [sflag:s28], $0x2800  }
0xdd: {  	[sflag:s28] =	ssyncset.done $0x0  }
0xde: {  	[sflag:s28] =	ssyncadd.s32 $0xFFFFD800  }
0xdf: {  	s22 =	smov.u32 s21;
	_ =	swait.ge [sflag:s10], $0x2800  }
0xe0: {  	p1 =	sne.s32 s21, $0x78;
	s20 =	smin.u32 s22, $0x77;
	[sflag:s10] =	ssyncset.done $0x0  }
0xe1: {  	s14 =	smul.u32 $0x50, s20;
	s22 =	rddreg [dreg:$0x5];
	[sflag:s10] =	ssyncadd.s32 $0xFFFFD800  }
0xe2: {  	[tilespmem:s11], [sflag:$0x5] =	stream.indirect.gather [hbm4b:s3+s8], $0x80, s2, s8, $0xb8;
	[tilespmem:$0x1B380] =	vst v63  }
.Ltmp1:
0xe3: {  	s14 =	sadd.s32 s14, s22;
	(pc) =	sbr.rel @p1 .LBB2_4-.Ltmp1, $4  }
0xe4: {  	s14 =	sshrl.u32 s14, $0x3  }
0xe5: {  	[spmem:s4] =	stream.indirect.scatter.add.f32 [tilespmem:s29], [sflag:$0x7], $0x80, s31, s8, $0xb8;
	[tilespmem:$0x1B380] =	vst v63  }
0xe6: {  	s21 =	sadd.s32 $0x3, s21;
	s22 =	sadd.s32 s0, s14;
	s14 =	sadd.s32 s6, s14  }
0xe7: {  	[tilespmem:s12], [sflag:$0x3] =	stream.linear.gather [hbm4b:s22+s5], $0x50, $0x38;
	[tilespmem:$0x1B380] =	vst v63  }
0xe8: {  	[tilespmem:s13], [sflag:$0x3] =	stream.linear.gather [hbm4b:s14+s5], $0x50, $0x38;
	[tilespmem:$0x1B380] =	vst v63  }
0xe9: {  	_ =	swait.ge [sflag:s15], $0x50  }
0xea: {  	[sflag:s15] =	ssyncset.done $0x0  }
0xeb: {  	[sflag:s15] =	ssyncadd.s32 $0xFFFFFFB0  }
0xec: {  	_ =	swait.ge [sflag:s15], $0x50  }
0xed: {  	[sflag:s15] =	ssyncset.done $0x0  }
0xee: {  	[sflag:s15] =	ssyncadd.s32 $0xFFFFFFB0  }
0xef: {  	_ =	swait.ge [sflag:s17], $0x2800  }
0xf0: {  	[sflag:s17] =	ssyncset.done $0x0  }
0xf1: {  	[sflag:s17] =	ssyncadd.s32 $0xFFFFD800  }
0xf2: {  	_ =	swait.ge [sflag:s16], $0x2800  }
0xf3: {  	[sflag:s16] =	ssyncset.done $0x0  }
0xf4: {  	[sflag:s16] =	ssyncadd.s32 $0xFFFFD800  }
0xf5: {  	[spmem:s4] =	stream.indirect.scatter.add.f32 [tilespmem:s11], [sflag:$0x8], $0x80, s7, s8, $0xb8;
	[tilespmem:$0x1B380] =	vst v63  }
0xf6: {  	_ =	swait.ge [sflag:s26], $0x2800  }
0xf7: {  	[sflag:s26] =	ssyncset.done $0x0  }
0xf8: {  	[sflag:s26] =	ssyncadd.s32 $0xFFFFD800  }
0xf9: {  	[bflag:$0x0] =	sbarrier.arrive $0xFFFF  }
0xfa: {  	s14 =	rddreg [dreg:$0xf]  }
0xfb: {  	s20 =	simm.s32 @p0 $0x1FCA;
	s21 =	rddreg [dreg:$0xe];
	s14 =	sshrl.u32 @p0 s14, $0x3  }
0xfc: {  	[hbm:s21], [sflag:s20] =	dma.local @p0 [spmem:s14], $0x1900  }
0xfd: {  	s14 =	simm.s32 @p0 $0xA  }
0xfe: {  	_ =	swait.ge @p0 [sflag:s14], $0x1900  }
0xff: {  	s20 =	stileid.u32;
	s23 =	rddreg [dreg:$0xd]  }
0x100: {  	s20 =	sshll.u32 @!p0 s20, $0x6;
	[sflag:s14] =	ssyncset.done @p0 $0x0;
	s21 =	rddreg [dreg:$0xc]  }
0x101: {  	[sflag:s14] =	ssyncadd.s32 @p0 $0xFFFFE700;
	s14 =	sor.u32 @!p0 $0x1C0A, s20;
	s20 =	sshrl.u32 @!p0 s23, $0x3  }
0x102: {  	[hbm:s21], [sflag:s14] =	dma.local @!p0 [spmem:s20], $0x2800  }
0x103: {  	s14 =	simm.s32 @!p0 $0xA  }
0x104: {  	_ =	swait.ge @!p0 [sflag:s14], $0x2800  }
0x105: {  	s24 =	rddreg [dreg:$0x1b]  }
0x106: {  	s25 =	rddreg [dreg:$0x10];
	s21 =	sadd.s32 $0x1, s24  }
0x107: {  	p1 =	sne.s32 s21, s25  }
.Ltmp2:
0x108: {  	_ = 	snop;
	(pc) =	sbr.rel @p1 .LBB2_1-.Ltmp2, $3  }
0x109: {  	_ =	sdelay $0x1  }
0x10a: {  	[sflag:s14] =	ssyncset.done @!p0 $0x0  }
0x10b: {  	[sflag:s14] =	ssyncadd.s32 @!p0 $0xFFFFD800  }
0x10c: {  	_ =	sfence.sel $0x180000  }
0x10d: {  	[bflag:$0x0] =	sbarrier.arrive $0xFFFF  }
0x10e: {  	_ =	strace $0x9000004A  }
0x10f: {  	s0 =	stileid.u32;
	[bflag:$0x2] =	sbarrier.arrive $0xFFFF  }
0x110: {  	p0 =	sne.s32 s0, $0x0;
	s0 =	rddreg [dreg:$0x4]  }
0x111: {  	s0 =	sadd.s32 @!p0 $0x100000, s0  }
0x112: {  	[sflag:s0] =	ssyncadd.tile.s32 @!p0 $0x1;
	_ =	shalt  }
.Lfunc_end2:
_tile_overlayer_lowered:
.L_overlay_start_2:
0x113: {  	(tag) =	ssettag $0x2  }
0x114: {  	s0 =	rddreg [dreg:$0x0];
	s2 =	stileid.u32  }
0x115: {  	s1 =	rddreg [dreg:$0x1];
	p0 =	sne.s32 s2, $0x0  }
0x116: {  	s3 =	rddreg [dreg:$0x2];
	[bflag:$0x3] =	sbarrier.arrive $0xFFFF;
	s2 =	simm.s32 @!p0 $0x1C0A  }
0x117: {  	[timem:s3], [sflag:s2] =	dma.local @!p0 [hbm:s0], s1  }
0x118: {  	s0 =	simm.s32 @!p0 $0xA  }
0x119: {  	_ =	swait.ge @!p0 [sflag:s0], s1  }
0x11a: {  	s1 =	ssub.s32 @!p0 $0x0, s1;
	[sflag:s0] =	ssyncset.done @!p0 $0x0  }
0x11b: {  	[sflag:s0] =	ssyncadd.s32 @!p0 s1  }
0x11c: {  	[bflag:$0x3] =	sbarrier.arrive $0xFFFF  }
0x11d: {  	_ =	shalt  }

// kernel: _run.7.cloned.1.call-start
scs
__scs_entry_jumppad:
0x0: {  	(pc) =	sbr.rel $0x88, $3  }
0x1: {  	(tag) =	ssettag $0x0;
	lr =	simm.s32 $0x1  }
0x2: {  	[smem:$0x3F99] =	sst lr;
	_ =	strace $0xD0000000  }
0x3: {  	_ = 	snop  }
0x4: {  	_ = 	snop  }
0x5: {  	_ = 	snop  }
0x6: {  	_ = 	snop  }
0x7: {  	_ = 	snop  }
__scs_overlays_trampoline_lowered:
0x8: {  	[smem:$0x3FA8] =	sst s0  }
0x9: {  	[smem:$0x3FA9] =	sst s1  }
0xa: {  	[smem:$0x3FAA] =	sst s2  }
0xb: {  	[smem:$0x3FAB] =	sst s3  }
0xc: {  	[smem:$0x3FAC] =	sst s4  }
0xd: {  	[smem:$0x3FAD] =	sst s5  }
0xe: {  	[smem:$0x3FAE] =	sst s6  }
0xf: {  	[smem:$0x3FAF] =	sst s7  }
0x10: {  	[smem:$0x3FB0] =	sst s8  }
0x11: {  	[smem:$0x3FB1] =	sst s9;
	s0 =	simm.s32 @!p0 $0x0  }
0x12: {  	s1 =	sld [smem:$0x3F97];
	s0 =	simm.s32 @p0 $0x1  }
0x13: {  	[smem:$0x3FB2] =	sst s0;
	s0 =	simm.s32 @!p1 $0x0  }
0x14: {  	s2 =	sld [smem:$0x3F96];
	s0 =	simm.s32 @p1 $0x1  }
0x15: {  	[smem:$0x3FB3] =	sst s0;
	s0 =	simm.s32 @!p2 $0x0  }
0x16: {  	s3 =	sld [smem:$0x3FDB];
	s0 =	simm.s32 @p2 $0x1  }
0x17: {  	s4 =	simm.s32 $0x1BF5;
	[smem:$0x3FB5] =	sst s0  }
0x18: {  	s0 =	sld [smem:$0x3F98];
	_ =	swait.ge [sflag:s4], $0x0  }
0x19: {  	s7 =	sld [smem:$0x3F99]  }
0x1a: {  	s8 =	sadd.s32 $0xFFFFE003, lr  }
0x1b: {  	s9 =	sadd.s32 $0xFFFFFEF7, lr;
	s5 =	simm.s32 $0xFFFFFFFF;
	p2 =	slt.u32 s8, $0xFFFFF086  }
0x1c: {  	p1 =	slt.u32 s9, $0xF7A;
	s5 =	simm.s32 @!p2 $0x0  }
0x1d: {  	s5 =	simm.s32 @p1 $0x1;
	p0 =	seq.s32 s7, s2  }
0x1e: {  	s7 =	smul.u32 @!p0 $0xF7A, s2;
	p2 =	seq.s32 @!p0 s5, $0x0  }
0x1f: {  	s9 =	smul.u32 $0xF7A, s1;
	s8 =	simm.s32 @!p0 $0x1BF5;
	p2 =	por !p2, p0  }
0x20: {  	[sflag:s8] =	ssyncset.s32 @!p0 $0xFFFFF086;
	s6 =	sadd.s32 @!p0 s3, s7;
	s7 =	simm.s32 @!p0 $0x108  }
0x21: {  	s3 =	sadd.s32 s3, s9;
	s6 =	sadd.s32 @!p0 $0x88, s6;
	s7 =	simm.s32 @p2 $0x1082  }
0x22: {  	[simem:s7], [sflag:s8] =	dma.local @!p0 [hbm:s6], $0xF7A  }
0x23: {  	s9 =	sor.u32 $0xD0000000, s2;
	s6 =	simm.s32 $0x108;
	_ =	swait.ge @!p0 [sflag:s8], $0x0  }
0x24: {  	s3 =	sadd.s32 $0x88, s3;
	s6 =	simm.s32 @!p1 $0x1082;
	[sflag:s4] =	ssyncset.s32 $0xFFFFF086  }
0x25: {  	[simem:s6], [sflag:s4] =	dma.local [hbm:s3], $0xF7A  }
0x26: {  	[smem:$0x3F99] =	sst s1;
	(tag) =	ssettag s2;
	_ =	strace s9  }
0x27: {  	s1 =	sld [smem:$0x3FA9]  }
0x28: {  	s2 =	sld [smem:$0x3FAA]  }
0x29: {  	s4 =	sld [smem:$0x3FAC]  }
0x2a: {  	p0 =	seq.s32 s5, $0x0;
	s5 =	sld [smem:$0x3FAD]  }
0x2b: {  	s6 =	sld [smem:$0x3FAE]  }
0x2c: {  	s7 =	sld [smem:$0x3FAF]  }
0x2d: {  	s3 =	simm.s32 $0x108;
	s8 =	sld [smem:$0x3FB0]  }
0x2e: {  	s3 =	simm.s32 @!p0 $0x1082;
	s9 =	sld [smem:$0x3FB1]  }
0x2f: {  	lr =	sadd.s32 s0, s3;
	s0 =	sld [smem:$0x3FA8]  }
0x30: {  	s3 =	sld [smem:$0x3FAB]  }
0x31: {  	[smem:$0x3FB4] =	sst s10  }
0x32: {  	s10 =	sld [smem:$0x3FB2];
	_ =	sdelay $0x3  }
0x33: {  	p0 =	seq.s32 s10, $0x1;
	s10 =	sld [smem:$0x3FB4];
	_ =	sdelay $0x3  }
0x34: {  	[smem:$0x3FB4] =	sst s10  }
0x35: {  	s10 =	sld [smem:$0x3FB3];
	_ =	sdelay $0x3  }
0x36: {  	p1 =	seq.s32 s10, $0x1;
	s10 =	sld [smem:$0x3FB4];
	_ =	sdelay $0x3  }
0x37: {  	[smem:$0x3FB4] =	sst s10  }
0x38: {  	s10 =	sld [smem:$0x3FB5]  }
0x39: {  	_ = 	snop;
	(pc) =	sbr.ind lr, $3  }
0x3a: {  	_ = 	snop  }
0x3b: {  	_ = 	snop  }
0x3c: {  	p2 =	seq.s32 s10, $0x1;
	s10 =	sld [smem:$0x3FB4]  }
0x3d: {  	_ =	shalt  }
0x3e: {  	_ =	shalt  }
0x3f: {  	_ =	shalt  }
0x40: {  	_ =	shalt  }
0x41: {  	_ =	shalt  }
0x42: {  	_ =	shalt  }
0x43: {  	_ =	shalt  }
0x44: {  	_ =	shalt  }
0x45: {  	_ =	shalt  }
0x46: {  	_ =	shalt  }
0x47: {  	_ =	shalt  }
0x48: {  	_ =	shalt  }
0x49: {  	_ =	shalt  }
0x4a: {  	_ =	shalt  }
0x4b: {  	_ =	shalt  }
0x4c: {  	_ =	shalt  }
0x4d: {  	_ =	shalt  }
0x4e: {  	_ =	shalt  }
0x4f: {  	_ =	shalt  }
0x50: {  	_ =	shalt  }
0x51: {  	_ =	shalt  }
0x52: {  	_ =	shalt  }
0x53: {  	_ =	shalt  }
0x54: {  	_ =	shalt  }
0x55: {  	_ =	shalt  }
0x56: {  	_ =	shalt  }
0x57: {  	_ =	shalt  }
0x58: {  	_ =	shalt  }
0x59: {  	_ =	shalt  }
0x5a: {  	_ =	shalt  }
0x5b: {  	_ =	shalt  }
0x5c: {  	_ =	shalt  }
0x5d: {  	_ =	shalt  }
0x5e: {  	_ =	shalt  }
0x5f: {  	_ =	shalt  }
0x60: {  	_ =	shalt  }
0x61: {  	_ =	shalt  }
0x62: {  	_ =	shalt  }
0x63: {  	_ =	shalt  }
0x64: {  	_ =	shalt  }
0x65: {  	_ =	shalt  }
0x66: {  	_ =	shalt  }
0x67: {  	_ =	shalt  }
0x68: {  	_ =	shalt  }
0x69: {  	_ =	shalt  }
0x6a: {  	_ =	shalt  }
0x6b: {  	_ =	shalt  }
0x6c: {  	_ =	shalt  }
0x6d: {  	_ =	shalt  }
0x6e: {  	_ =	shalt  }
0x6f: {  	_ =	shalt  }
0x70: {  	_ =	shalt  }
0x71: {  	_ =	shalt  }
0x72: {  	_ =	shalt  }
0x73: {  	_ =	shalt  }
0x74: {  	_ =	shalt  }
0x75: {  	_ =	shalt  }
0x76: {  	_ =	shalt  }
0x77: {  	_ =	shalt  }
0x78: {  	_ =	shalt  }
0x79: {  	_ =	shalt  }
0x7a: {  	_ =	shalt  }
0x7b: {  	_ =	shalt  }
0x7c: {  	_ =	shalt  }
0x7d: {  	_ =	shalt  }
0x7e: {  	_ =	shalt  }
0x7f: {  	_ =	shalt  }
0x80: {  	_ =	shalt  }
0x81: {  	_ =	shalt  }
0x82: {  	_ =	shalt  }
0x83: {  	_ =	shalt  }
0x84: {  	_ =	shalt  }
0x85: {  	_ =	shalt  }
0x86: {  	_ =	shalt  }
0x87: {  	_ =	shalt  }
.Lfunc_end0:
.L_simem_size_0:
called_computation_lowered:
.L_overlay_start_0:
0x88: {  	s2 =	sld [smem:$0x3FD9]  }
0x89: {  	s3 =	sld [smem:$0x3FFE];
	_ =	sdelay $0x1  }
0x8a: {  	s1 =	srdreg.scid  }
0x8b: {  	s0 =	sand.u32 $0x1, s1  }
0x8c: {  	s14 =	sshll.u32 s0, $0xA;
	s2 =	sadd.s32 s3, s2  }
0x8d: {  	s2 =	sadd.s32 s2, s14  }
0x8e: {  	[smem:$0x3FC0] =	sst s2  }
0x8f: {  	_ = 	snop  }
0x90: {  	s2 =	sld [smem:$0x3FD0];
	_ =	sdelay $0x2  }
0x91: {  	s15 =	simm.s32 $0xA;
	s4 =	simm.s32 $0x10  }
0x92: {  	[smem:s4], [sflag:s15] =	dma.local [hbm:s2], $0x1  }
0x93: {  	_ =	swait.eq [sflag:s15], $0x1  }
0x94: {  	[sflag:s15] =	ssyncset.done $0x0  }
0x95: {  	[sflag:s15] =	ssyncadd.s32 $0xFFFFFFFF  }
0x96: {  	s16 =	sld [smem:$0x10];
	(tm) =	ssettm $0x1  }
0x97: {  	s17 =	sld [smem:$0x3FFB];
	_ =	sdelay $0x3  }
0x98: {  	_ =	strace s17  }
0x99: {  	s3 =	sld [smem:$0x3FFC];
	_ =	sdelay $0x3  }
0x9a: {  	_ =	strace s3  }
0x9b: {  	s3 =	sld [smem:$0x3FFD];
	_ =	sdelay $0x3  }
0x9c: {  	_ =	strace s3  }
0x9d: {  	_ =	strace $0x8FFFFFFF  }
0x9e: {  	s18 =	sld [smem:$0x3FDB];
	_ =	sdelay $0x1  }
0x9f: {  	s19 =	simm.s32 $_scs_section_size  }
0xa0: {  	s5 =	simm.s32 $_size__tile_overlayer_lowered;
	s6 =	simm.s32 $_tile_overlayer_lowered  }
0xa1: {  	s22 =	simm.s32 $0x1BFF;
	s21 =	sshll.u32 s6, $0x1;
	s3 =	sadd.s32 s19, s18  }
0xa2: {  	s7 =	simm.s32 $0x0;
	s20 =	sshll.u32 s5, $0x1;
	s5 =	sadd.s32 s21, s3  }
0xa3: {  	[timem:s7], [sflag:s22] =	dma.local [hbm:s5], s20  }
0xa4: {  	_ =	swait.ge [sflag:s22], s20  }
0xa5: {  	s4 =	ssub.s32 $0x0, s20;
	[sflag:s22] =	ssyncset.done $0x0  }
0xa6: {  	[sflag:s22] =	ssyncadd.s32 s4;
	_ =	sdelay $0x1  }
0xa7: {  	s23 =	simm.s32 $0x1B8B  }
0xa8: {  	_ =	swait.ge [sflag:s23], $0x1  }
0xa9: {  	[sflag:s23] =	ssyncset.done $0x0  }
0xaa: {  	s25 =	simm.s32 $0x1B8E;
	s24 =	sld [smem:$0x3FFE];
	[sflag:s23] =	ssyncadd.s32 $0xFFFFFFFF  }
0xab: {  	s26 =	simm.s32 $execute0_lowered;
	[smem:$0x3FD2] =	sst s25  }
0xac: {  	s5 =	sshll.u32 s26, $0x1;
	_ =	strace $0x80000046;
	[dreg:$0x1] =	wrdreg $0xFFFFFFFF  }
0xad: {  	s28 =	simm.s32 $_size_execute0_lowered;
	s3 =	sadd.s32 s3, s5;
	[dreg:$0x0] =	wrdreg $0x0  }
0xae: {  	s5 =	sshll.u32 s28, $0x1;
	[dreg:$0x2] =	wrdreg s3  }
0xaf: {  	[dreg:$0x3] =	wrdreg s5  }
0xb0: {  	[dreg:$0x4] =	wrdreg $0xC0  }
0xb1: {  	_ =	task [dreg:s7], $0x5FFFF  }
0xb2: {  	[dreg:$0x1] =	wrdreg $0xFFFFFFFF  }
0xb3: {  	[dreg:$0x0] =	wrdreg $0x60  }
0xb4: {  	[dreg:$0x2] =	wrdreg s24  }
0xb5: {  	[dreg:$0x3] =	wrdreg s16  }
0xb6: {  	[dreg:$0x4] =	wrdreg $0x6AD00  }
0xb7: {  	[dreg:$0x5] =	wrdreg $0x9  }
0xb8: {  	_ =	task.clear_ibuf [dreg:s7], $0x6FFFF;
	_ =	strace $0x90000046  }
0xb9: {  	s29 =	simm.s32 $0x9;
	_ =	strace $0x80000048  }
0xba: {  	_ =	swait.ge [sflag:s29], $0x1  }
0xbb: {  	[sflag:s29] =	ssyncadd.s32 $0xFFFFFFFF  }
0xbc: {  	_ =	strace $0x90000048  }
0xbd: {  	_ =	sfence  }
0xbe: {  	s30 =	sld [smem:$0x0];
	_ =	sdelay $0x2  }
0xbf: {  	s31 =	sshll.u32 s1, $0xD;
	s1 =	sshrl.u32 s1, $0x2  }
0xc0: {  	s3 =	sand.u32 $0x4000, s31;
	s1 =	sadd.s32 s1, s30  }
0xc1: {  	s0 =	sor.u32 s3, s0;
	s1 =	sshll.u32 s1, $0x11  }
0xc2: {  	s0 =	sor.u32 s1, s0  }
0xc3: {  	s0 =	sadd.s32 $0x8F2B, s0  }
0xc4: {  	[sflag:s0] =	ssyncadd.remote.s32 $0x1  }
0xc5: {  	_ =	sfence.sel $0xFFFF  }
0xc6: {  	[dreg:$0x0] =	wrdreg $0xFFFFFFFF;
	(pc) =	sbr.abs _section_cstart, $3  }
0xc7: {  	[dreg:$0x1] =	wrdreg $0xFFFFFFFF  }
0xc8: {  	_ =	task.clear_ibuf [dreg:s7], $0x2FFFF;
	_ =	strace $0x9FFFFFFF  }
0xc9: {  	(tm) =	ssettm $0x7FFFFFFF  }
tec
execute0_lowered:
.L_overlay_start_1:
0x0: {  	(tag) =	ssettag $0x1  }
0x1: {  	s4 =	rddreg [dreg:$0x0]  }
0x2: {  	s0 =	srdreg.scid;
	s7 =	rddreg [dreg:$0x1]  }
0x3: {  	s18 =	stileid.u32;
	s2 =	rddreg [dreg:$0x2];
	s3 =	simm.s32 $0x0  }
0x4: {  	s28 =	simm.s32 $0x1;
	s29 =	simm.s32 $0x100;
	s30 =	simm.s32 $0x69D0  }
0x5: {  	s31 =	simm.s32 $0x2;
	s0 =	sand.u32 $0x1, s0;
	s9 =	smul.u32 $0x2710, s18  }
0x6: {  	[smem:$0x7FF] =	sst s3;
	s14 =	sadd.s32 $0x2C00, s4;
	s23 =	smul.u32 $0x4E0, s18  }
0x7: {  	s1 =	sshll.u32 s0, $0x4;
	s6 =	smul.u32 $0x27100, s0;
	_ =	strace $0x80000047  }
0x8: {  	s17 =	ssub.s32 $0x2, s0;
	s0 =	smul.u32 $0x4E00, s0;
	s1 =	sor.u32 s18, s1  }
0x9: {  	s19 =	sshrl.u32 s17, $0x1;
	s5 =	smul.u32 $0x27, s1;
	s10 =	smin.u32 s1, $0x2  }
0xa: {  	s6 =	sadd.s32 s9, s6;
	p0 =	sgt.u32 s1, $0x1;
	s9 =	sadd.s32 s9, s2  }
0xb: {  	s0 =	sadd.s32 s0, s14;
	p1 =	slt.u32 s1, $0x2;
	s1 =	simm.s32 $0x4  }
0xc: {  	s16 =	sshrl.u32 s6, $0x3;
	s0 =	sadd.s32 s23, s0;
	s23 =	simm.s32 $0x8  }
0xd: {  	s5 =	sadd.s32 s10, s5;
	s15 =	sadd.s32 s16, s4;
	s16 =	ssub.s32 s17, s19  }
0xe: {  	s17 =	smul.u32 $0x9C40, s18;
	s10 =	sshll.u32 s10, $0x5;
	s8 =	sshll.u32 s5, $0x5  }
0xf: {  	s15 =	sadd.s32 $0x16600, s15;
	s16 =	smax.u32 s16, $0x1;
	s11 =	sadd.s32 s8, s4  }
0x10: {  	s4 =	simm.s32 $0x27;
	s5 =	sadd.s32 s14, s8;
	[dreg:$0x6] =	wrdreg s15  }
0x11: {  	s7 =	sadd.s32 s7, s8;
	s22 =	sshrl.u32 s17, $0x2;
	[dreg:$0x7] =	wrdreg s16  }
0x12: {  	s14 =	simm.s32 $0x0;
	s4 =	simm.s32 @!p0 $0x28;
	s6 =	sadd.s32 $0x9C40, s5  }
0x13: {  	s8 =	sadd.s32 $0x20400, s11;
	s20 =	sadd.s32 $0x9C60, s5;
	s21 =	sadd.s32 $0x9C80, s5  }
0x14: {  	s13 =	sadd.s32 $0xA120, s5;
	s15 =	sadd.s32 s22, s2;
	[dreg:$0x4] =	wrdreg s20  }
0x15: {  	s22 =	simm.s32 $0x1000;
	[dreg:$0x5] =	wrdreg s21;
	s11 =	sadd.s32 $0xFFFFFFFF, s4  }
0x16: {  	s12 =	sadd.s32 $0xFFFFFFFE, s4;
	s24 =	sadd.s32 $0x7D0, s15;
	s25 =	sadd.s32 $0xFA0, s15  }
0x17: {  	s26 =	sadd.s32 $0x1770, s15;
	s20 =	sadd.s32 $0x1F40, s15;
	[dreg:$0x8] =	wrdreg s24  }
0x18: {  	s21 =	sadd.s32 s10, s0;
	s0 =	simm.s32 $0x3;
	[dreg:$0x9] =	wrdreg s25  }
0x19: {  	s10 =	simm.s32 $0x6;
	[dreg:$0xa] =	wrdreg s26;
	s24 =	simm.s32 $0x67D0  }
0x1a: {  	v0 =	vimm.f32 $1.000000000e+00;
	v1 =	vimm.f32 $0.0e+00;
	s25 =	sshrl.u32 s9, $0x3;
	s26 =	simm.s32 $0x68D0;
	s9 =	simm.s32 $0x5  }
.LBB2_1:
0x1b: {  	s16 =	simm.s32 @p0 $0x0;
	s17 =	simm.s32 @p0 $0x17D0  }
0x1c: {  	[tilespmem:s17], [sflag:$0x7] =	stream.linear.gather @p0 [hbm4b:s5+s16], $0x2700, $0x38;
	[tilespmem:$0x91E8] =	vst v63  }
0x1d: {  	s17 =	simm.s32 @p0 $0x3FD0  }
0x1e: {  	[tilespmem:s17], [sflag:$0x7] =	stream.linear.gather @p0 [hbm4b:s6+s16], $0x2700, $0x38;
	[tilespmem:$0x91E8] =	vst v63  }
0x1f: {  	s16 =	simm.s32 @!p0 $0x0;
	s17 =	simm.s32 @!p0 $0x17D0  }
0x20: {  	[tilespmem:s17], [sflag:$0x7] =	stream.linear.gather @!p0 [hbm4b:s5+s16], $0x2800, $0x38;
	[tilespmem:$0x91E8] =	vst v63  }
0x21: {  	s17 =	simm.s32 @!p0 $0x3FD0  }
0x22: {  	[tilespmem:s17], [sflag:$0x7] =	stream.linear.gather @!p0 [hbm4b:s6+s16], $0x2800, $0x38;
	[tilespmem:$0x91E8] =	vst v63  }
0x23: {  	s16 =	simm.s32 $0x0  }
.LBB2_2:
0x24: {  	p2 =	sne.s32 s16, $0x3FC0  }
.Ltmp0:
0x25: {  	_ = 	snop;
	(pc) =	sbr.rel @p2 .LBB2_2-.Ltmp0, $3  }
0x26: {  	_ =	sdelay $0x1  }
0x27: {  	s17 =	sshra.s32 s16, $0x2  }
0x28: {  	s16 =	sadd.s32 $0x40, s16;
	[tilespmem:s17+$0x0] =	vst v0  }
0x29: {  	s16 =	simm.s32 $0x40;
	s17 =	simm.s32 $0x0  }
.LBB2_4:
0x2a: {  	p2 =	sne.s32 s16, $0x1F00;
	[tilespmem:s17+$0x1000] =	vst v1;
	s17 =	smov.u32 s16;
	s16 =	sadd.s32 $0x40, s16  }
.Ltmp1:
0x2b: {  	(pc) =	sbr.rel @p2 .LBB2_4-.Ltmp1, $2  }
0x2c: {  	_ =	sdelay $0x2  }
0x2d: {  	s17 =	sshra.s32 s17, $0x2  }
0x2e: {  	[tilespmem:s17+$0x1000] =	vst v1;
	s16 =	simm.s32 @p0 $0x7  }
0x2f: {  	_ =	swait.ge @p0 [sflag:s16], $0x2700  }
0x30: {  	[sflag:s16] =	ssyncset.done @p0 $0x0  }
0x31: {  	[sflag:s16] =	ssyncadd.s32 @p0 $0xFFFFD900  }
0x32: {  	_ =	swait.ge @p0 [sflag:s16], $0x2700  }
0x33: {  	[sflag:s16] =	ssyncset.done @p0 $0x0  }
0x34: {  	s17 =	simm.s32 @p0 $0x0;
	s18 =	simm.s32 @p0 $0x17D0;
	[sflag:s16] =	ssyncadd.s32 @p0 $0xFFFFD900  }
0x35: {  	[hbm4b:s7+s17] =	stream.linear.scatter @p0 [tilespmem:s18], [sflag:$0x7], $0x2700, $0x38;
	[tilespmem:$0x91E8] =	vst v63  }
0x36: {  	s18 =	simm.s32 @p0 $0x3FD0  }
0x37: {  	[hbm4b:s8+s17] =	stream.linear.scatter @p0 [tilespmem:s18], [sflag:$0x7], $0x2700, $0x38;
	[tilespmem:$0x91E8] =	vst v63  }
0x38: {  	s17 =	simm.s32 @!p0 $0x7  }
0x39: {  	_ =	swait.ge @!p0 [sflag:s17], $0x2800  }
0x3a: {  	[sflag:s17] =	ssyncset.done @!p0 $0x0  }
0x3b: {  	[sflag:s17] =	ssyncadd.s32 @!p0 $0xFFFFD800  }
0x3c: {  	_ =	swait.ge @!p0 [sflag:s17], $0x2800  }
0x3d: {  	[sflag:s17] =	ssyncset.done @!p0 $0x0  }
0x3e: {  	s19 =	simm.s32 @!p0 $0x17D0;
	s18 =	simm.s32 @!p0 $0x0;
	[sflag:s17] =	ssyncadd.s32 @!p0 $0xFFFFD800  }
0x3f: {  	[hbm4b:s7+s18] =	stream.linear.scatter @!p0 [tilespmem:s19], [sflag:$0x7], $0x2800, $0x38;
	[tilespmem:$0x91E8] =	vst v63  }
0x40: {  	s19 =	simm.s32 @!p0 $0x3FD0  }
0x41: {  	[hbm4b:s8+s18] =	stream.linear.scatter @!p0 [tilespmem:s19], [sflag:$0x7], $0x2800, $0x38;
	[tilespmem:$0x91E8] =	vst v63  }
0x42: {  	_ = 	snop  }
0x43: {  	[spmem:s15] =	stream.linear.scatter [tilespmem:s22], [sflag:$0x8], $0x7D0, $0x38;
	[tilespmem:$0x91E8] =	vst v63  }
0x44: {  	_ =	swait.ge [sflag:s23], $0x7D0  }
0x45: {  	[sflag:s23] =	ssyncset.done $0x0  }
0x46: {  	s19 =	rddreg [dreg:$0x8];
	[sflag:s23] =	ssyncadd.s32 $0xFFFFF830  }
0x47: {  	[spmem:s19] =	stream.linear.scatter [tilespmem:s22], [sflag:$0x8], $0x7D0, $0x38;
	[tilespmem:$0x91E8] =	vst v63  }
0x48: {  	_ =	swait.ge [sflag:s23], $0x7D0  }
0x49: {  	[sflag:s23] =	ssyncset.done $0x0  }
0x4a: {  	s19 =	rddreg [dreg:$0x9];
	[sflag:s23] =	ssyncadd.s32 $0xFFFFF830  }
0x4b: {  	[spmem:s19] =	stream.linear.scatter [tilespmem:s22], [sflag:$0x8], $0x7D0, $0x38;
	[tilespmem:$0x91E8] =	vst v63  }
0x4c: {  	_ =	swait.ge [sflag:s23], $0x7D0  }
0x4d: {  	[sflag:s23] =	ssyncset.done $0x0  }
0x4e: {  	s19 =	rddreg [dreg:$0xa];
	[sflag:s23] =	ssyncadd.s32 $0xFFFFF830  }
0x4f: {  	[spmem:s19] =	stream.linear.scatter [tilespmem:s22], [sflag:$0x8], $0x7D0, $0x38;
	[tilespmem:$0x91E8] =	vst v63  }
0x50: {  	_ =	swait.ge [sflag:s23], $0x7D0  }
0x51: {  	[sflag:s23] =	ssyncset.done $0x0  }
0x52: {  	[sflag:s23] =	ssyncadd.s32 $0xFFFFF830  }
0x53: {  	[spmem:s20] =	stream.linear.scatter [tilespmem:s22], [sflag:$0x8], $0x7D0, $0x38;
	[tilespmem:$0x91E8] =	vst v63  }
0x54: {  	_ =	swait.ge [sflag:s23], $0x7D0  }
0x55: {  	[sflag:s23] =	ssyncset.done $0x0  }
0x56: {  	[sflag:s23] =	ssyncadd.s32 $0xFFFFF830  }
0x57: {  	_ =	swait.ge @p0 [sflag:s16], $0x2700  }
0x58: {  	[sflag:s16] =	ssyncset.done @p0 $0x0  }
0x59: {  	[sflag:s16] =	ssyncadd.s32 @p0 $0xFFFFD900  }
0x5a: {  	_ =	swait.ge @p0 [sflag:s16], $0x2700  }
0x5b: {  	[sflag:s16] =	ssyncset.done @p0 $0x0  }
0x5c: {  	[sflag:s16] =	ssyncadd.s32 @p0 $0xFFFFD900  }
0x5d: {  	_ =	swait.ge @!p0 [sflag:s17], $0x2800  }
0x5e: {  	[sflag:s17] =	ssyncset.done @!p0 $0x0  }
0x5f: {  	[sflag:s17] =	ssyncadd.s32 @!p0 $0xFFFFD800  }
0x60: {  	_ =	swait.ge @!p0 [sflag:s17], $0x2800  }
0x61: {  	[sflag:s17] =	ssyncset.done @!p0 $0x0  }
0x62: {  	[sflag:s17] =	ssyncadd.s32 @!p0 $0xFFFFD800  }
0x63: {  	s17 =	simm.s32 $0x0;
	[bflag:$0x0] =	sbarrier.arrive $0xFFFF  }
0x64: {  	[tilespmem:s24], [sflag:$0x1] =	stream.linear.gather [hbm4b:s6+s17], $0x100, $0x38;
	[tilespmem:$0x91E8] =	vst v63  }
0x65: {  	s18 =	rddreg [dreg:$0x4]  }
0x66: {  	[tilespmem:s26], [sflag:$0x2] =	stream.linear.gather [hbm4b:s18+s17], $0x100, $0x38;
	[tilespmem:$0x91E8] =	vst v63  }
0x67: {  	_ =	swait.ge [sflag:s28], $0x100  }
0x68: {  	[sflag:s28] =	ssyncset.done $0x0  }
0x69: {  	[sflag:s28] =	ssyncadd.s32 $0xFFFFFF00  }
0x6a: {  	[spmem:s2] =	stream.indirect.scatter.add.f32 [tilespmem:s17], [sflag:$0x4], $0x10, s24, s29, $0xb8;
	[tilespmem:$0x91E8] =	vst v63  }
0x6b: {  	s16 =	simm.s32 $0x0;
	s19 =	rddreg [dreg:$0x5]  }
0x6c: {  	[tilespmem:s30], [sflag:$0x3] =	stream.linear.gather [hbm4b:s19+s17], $0x100, $0x38;
	[tilespmem:$0x91E8] =	vst v63  }
.LBB2_6:
0x6d: {  	_ =	swait.ge [sflag:s31], $0x100  }
0x6e: {  	p2 =	slt.u32 s17, s11;
	[sflag:s31] =	ssyncset.done $0x0  }
0x6f: {  	v2 =	vimm.s32 @!p2 $0x2710;
	[sflag:s31] =	ssyncadd.s32 $0xFFFFFF00  }
0x70: {  	[tilespmem:$0x68D0] =	vst @!p2 v2  }
0x71: {  	[tilespmem:$0x68E0] =	vst @!p2 v2  }
0x72: {  	[tilespmem:$0x68F0] =	vst @!p2 v2  }
0x73: {  	[tilespmem:$0x6900] =	vst @!p2 v2  }
0x74: {  	[tilespmem:$0x6910] =	vst @!p2 v2  }
0x75: {  	[tilespmem:$0x6920] =	vst @!p2 v2  }
0x76: {  	[tilespmem:$0x6930] =	vst @!p2 v2  }
0x77: {  	[tilespmem:$0x6940] =	vst @!p2 v2  }
0x78: {  	[tilespmem:$0x6950] =	vst @!p2 v2  }
0x79: {  	[tilespmem:$0x6960] =	vst @!p2 v2  }
0x7a: {  	[tilespmem:$0x6970] =	vst @!p2 v2  }
0x7b: {  	[tilespmem:$0x6980] =	vst @!p2 v2  }
0x7c: {  	[tilespmem:$0x6990] =	vst @!p2 v2  }
0x7d: {  	[tilespmem:$0x69A0] =	vst @!p2 v2  }
0x7e: {  	[tilespmem:$0x69B0] =	vst @!p2 v2  }
0x7f: {  	[tilespmem:$0x69C0] =	vst @!p2 v2  }
0x80: {  	[spmem:s2] =	stream.indirect.scatter.add.f32 [tilespmem:s3], [sflag:$0x5], $0x10, s26, s29, $0xb8;
	[tilespmem:$0x91E8] =	vst v63  }
0x81: {  	_ =	swait.ge [sflag:s1], $0x1000  }
0x82: {  	s18 =	sadd.s32 s16, s21;
	[sflag:s1] =	ssyncset.done $0x0  }
0x83: {  	s19 =	sadd.s32 $0x9CA0, s18;
	[sflag:s1] =	ssyncadd.s32 $0xFFFFF000  }
0x84: {  	[tilespmem:s24], [sflag:$0x1] =	stream.linear.gather [hbm4b:s19+s3], $0x100, $0x38;
	[tilespmem:$0x91E8] =	vst v63  }
0x85: {  	_ =	swait.ge [sflag:s0], $0x100  }
0x86: {  	p2 =	slt.u32 s17, s12;
	[sflag:s0] =	ssyncset.done $0x0  }
0x87: {  	v2 =	vimm.s32 @!p2 $0x2710;
	[sflag:s0] =	ssyncadd.s32 $0xFFFFFF00  }
0x88: {  	[tilespmem:$0x69D0] =	vst @!p2 v2  }
0x89: {  	[tilespmem:$0x69E0] =	vst @!p2 v2  }
0x8a: {  	[tilespmem:$0x69F0] =	vst @!p2 v2  }
0x8b: {  	[tilespmem:$0x6A00] =	vst @!p2 v2  }
0x8c: {  	[tilespmem:$0x6A10] =	vst @!p2 v2  }
0x8d: {  	[tilespmem:$0x6A20] =	vst @!p2 v2  }
0x8e: {  	[tilespmem:$0x6A30] =	vst @!p2 v2  }
0x8f: {  	[tilespmem:$0x6A40] =	vst @!p2 v2  }
0x90: {  	[tilespmem:$0x6A50] =	vst @!p2 v2  }
0x91: {  	[tilespmem:$0x6A60] =	vst @!p2 v2  }
0x92: {  	[tilespmem:$0x6A70] =	vst @!p2 v2  }
0x93: {  	[tilespmem:$0x6A80] =	vst @!p2 v2  }
0x94: {  	[tilespmem:$0x6A90] =	vst @!p2 v2  }
0x95: {  	[tilespmem:$0x6AA0] =	vst @!p2 v2  }
0x96: {  	[tilespmem:$0x6AB0] =	vst @!p2 v2  }
0x97: {  	[tilespmem:$0x6AC0] =	vst @!p2 v2  }
0x98: {  	[spmem:s2] =	stream.indirect.scatter.add.f32 [tilespmem:s3], [sflag:$0x6], $0x10, s30, s29, $0xb8;
	[tilespmem:$0x91E8] =	vst v63  }
0x99: {  	_ =	swait.ge [sflag:s9], $0x1000  }
0x9a: {  	[sflag:s9] =	ssyncset.done $0x0  }
0x9b: {  	s19 =	sadd.s32 $0x9CC0, s18;
	[sflag:s9] =	ssyncadd.s32 $0xFFFFF000  }
0x9c: {  	[tilespmem:s26], [sflag:$0x2] =	stream.linear.gather [hbm4b:s19+s3], $0x100, $0x38;
	[tilespmem:$0x91E8] =	vst v63  }
0x9d: {  	s17 =	sadd.s32 $0x3, s17;
	_ =	swait.ge [sflag:s28], $0x100  }
0x9e: {  	p2 =	slt.u32 s17, s4;
	[sflag:s28] =	ssyncset.done $0x0  }
0x9f: {  	v2 =	vimm.s32 @!p2 $0x2710;
	[sflag:s28] =	ssyncadd.s32 $0xFFFFFF00  }
0xa0: {  	[tilespmem:$0x67D0] =	vst @!p2 v2  }
0xa1: {  	[tilespmem:$0x67E0] =	vst @!p2 v2  }
0xa2: {  	[tilespmem:$0x67F0] =	vst @!p2 v2  }
0xa3: {  	[tilespmem:$0x6800] =	vst @!p2 v2  }
0xa4: {  	[tilespmem:$0x6810] =	vst @!p2 v2  }
0xa5: {  	[tilespmem:$0x6820] =	vst @!p2 v2  }
0xa6: {  	[tilespmem:$0x6830] =	vst @!p2 v2  }
0xa7: {  	[tilespmem:$0x6840] =	vst @!p2 v2  }
0xa8: {  	[tilespmem:$0x6850] =	vst @!p2 v2  }
0xa9: {  	[tilespmem:$0x6860] =	vst @!p2 v2  }
0xaa: {  	[tilespmem:$0x6870] =	vst @!p2 v2  }
0xab: {  	[tilespmem:$0x6880] =	vst @!p2 v2  }
0xac: {  	[tilespmem:$0x6890] =	vst @!p2 v2  }
0xad: {  	[tilespmem:$0x68A0] =	vst @!p2 v2  }
0xae: {  	s16 =	sadd.s32 $0x60, s16;
	[tilespmem:$0x68B0] =	vst @!p2 v2  }
0xaf: {  	[tilespmem:$0x68C0] =	vst @!p2 v2;
	p2 =	sne.s32 s16, $0x480  }
0xb0: {  	[spmem:s2] =	stream.indirect.scatter.add.f32 [tilespmem:s3], [sflag:$0x4], $0x10, s24, s29, $0xb8;
	[tilespmem:$0x91E8] =	vst v63  }
.Ltmp2:
0xb1: {  	_ = 	snop;
	(pc) =	sbr.rel @p2 .LBB2_6-.Ltmp2, $4  }
0xb2: {  	_ =	swait.ge [sflag:s10], $0x1000  }
0xb3: {  	[sflag:s10] =	ssyncset.done $0x0  }
0xb4: {  	s18 =	sadd.s32 $0x9CE0, s18;
	[sflag:s10] =	ssyncadd.s32 $0xFFFFF000  }
0xb5: {  	[tilespmem:s30], [sflag:$0x3] =	stream.linear.gather [hbm4b:s18+s3], $0x100, $0x38;
	[tilespmem:$0x91E8] =	vst v63  }
0xb6: {  	_ =	swait.ge [sflag:s31], $0x100  }
0xb7: {  	[sflag:s31] =	ssyncset.done $0x0  }
0xb8: {  	[sflag:s31] =	ssyncadd.s32 $0xFFFFFF00  }
0xb9: {  	[spmem:s2] =	stream.indirect.scatter.add.f32 [tilespmem:s3], [sflag:$0x5], $0x10, s26, s29, $0xb8;
	[tilespmem:$0x91E8] =	vst v63  }
0xba: {  	_ =	swait.ge [sflag:s1], $0x1000  }
0xbb: {  	[sflag:s1] =	ssyncset.done $0x0  }
0xbc: {  	[sflag:s1] =	ssyncadd.s32 $0xFFFFF000  }
0xbd: {  	[tilespmem:s24], [sflag:$0x1] =	stream.linear.gather [hbm4b:s13+s3], $0x100, $0x38;
	[tilespmem:$0x91E8] =	vst v63  }
0xbe: {  	_ =	swait.ge [sflag:s0], $0x100  }
0xbf: {  	[sflag:s0] =	ssyncset.done $0x0  }
0xc0: {  	[sflag:s0] =	ssyncadd.s32 $0xFFFFFF00  }
0xc1: {  	[spmem:s2] =	stream.indirect.scatter.add.f32 [tilespmem:s3], [sflag:$0x6], $0x10, s30, s29, $0xb8;
	[tilespmem:$0x91E8] =	vst v63  }
0xc2: {  	_ =	swait.ge [sflag:s9], $0x1000  }
0xc3: {  	[sflag:s9] =	ssyncset.done $0x0  }
0xc4: {  	[sflag:s9] =	ssyncadd.s32 $0xFFFFF000  }
0xc5: {  	[tilespmem:s26], [sflag:$0x2] =	stream.linear.gather [hbm4b:s13+s3], $0x100, $0x38;
	[tilespmem:$0x91E8] =	vst v63  }
0xc6: {  	_ =	swait.ge [sflag:s28], $0x100  }
0xc7: {  	[sflag:s28] =	ssyncset.done $0x0  }
0xc8: {  	v2 =	vimm.s32 @!p1 $0x2710;
	[sflag:s28] =	ssyncadd.s32 $0xFFFFFF00  }
0xc9: {  	[tilespmem:$0x67D0] =	vst @!p1 v2  }
0xca: {  	[tilespmem:$0x67E0] =	vst @!p1 v2  }
0xcb: {  	[tilespmem:$0x67F0] =	vst @!p1 v2  }
0xcc: {  	[tilespmem:$0x6800] =	vst @!p1 v2  }
0xcd: {  	[tilespmem:$0x6810] =	vst @!p1 v2  }
0xce: {  	[tilespmem:$0x6820] =	vst @!p1 v2  }
0xcf: {  	[tilespmem:$0x6830] =	vst @!p1 v2  }
0xd0: {  	[tilespmem:$0x6840] =	vst @!p1 v2  }
0xd1: {  	[tilespmem:$0x6850] =	vst @!p1 v2  }
0xd2: {  	[tilespmem:$0x6860] =	vst @!p1 v2  }
0xd3: {  	[tilespmem:$0x6870] =	vst @!p1 v2  }
0xd4: {  	[tilespmem:$0x6880] =	vst @!p1 v2  }
0xd5: {  	[tilespmem:$0x6890] =	vst @!p1 v2  }
0xd6: {  	[tilespmem:$0x68A0] =	vst @!p1 v2  }
0xd7: {  	[tilespmem:$0x68B0] =	vst @!p1 v2  }
0xd8: {  	[tilespmem:$0x68C0] =	vst @!p1 v2  }
0xd9: {  	[spmem:s2] =	stream.indirect.scatter.add.f32 [tilespmem:s3], [sflag:$0x4], $0x10, s24, s29, $0xb8;
	[tilespmem:$0x91E8] =	vst v63  }
0xda: {  	_ =	swait.ge [sflag:s10], $0x1000  }
0xdb: {  	[sflag:s10] =	ssyncset.done $0x0  }
0xdc: {  	[sflag:s10] =	ssyncadd.s32 $0xFFFFF000  }
0xdd: {  	_ =	swait.ge [sflag:s31], $0x100  }
0xde: {  	[sflag:s31] =	ssyncset.done $0x0  }
0xdf: {  	[sflag:s31] =	ssyncadd.s32 $0xFFFFFF00  }
0xe0: {  	_ =	swait.ge [sflag:s1], $0x1000  }
0xe1: {  	[sflag:s1] =	ssyncset.done $0x0  }
0xe2: {  	s16 =	stileid.u32;
	[sflag:s1] =	ssyncadd.s32 $0xFFFFF000  }
0xe3: {  	s16 =	sshll.u32 s16, $0x6;
	[bflag:$0x0] =	sbarrier.arrive $0xFFFF  }
0xe4: {  	s16 =	sor.u32 $0x1C08, s16;
	s17 =	rddreg [dreg:$0x6]  }
0xe5: {  	[hbm:s17], [sflag:s16] =	dma.local [spmem:s25], $0x4E2  }
0xe6: {  	_ =	swait.ge [sflag:s23], $0x4E2  }
0xe7: {  	s14 =	sadd.s32 $0x1, s14;
	s19 =	rddreg [dreg:$0x7]  }
0xe8: {  	p2 =	sne.s32 s14, s19  }
.Ltmp3:
0xe9: {  	_ = 	snop;
	(pc) =	sbr.rel @p2 .LBB2_1-.Ltmp3, $3  }
0xea: {  	_ =	sdelay $0x1  }
0xeb: {  	[sflag:s23] =	ssyncset.done $0x0  }
0xec: {  	[sflag:s23] =	ssyncadd.s32 $0xFFFFFB1E  }
0xed: {  	_ =	sfence.sel $0x180000  }
0xee: {  	[bflag:$0x0] =	sbarrier.arrive $0xFFFF  }
0xef: {  	_ =	strace $0x90000047  }
0xf0: {  	s0 =	stileid.u32;
	[bflag:$0x2] =	sbarrier.arrive $0xFFFF  }
0xf1: {  	p0 =	sne.s32 s0, $0x0;
	s0 =	rddreg [dreg:$0x3]  }
0xf2: {  	s0 =	sadd.s32 @!p0 $0x100000, s0  }
0xf3: {  	[sflag:s0] =	ssyncadd.tile.s32 @!p0 $0x1;
	_ =	shalt  }
.Lfunc_end2:
_tile_overlayer_lowered:
.L_overlay_start_2:
0xf4: {  	(tag) =	ssettag $0x2  }
0xf5: {  	s0 =	rddreg [dreg:$0x0];
	s2 =	stileid.u32  }
0xf6: {  	s1 =	rddreg [dreg:$0x1];
	p0 =	sne.s32 s2, $0x0  }
0xf7: {  	s3 =	rddreg [dreg:$0x2];
	[bflag:$0x3] =	sbarrier.arrive $0xFFFF;
	s2 =	simm.s32 @!p0 $0x1C08  }
0xf8: {  	[timem:s3], [sflag:s2] =	dma.local @!p0 [hbm:s0], s1  }
0xf9: {  	s0 =	simm.s32 @!p0 $0x8  }
0xfa: {  	_ =	swait.ge @!p0 [sflag:s0], s1  }
0xfb: {  	s1 =	ssub.s32 @!p0 $0x0, s1;
	[sflag:s0] =	ssyncset.done @!p0 $0x0  }
0xfc: {  	[sflag:s0] =	ssyncadd.s32 @!p0 s1  }
0xfd: {  	[bflag:$0x3] =	sbarrier.arrive $0xFFFF  }
0xfe: {  	_ =	shalt  }

</sc_bundles>
